<compile_context>
chip_gen: v7x
topology: tpu7x:2x2x1
jax: 0.10.2.dev20260603
libtpu: 0.0.44.dev20260713+nightly
codegen_flags: <defaults>
</compile_context>

<pallas_src>
import functools

import jax
import jax.numpy as jnp
from jax import lax
from jax.experimental import pallas as pl
from jax.experimental.pallas import tpu as pltpu
from jax.experimental.pallas import tpu_sc as plsc

HID = 128
CH = 125
NC = 2
NS = 16
_BN_EPS = 1e-5
_INV = (1.0 + _BN_EPS) ** -0.5


def _make_sc_aggr(N, E):
    NW = NC * NS
    EPW = E // NW
    NCH = EPW // CH
    NCHH = NCH // 2
    W = (N // NS // 8) * 8
    TAIL = N - W * NS
    ZR = 48
    mesh = plsc.VectorSubcoreMesh(core_axis_name="c", subcore_axis_name="s")

    @functools.partial(
        pl.kernel,
        mesh=mesh,
        out_type=jax.ShapeDtypeStruct((NC, N, HID), jnp.float32),
        scratch_types=[
            pltpu.VMEM((NCHH, CH), jnp.int32),
            pltpu.VMEM((NCHH, CH), jnp.int32),
            pltpu.VMEM((CH, HID), jnp.float32),
            pltpu.VMEM((CH, HID), jnp.float32),
            pltpu.VMEM((ZR, HID), jnp.float32),
            pltpu.VMEM_SHARED((N, HID), jnp.float32),
            pltpu.SemaphoreType.DMA,
            pltpu.SemaphoreType.DMA,
        ],
    )
    def aggr_k(h_hbm, src_hbm, dst_hbm, out_hbm,
               src_v, dst_v, rows_a, rows_b, zero_v, accum, sem_a, sem_b):
        cid = lax.axis_index("c")
        sid = lax.axis_index("s")
        wid = cid * NS + sid

        def zrow(i, carry):
            for k in range(HID // 16):
                zero_v[i, pl.ds(k * 16, 16)] = jnp.zeros((16,), jnp.float32)
            return carry
        lax.fori_loop(0, ZR, zrow, 0)
        for t in range(W // ZR):
            pltpu.sync_copy(zero_v, accum.at[pl.ds(sid * W + t * ZR, ZR)])
        if TAIL:
            @pl.when(sid == 0)
            def _():
                pltpu.sync_copy(zero_v.at[pl.ds(0, TAIL)],
                                accum.at[pl.ds(N - TAIL, TAIL)])

        plsc.subcore_barrier()

        assert NCHH % 2 == 0 and NCHH >= 4
        for half in range(2):
            pltpu.sync_copy(src_hbm.at[wid, pl.ds(half * NCHH, NCHH)], src_v)
            pltpu.sync_copy(dst_hbm.at[wid, pl.ds(half * NCHH, NCHH)], dst_v)
            pltpu.async_copy(h_hbm.at[src_v.at[0]], rows_a, sem_a)

            def pair(i, carry):
                j = 2 * i
                pltpu.async_copy(h_hbm.at[src_v.at[j + 1]], rows_b, sem_b)
                pltpu.make_async_copy(h_hbm.at[src_v.at[j]],
                                      rows_a, sem_a).wait()
                pltpu.sync_copy(rows_a, accum.at[dst_v.at[j]], add=True)

                @pl.when(j + 2 < NCHH)
                def _():
                    pltpu.async_copy(h_hbm.at[src_v.at[j + 2]], rows_a, sem_a)
                pltpu.make_async_copy(h_hbm.at[src_v.at[j + 1]],
                                      rows_b, sem_b).wait()
                pltpu.sync_copy(rows_b, accum.at[dst_v.at[j + 1]], add=True)
                return carry
            lax.fori_loop(0, NCHH // 2, pair, 0)

        plsc.subcore_barrier()
        pltpu.sync_copy(accum.at[pl.ds(sid * W, W)],
                        out_hbm.at[cid, pl.ds(sid * W, W)])
        if TAIL:
            @pl.when(sid == 0)
            def _():
                pltpu.sync_copy(accum.at[pl.ds(N - TAIL, TAIL)],
                                out_hbm.at[cid, pl.ds(N - TAIL, TAIL)])

    return aggr_k


def _dot_t(x, w):
    return lax.dot_general(x, w, (((1,), (1,)), ((), ())),
                           preferred_element_type=jnp.float32)


def _tc0_body(s_ref, emb_ref, h0_ref):
    s = s_ref[...][0]
    rb = s.shape[0]
    emb = emb_ref[...]
    h0 = (1.0 - s) * emb[0:1, :] + s * emb[1:2, :]
    h0_ref[...] = h0.reshape(1, rb, HID)


def _tc0(s3, emb):
    nb, rb = s3.shape[0], s3.shape[1]
    return pl.pallas_call(
        _tc0_body,
        grid=(nb,),
        in_specs=[
            pl.BlockSpec((1, rb, 1), lambda i: (i, 0, 0)),
            pl.BlockSpec((2, HID), lambda i: (0, 0)),
        ],
        out_specs=pl.BlockSpec((1, rb, HID), lambda i: (i, 0, 0)),
        out_shape=jax.ShapeDtypeStruct((nb, rb, HID), jnp.float32),
    )(s3, emb)


def _gin_mlp(z, w1, g1, b1, w2, g2, b2):
    t = _dot_t(z, w1)
    t = jnp.maximum(t * _INV * g1 + b1, 0.0)
    z2 = _dot_t(t, w2)
    return jnp.maximum(z2 * _INV * g2 + b2, 0.0)


def _tc1_body(h_ref, parts_ref, w1_ref, g1_ref, b1_ref,
              w2_ref, g2_ref, b2_ref, out_ref):
    h = h_ref[...][0]
    rb = h.shape[0]
    p = parts_ref[...]
    z = h + p[0, 0] + p[1, 0]
    out = _gin_mlp(z, w1_ref[...], g1_ref[...], b1_ref[...],
                   w2_ref[...], g2_ref[...], b2_ref[...])
    out_ref[...] = out.reshape(1, rb, HID)


def _tc1(h, parts, w1, g1, b1, w2, g2, b2):
    nb, rb = h.shape[0], h.shape[1]
    full = lambda shape: pl.BlockSpec(shape, lambda i: tuple(0 for _ in shape))
    return pl.pallas_call(
        _tc1_body,
        grid=(nb,),
        in_specs=[
            pl.BlockSpec((1, rb, HID), lambda i: (i, 0, 0)),
            pl.BlockSpec((NC, 1, rb, HID), lambda i: (0, i, 0, 0)),
            full((HID, HID)), full((1, HID)), full((1, HID)),
            full((HID, HID)), full((1, HID)), full((1, HID)),
        ],
        out_specs=pl.BlockSpec((1, rb, HID), lambda i: (i, 0, 0)),
        out_shape=jax.ShapeDtypeStruct((nb, rb, HID), jnp.float32),
    )(h, parts, w1, g1, b1, w2, g2, b2)


def _tc2_body(h0_ref, h1_ref, parts_ref, w1_ref, g1_ref, b1_ref,
              w2_ref, g2_ref, b2_ref, r0_ref, r1_ref, r2_ref,
              rb1_ref, rw2_ref, rb2_ref, sc_ref, pool_ref):
    h0 = h0_ref[...][0]
    h1 = h1_ref[...][0]
    rb = h1.shape[0]
    p = parts_ref[...]
    z = h1 + p[0, 0] + p[1, 0]
    h2 = _gin_mlp(z, w1_ref[...], g1_ref[...], b1_ref[...],
                  w2_ref[...], g2_ref[...], b2_ref[...])
    pre = (_dot_t(h0, r0_ref[...]) + _dot_t(h1, r1_ref[...])
           + _dot_t(h2, r2_ref[...]) + rb1_ref[...])
    pre = jnp.maximum(pre, 0.0)
    q = _dot_t(pre, rw2_ref[...])[:, 0:1] + rb2_ref[0, 0]
    sc_ref[...] = q.reshape(1, rb, 1)
    pool_ref[...] = jnp.max(q).reshape(1, 1, 1)


def _tc2(h0, h1, parts, w1, g1, b1, w2, g2, b2, r0, r1, r2, rb1, rw2, rb2):
    nb, rb = h1.shape[0], h1.shape[1]
    full = lambda shape: pl.BlockSpec(shape, lambda i: tuple(0 for _ in shape))
    return pl.pallas_call(
        _tc2_body,
        grid=(nb,),
        in_specs=[
            pl.BlockSpec((1, rb, HID), lambda i: (i, 0, 0)),
            pl.BlockSpec((1, rb, HID), lambda i: (i, 0, 0)),
            pl.BlockSpec((NC, 1, rb, HID), lambda i: (0, i, 0, 0)),
            full((HID, HID)), full((1, HID)), full((1, HID)),
            full((HID, HID)), full((1, HID)), full((1, HID)),
            full((HID, HID)), full((HID, HID)), full((HID, HID)),
            full((1, HID)), full((8, HID)), full((1, 1)),
        ],
        out_specs=[
            pl.BlockSpec((1, rb, 1), lambda i: (i, 0, 0)),
            pl.BlockSpec((1, 1, 1), lambda i: (i, 0, 0)),
        ],
        out_shape=[
            jax.ShapeDtypeStruct((nb, rb, 1), jnp.float32),
            jax.ShapeDtypeStruct((nb, 1, 1), jnp.float32),
        ],
    )(h0, h1, parts, w1, g1, b1, w2, g2, b2, r0, r1, r2, rb1, rw2, rb2)


def kernel(state, edge_index, params):
    b, npg = state.shape
    n = b * npg
    e = edge_index.shape[1]
    s3 = state.reshape(b, npg, 1).astype(jnp.float32)
    nw = NC * NS
    src2 = edge_index[0].reshape(nw, e // (nw * CH), CH)
    dst2 = edge_index[1].reshape(nw, e // (nw * CH), CH)

    l0, l1 = params["layers"][0], params["layers"][1]
    emb = params["emb"]
    row = lambda v: v.reshape(1, -1)
    sweep = _make_sc_aggr(n, e)

    h0 = _tc0(s3, emb)
    p0 = sweep(h0.reshape(n, HID), src2, dst2)
    h1 = _tc1(h0, p0.reshape(NC, b, npg, HID),
              l0["W1"], row(l0["bn1_g"]), row(l0["bn1_b"]),
              l0["W2"], row(l0["obn_g"]), row(l0["obn_b"]))
    p1 = sweep(h1.reshape(n, HID), src2, dst2)
    rw1 = params["r_W1"]
    scores3, pooled3 = _tc2(
        h0, h1, p1.reshape(NC, b, npg, HID),
        l1["W1"], row(l1["bn1_g"]), row(l1["bn1_b"]),
        l1["W2"], row(l1["obn_g"]), row(l1["obn_b"]),
        rw1[:, :HID], rw1[:, HID:2 * HID], rw1[:, 2 * HID:],
        row(params["r_b1"]), jnp.pad(params["r_W2"], ((0, 7), (0, 0))),
        params["r_b2"].reshape(1, 1))
    return scores3.reshape(b, npg), pooled3.reshape(b, 1)

# --- scband reference (transcript-rebuilt; emitter-appended) ---
"""Pipeline reference for scband-gin-12704513261596 (READ-ONLY COPY).

The authoritative reference and input builder live on the scoring server;
editing this copy changes nothing except your own understanding.
"""

import jax, jax.numpy as jnp
import numpy as np

HID = 128
B = 4
NPG = 2500
N = B * NPG
E = 320000
L = 2  # gfn_num_layers - 1 GIN layers
BN_EPS = 1e-5


def _bn_eval(x, g, b):
    # BatchNorm1d in eval mode with running_mean=0, running_var=1
    return (x / jnp.sqrt(1.0 + BN_EPS)) * g + b


def setup_inputs(seed: int = 0) -> dict:
    key = jax.random.key(seed)
    ks = [jax.random.fold_in(key, i) for i in range(40)]
    state = jax.random.randint(ks[0], (B, NPG), 0, 2, dtype=jnp.int32)
    edge_index = jax.random.randint(ks[1], (2, E), 0, N, dtype=jnp.int32)

    def nrm(k, shape, scale=0.05):
        return jax.random.normal(k, shape, dtype=jnp.float32) * scale

    layers = []
    for i in range(L):
        layers.append({
            "W1": nrm(ks[3 + 6 * i], (HID, HID)),
            "bn1_g": jnp.ones((HID,), dtype=jnp.float32),
            "bn1_b": jnp.zeros((HID,), dtype=jnp.float32),
            "W2": nrm(ks[4 + 6 * i], (HID, HID)),
            "obn_g": jnp.ones((HID,), dtype=jnp.float32),
            "obn_b": jnp.zeros((HID,), dtype=jnp.float32),
        })
    params = {
        "emb": nrm(ks[2], (2, HID)),
        "layers": layers,
        "r_W1": nrm(ks[20], (HID, (L + 1) * HID)),
        "r_b1": jnp.zeros((HID,), dtype=jnp.float32),
        "r_W2": nrm(ks[21], (1, HID)),
        "r_b2": jnp.zeros((1,), dtype=jnp.float32),
    }
    return {"state": state, "edge_index": edge_index, "params": params}


def reference(state, edge_index, params):
    # embedding lookup (SparseCore gather)
    h = params["emb"][state]  # [B, NPG, HID]
    h = h.reshape(-1, HID)    # [N, HID]
    graph_batch = jnp.repeat(jnp.arange(B), NPG)
    hidden_rep = [h]
    src = edge_index[0]
    dst = edge_index[1]
    for lp in params["layers"]:
        # GINConv: out_i = MLP((1+eps)*x_i + sum_{j->i} x_j), eps=0.0
        msgs = h[src]  # gather
        aggr = jnp.zeros_like(h).at[dst].add(msgs)  # scatter-add
        z = h + aggr
        z = z @ lp["W1"].T
        z = jax.nn.relu(_bn_eval(z, lp["bn1_g"], lp["bn1_b"]))
        z = z @ lp["W2"].T
        # outer batch norm + relu
        z = jax.nn.relu(_bn_eval(z, lp["obn_g"], lp["obn_b"]))
        h = z
        hidden_rep.append(h)
    cat = jnp.concatenate(hidden_rep, axis=-1)  # [N, 3*HID]
    s = jax.nn.relu(cat @ params["r_W1"].T + params["r_b1"]) @ params["r_W2"].T + params["r_b2"]  # [N, 1]
    scores = s.reshape(B, -1)  # [B, NPG]
    pooled = jax.ops.segment_max(s, graph_batch, num_segments=B)  # [B, 1] global_max_pool
    return scores, pooled

if __name__ == "__main__":
    import jax
    _d = setup_inputs()
    print(jax.jit(kernel)(*tuple(_d.values())))

</pallas_src>

<mosaic_0001>
#map = affine_map<(d0, d1) -> (0, 0)>
#map1 = affine_map<(d0, d1) -> (0, 0, 0)>
module attributes {stable_mosaic.version = 14 : i64} {
  func.func @aggr_k(%arg0: i32, %arg1: i32, %arg2: memref<10000x128xf32, #tpu.memory_space<hbm>>, %arg3: memref<32x80x125xi32, #tpu.memory_space<hbm>>, %arg4: memref<32x80x125xi32, #tpu.memory_space<hbm>>, %arg5: memref<2x10000x128xf32, #tpu.memory_space<hbm>>, %arg6: memref<40x125xi32, #tpu.memory_space<vmem>>, %arg7: memref<40x125xi32, #tpu.memory_space<vmem>>, %arg8: memref<125x128xf32, #tpu.memory_space<vmem>>, %arg9: memref<125x128xf32, #tpu.memory_space<vmem>>, %arg10: memref<48x128xf32, #tpu.memory_space<vmem>>, %arg11: memref<10000x128xf32, #tpu.memory_space<vmem_shared>>, %arg12: memref<!tpu.dma_semaphore, #tpu.memory_space<semaphore_mem>>, %arg13: memref<!tpu.dma_semaphore, #tpu.memory_space<semaphore_mem>>) attributes {dimension_semantics = [#tpu.dimension_semantics<core_parallel>, #tpu.dimension_semantics<subcore_parallel>], iteration_bounds = array<i64: 2, 16>, scalar_prefetch = 0 : i64, scratch_operands = 8 : i64, tpu.core_type = #tpu.core_type<sc_vector_subcore>, window_params = [{transform_indices = #map}, {transform_indices = #map1}, {transform_indices = #map1}, {transform_indices = #map1}]} {
    %mul3A = arith.constant 16 : i32
    %mul3A_0 = arith.muli %arg0, %mul3A : i32
    %add3A = arith.addi %mul3A_0, %arg1 : i32
    %scan3A = arith.constant 0 : i32
    %scan3A_1 = arith.constant 0 : i32
    %scan3A_2 = arith.constant 48 : i32
    %scan3A_3 = arith.addi %scan3A_1, %scan3A_2 : i32
    %scan3A_4 = arith.constant 1 : i32
    scf.for %scan3A_95 = %scan3A_1 to %scan3A_3 step %scan3A_4  : i32 {
      %broadcast_in_dim3A = arith.constant 0.000000e+00 : f32
      %broadcast_in_dim3A_96 = vector.broadcast %broadcast_in_dim3A : f32 to vector<16xf32>
      %swap3A = arith.index_cast %scan3A_95 : i32 to index
      %swap3A_97 = arith.constant 0 : index
      %swap3A_98 = tpu.vector_load %arg10[%swap3A, %swap3A_97] {strides = array<i32>} : memref<48x128xf32, #tpu.memory_space<vmem>>, vector<1x16xf32>,
      %swap3A_99 = vector.shape_cast %swap3A_98 : vector<1x16xf32> to vector<16xf32>
      %swap3A_100 = vector.shape_cast %broadcast_in_dim3A_96 : vector<16xf32> to vector<1x16xf32>
      tpu.vector_store %arg10[%swap3A, %swap3A_97], %swap3A_100 {strides = array<i32>} : memref<48x128xf32, #tpu.memory_space<vmem>>, vector<1x16xf32>,
      %broadcast_in_dim3A_101 = arith.constant 0.000000e+00 : f32
      %broadcast_in_dim3A_102 = vector.broadcast %broadcast_in_dim3A_101 : f32 to vector<16xf32>
      %swap3A_103 = arith.index_cast %scan3A_95 : i32 to index
      %swap3A_104 = arith.constant 16 : index
      %swap3A_105 = tpu.vector_load %arg10[%swap3A_103, %swap3A_104] {strides = array<i32>} : memref<48x128xf32, #tpu.memory_space<vmem>>, vector<1x16xf32>,
      %swap3A_106 = vector.shape_cast %swap3A_105 : vector<1x16xf32> to vector<16xf32>
      %swap3A_107 = vector.shape_cast %broadcast_in_dim3A_102 : vector<16xf32> to vector<1x16xf32>
      tpu.vector_store %arg10[%swap3A_103, %swap3A_104], %swap3A_107 {strides = array<i32>} : memref<48x128xf32, #tpu.memory_space<vmem>>, vector<1x16xf32>,
      %broadcast_in_dim3A_108 = arith.constant 0.000000e+00 : f32
      %broadcast_in_dim3A_109 = vector.broadcast %broadcast_in_dim3A_108 : f32 to vector<16xf32>
      %swap3A_110 = arith.index_cast %scan3A_95 : i32 to index
      %swap3A_111 = arith.constant 32 : index
      %swap3A_112 = tpu.vector_load %arg10[%swap3A_110, %swap3A_111] {strides = array<i32>} : memref<48x128xf32, #tpu.memory_space<vmem>>, vector<1x16xf32>,
      %swap3A_113 = vector.shape_cast %swap3A_112 : vector<1x16xf32> to vector<16xf32>
      %swap3A_114 = vector.shape_cast %broadcast_in_dim3A_109 : vector<16xf32> to vector<1x16xf32>
      tpu.vector_store %arg10[%swap3A_110, %swap3A_111], %swap3A_114 {strides = array<i32>} : memref<48x128xf32, #tpu.memory_space<vmem>>, vector<1x16xf32>,
      %broadcast_in_dim3A_115 = arith.constant 0.000000e+00 : f32
      %broadcast_in_dim3A_116 = vector.broadcast %broadcast_in_dim3A_115 : f32 to vector<16xf32>
      %swap3A_117 = arith.index_cast %scan3A_95 : i32 to index
      %swap3A_118 = arith.constant 48 : index
      %swap3A_119 = tpu.vector_load %arg10[%swap3A_117, %swap3A_118] {strides = array<i32>} : memref<48x128xf32, #tpu.memory_space<vmem>>, vector<1x16xf32>,
      %swap3A_120 = vector.shape_cast %swap3A_119 : vector<1x16xf32> to vector<16xf32>
      %swap3A_121 = vector.shape_cast %broadcast_in_dim3A_116 : vector<16xf32> to vector<1x16xf32>
      tpu.vector_store %arg10[%swap3A_117, %swap3A_118], %swap3A_121 {strides = array<i32>} : memref<48x128xf32, #tpu.memory_space<vmem>>, vector<1x16xf32>,
      %broadcast_in_dim3A_122 = arith.constant 0.000000e+00 : f32
      %broadcast_in_dim3A_123 = vector.broadcast %broadcast_in_dim3A_122 : f32 to vector<16xf32>
      %swap3A_124 = arith.index_cast %scan3A_95 : i32 to index
      %swap3A_125 = arith.constant 64 : index
      %swap3A_126 = tpu.vector_load %arg10[%swap3A_124, %swap3A_125] {strides = array<i32>} : memref<48x128xf32, #tpu.memory_space<vmem>>, vector<1x16xf32>,
      %swap3A_127 = vector.shape_cast %swap3A_126 : vector<1x16xf32> to vector<16xf32>
      %swap3A_128 = vector.shape_cast %broadcast_in_dim3A_123 : vector<16xf32> to vector<1x16xf32>
      tpu.vector_store %arg10[%swap3A_124, %swap3A_125], %swap3A_128 {strides = array<i32>} : memref<48x128xf32, #tpu.memory_space<vmem>>, vector<1x16xf32>,
      %broadcast_in_dim3A_129 = arith.constant 0.000000e+00 : f32
      %broadcast_in_dim3A_130 = vector.broadcast %broadcast_in_dim3A_129 : f32 to vector<16xf32>
      %swap3A_131 = arith.index_cast %scan3A_95 : i32 to index
      %swap3A_132 = arith.constant 80 : index
      %swap3A_133 = tpu.vector_load %arg10[%swap3A_131, %swap3A_132] {strides = array<i32>} : memref<48x128xf32, #tpu.memory_space<vmem>>, vector<1x16xf32>,
      %swap3A_134 = vector.shape_cast %swap3A_133 : vector<1x16xf32> to vector<16xf32>
      %swap3A_135 = vector.shape_cast %broadcast_in_dim3A_130 : vector<16xf32> to vector<1x16xf32>
      tpu.vector_store %arg10[%swap3A_131, %swap3A_132], %swap3A_135 {strides = array<i32>} : memref<48x128xf32, #tpu.memory_space<vmem>>, vector<1x16xf32>,
      %broadcast_in_dim3A_136 = arith.constant 0.000000e+00 : f32
      %broadcast_in_dim3A_137 = vector.broadcast %broadcast_in_dim3A_136 : f32 to vector<16xf32>
      %swap3A_138 = arith.index_cast %scan3A_95 : i32 to index
      %swap3A_139 = arith.constant 96 : index
      %swap3A_140 = tpu.vector_load %arg10[%swap3A_138, %swap3A_139] {strides = array<i32>} : memref<48x128xf32, #tpu.memory_space<vmem>>, vector<1x16xf32>,
      %swap3A_141 = vector.shape_cast %swap3A_140 : vector<1x16xf32> to vector<16xf32>
      %swap3A_142 = vector.shape_cast %broadcast_in_dim3A_137 : vector<16xf32> to vector<1x16xf32>
      tpu.vector_store %arg10[%swap3A_138, %swap3A_139], %swap3A_142 {strides = array<i32>} : memref<48x128xf32, #tpu.memory_space<vmem>>, vector<1x16xf32>,
      %broadcast_in_dim3A_143 = arith.constant 0.000000e+00 : f32
      %broadcast_in_dim3A_144 = vector.broadcast %broadcast_in_dim3A_143 : f32 to vector<16xf32>
      %swap3A_145 = arith.index_cast %scan3A_95 : i32 to index
      %swap3A_146 = arith.constant 112 : index
      %swap3A_147 = tpu.vector_load %arg10[%swap3A_145, %swap3A_146] {strides = array<i32>} : memref<48x128xf32, #tpu.memory_space<vmem>>, vector<1x16xf32>,
      %swap3A_148 = vector.shape_cast %swap3A_147 : vector<1x16xf32> to vector<16xf32>
      %swap3A_149 = vector.shape_cast %broadcast_in_dim3A_144 : vector<16xf32> to vector<1x16xf32>
      tpu.vector_store %arg10[%swap3A_145, %swap3A_146], %swap3A_149 {strides = array<i32>} : memref<48x128xf32, #tpu.memory_space<vmem>>, vector<1x16xf32>,
    }
    %scan3A_5 = arith.constant 48 : i32
    %mul3A_6 = arith.constant 624 : i32
    %mul3A_7 = arith.muli %arg1, %mul3A_6 : i32
    %add3A_8 = arith.constant 0 : i32
    %add3A_9 = arith.addi %mul3A_7, %add3A_8 : i32
    "tpu.region"() ({
      %run_scoped3A = tpu.sem_alloc : memref<!tpu.dma_semaphore, #tpu.memory_space<semaphore_mem>>
      %dma_start3A_95 = arith.constant 0 : i32
      %dma_start3A_96 = tpu.memref_slice %arg11[%add3A_9, %dma_start3A_95] : memref<10000x128xf32, #tpu.memory_space<vmem_shared>> -> memref<48x128xf32, #tpu.memory_space<vmem_shared>>
      %dma_start3A_97 = arith.constant 0 : i32
      %dma_start3A_98 = tpu.memref_slice %arg11[%add3A_9, %dma_start3A_97] : memref<10000x128xf32, #tpu.memory_space<vmem_shared>> -> memref<48x128xf32, #tpu.memory_space<vmem_shared>>
      tpu.enqueue_dma source(%arg10 : memref<48x128xf32, #tpu.memory_space<vmem>>) target(%dma_start3A_98 : memref<48x128xf32, #tpu.memory_space<vmem_shared>>) target_semaphore(%run_scoped3A : memref<!tpu.dma_semaphore, #tpu.memory_space<semaphore_mem>>)
      %dma_wait3A = arith.constant 0 : i32
      %dma_wait3A_99 = tpu.memref_slice %arg11[%add3A_9, %dma_wait3A] : memref<10000x128xf32, #tpu.memory_space<vmem_shared>> -> memref<48x128xf32, #tpu.memory_space<vmem_shared>>
      %dma_wait3A_100 = arith.constant 0 : i32
      %dma_wait3A_101 = tpu.memref_slice %arg11[%add3A_9, %dma_wait3A_100] : memref<10000x128xf32, #tpu.memory_space<vmem_shared>> -> memref<48x128xf32, #tpu.memory_space<vmem_shared>>
      tpu.wait_dma2 semaphore(%run_scoped3A : memref<!tpu.dma_semaphore, #tpu.memory_space<semaphore_mem>>) src(%arg10 : memref<48x128xf32, #tpu.memory_space<vmem>>) dst(%dma_wait3A_101 : memref<48x128xf32, #tpu.memory_space<vmem_shared>>)
      tpu.yield
    }) : () -> ()
    %mul3A_10 = arith.constant 624 : i32
    %mul3A_11 = arith.muli %arg1, %mul3A_10 : i32
    %add3A_12 = arith.constant 48 : i32
    %add3A_13 = arith.addi %mul3A_11, %add3A_12 : i32
    "tpu.region"() ({
      %run_scoped3A = tpu.sem_alloc : memref<!tpu.dma_semaphore, #tpu.memory_space<semaphore_mem>>
      %dma_start3A_95 = arith.constant 0 : i32
      %dma_start3A_96 = tpu.memref_slice %arg11[%add3A_13, %dma_start3A_95] : memref<10000x128xf32, #tpu.memory_space<vmem_shared>> -> memref<48x128xf32, #tpu.memory_space<vmem_shared>>
      %dma_start3A_97 = arith.constant 0 : i32
      %dma_start3A_98 = tpu.memref_slice %arg11[%add3A_13, %dma_start3A_97] : memref<10000x128xf32, #tpu.memory_space<vmem_shared>> -> memref<48x128xf32, #tpu.memory_space<vmem_shared>>
      tpu.enqueue_dma source(%arg10 : memref<48x128xf32, #tpu.memory_space<vmem>>) target(%dma_start3A_98 : memref<48x128xf32, #tpu.memory_space<vmem_shared>>) target_semaphore(%run_scoped3A : memref<!tpu.dma_semaphore, #tpu.memory_space<semaphore_mem>>)
      %dma_wait3A = arith.constant 0 : i32
      %dma_wait3A_99 = tpu.memref_slice %arg11[%add3A_13, %dma_wait3A] : memref<10000x128xf32, #tpu.memory_space<vmem_shared>> -> memref<48x128xf32, #tpu.memory_space<vmem_shared>>
      %dma_wait3A_100 = arith.constant 0 : i32
      %dma_wait3A_101 = tpu.memref_slice %arg11[%add3A_13, %dma_wait3A_100] : memref<10000x128xf32, #tpu.memory_space<vmem_shared>> -> memref<48x128xf32, #tpu.memory_space<vmem_shared>>
      tpu.wait_dma2 semaphore(%run_scoped3A : memref<!tpu.dma_semaphore, #tpu.memory_space<semaphore_mem>>) src(%arg10 : memref<48x128xf32, #tpu.memory_space<vmem>>) dst(%dma_wait3A_101 : memref<48x128xf32, #tpu.memory_space<vmem_shared>>)
      tpu.yield
    }) : () -> ()
    %mul3A_14 = arith.constant 624 : i32
    %mul3A_15 = arith.muli %arg1, %mul3A_14 : i32
    %add3A_16 = arith.constant 96 : i32
    %add3A_17 = arith.addi %mul3A_15, %add3A_16 : i32
    "tpu.region"() ({
      %run_scoped3A = tpu.sem_alloc : memref<!tpu.dma_semaphore, #tpu.memory_space<semaphore_mem>>
      %dma_start3A_95 = arith.constant 0 : i32
      %dma_start3A_96 = tpu.memref_slice %arg11[%add3A_17, %dma_start3A_95] : memref<10000x128xf32, #tpu.memory_space<vmem_shared>> -> memref<48x128xf32, #tpu.memory_space<vmem_shared>>
      %dma_start3A_97 = arith.constant 0 : i32
      %dma_start3A_98 = tpu.memref_slice %arg11[%add3A_17, %dma_start3A_97] : memref<10000x128xf32, #tpu.memory_space<vmem_shared>> -> memref<48x128xf32, #tpu.memory_space<vmem_shared>>
      tpu.enqueue_dma source(%arg10 : memref<48x128xf32, #tpu.memory_space<vmem>>) target(%dma_start3A_98 : memref<48x128xf32, #tpu.memory_space<vmem_shared>>) target_semaphore(%run_scoped3A : memref<!tpu.dma_semaphore, #tpu.memory_space<semaphore_mem>>)
      %dma_wait3A = arith.constant 0 : i32
      %dma_wait3A_99 = tpu.memref_slice %arg11[%add3A_17, %dma_wait3A] : memref<10000x128xf32, #tpu.memory_space<vmem_shared>> -> memref<48x128xf32, #tpu.memory_space<vmem_shared>>
      %dma_wait3A_100 = arith.constant 0 : i32
      %dma_wait3A_101 = tpu.memref_slice %arg11[%add3A_17, %dma_wait3A_100] : memref<10000x128xf32, #tpu.memory_space<vmem_shared>> -> memref<48x128xf32, #tpu.memory_space<vmem_shared>>
      tpu.wait_dma2 semaphore(%run_scoped3A : memref<!tpu.dma_semaphore, #tpu.memory_space<semaphore_mem>>) src(%arg10 : memref<48x128xf32, #tpu.memory_space<vmem>>) dst(%dma_wait3A_101 : memref<48x128xf32, #tpu.memory_space<vmem_shared>>)
      tpu.yield
    }) : () -> ()
    %mul3A_18 = arith.constant 624 : i32
    %mul3A_19 = arith.muli %arg1, %mul3A_18 : i32
    %add3A_20 = arith.constant 144 : i32
    %add3A_21 = arith.addi %mul3A_19, %add3A_20 : i32
    "tpu.region"() ({
      %run_scoped3A = tpu.sem_alloc : memref<!tpu.dma_semaphore, #tpu.memory_space<semaphore_mem>>
      %dma_start3A_95 = arith.constant 0 : i32
      %dma_start3A_96 = tpu.memref_slice %arg11[%add3A_21, %dma_start3A_95] : memref<10000x128xf32, #tpu.memory_space<vmem_shared>> -> memref<48x128xf32, #tpu.memory_space<vmem_shared>>
      %dma_start3A_97 = arith.constant 0 : i32
      %dma_start3A_98 = tpu.memref_slice %arg11[%add3A_21, %dma_start3A_97] : memref<10000x128xf32, #tpu.memory_space<vmem_shared>> -> memref<48x128xf32, #tpu.memory_space<vmem_shared>>
      tpu.enqueue_dma source(%arg10 : memref<48x128xf32, #tpu.memory_space<vmem>>) target(%dma_start3A_98 : memref<48x128xf32, #tpu.memory_space<vmem_shared>>) target_semaphore(%run_scoped3A : memref<!tpu.dma_semaphore, #tpu.memory_space<semaphore_mem>>)
      %dma_wait3A = arith.constant 0 : i32
      %dma_wait3A_99 = tpu.memref_slice %arg11[%add3A_21, %dma_wait3A] : memref<10000x128xf32, #tpu.memory_space<vmem_shared>> -> memref<48x128xf32, #tpu.memory_space<vmem_shared>>
      %dma_wait3A_100 = arith.constant 0 : i32
      %dma_wait3A_101 = tpu.memref_slice %arg11[%add3A_21, %dma_wait3A_100] : memref<10000x128xf32, #tpu.memory_space<vmem_shared>> -> memref<48x128xf32, #tpu.memory_space<vmem_shared>>
      tpu.wait_dma2 semaphore(%run_scoped3A : memref<!tpu.dma_semaphore, #tpu.memory_space<semaphore_mem>>) src(%arg10 : memref<48x128xf32, #tpu.memory_space<vmem>>) dst(%dma_wait3A_101 : memref<48x128xf32, #tpu.memory_space<vmem_shared>>)
      tpu.yield
    }) : () -> ()
    %mul3A_22 = arith.constant 624 : i32
    %mul3A_23 = arith.muli %arg1, %mul3A_22 : i32
    %add3A_24 = arith.constant 192 : i32
    %add3A_25 = arith.addi %mul3A_23, %add3A_24 : i32
    "tpu.region"() ({
      %run_scoped3A = tpu.sem_alloc : memref<!tpu.dma_semaphore, #tpu.memory_space<semaphore_mem>>
      %dma_start3A_95 = arith.constant 0 : i32
      %dma_start3A_96 = tpu.memref_slice %arg11[%add3A_25, %dma_start3A_95] : memref<10000x128xf32, #tpu.memory_space<vmem_shared>> -> memref<48x128xf32, #tpu.memory_space<vmem_shared>>
      %dma_start3A_97 = arith.constant 0 : i32
      %dma_start3A_98 = tpu.memref_slice %arg11[%add3A_25, %dma_start3A_97] : memref<10000x128xf32, #tpu.memory_space<vmem_shared>> -> memref<48x128xf32, #tpu.memory_space<vmem_shared>>
      tpu.enqueue_dma source(%arg10 : memref<48x128xf32, #tpu.memory_space<vmem>>) target(%dma_start3A_98 : memref<48x128xf32, #tpu.memory_space<vmem_shared>>) target_semaphore(%run_scoped3A : memref<!tpu.dma_semaphore, #tpu.memory_space<semaphore_mem>>)
      %dma_wait3A = arith.constant 0 : i32
      %dma_wait3A_99 = tpu.memref_slice %arg11[%add3A_25, %dma_wait3A] : memref<10000x128xf32, #tpu.memory_space<vmem_shared>> -> memref<48x128xf32, #tpu.memory_space<vmem_shared>>
      %dma_wait3A_100 = arith.constant 0 : i32
      %dma_wait3A_101 = tpu.memref_slice %arg11[%add3A_25, %dma_wait3A_100] : memref<10000x128xf32, #tpu.memory_space<vmem_shared>> -> memref<48x128xf32, #tpu.memory_space<vmem_shared>>
      tpu.wait_dma2 semaphore(%run_scoped3A : memref<!tpu.dma_semaphore, #tpu.memory_space<semaphore_mem>>) src(%arg10 : memref<48x128xf32, #tpu.memory_space<vmem>>) dst(%dma_wait3A_101 : memref<48x128xf32, #tpu.memory_space<vmem_shared>>)
      tpu.yield
    }) : () -> ()
    %mul3A_26 = arith.constant 624 : i32
    %mul3A_27 = arith.muli %arg1, %mul3A_26 : i32
    %add3A_28 = arith.constant 240 : i32
    %add3A_29 = arith.addi %mul3A_27, %add3A_28 : i32
    "tpu.region"() ({
      %run_scoped3A = tpu.sem_alloc : memref<!tpu.dma_semaphore, #tpu.memory_space<semaphore_mem>>
      %dma_start3A_95 = arith.constant 0 : i32
      %dma_start3A_96 = tpu.memref_slice %arg11[%add3A_29, %dma_start3A_95] : memref<10000x128xf32, #tpu.memory_space<vmem_shared>> -> memref<48x128xf32, #tpu.memory_space<vmem_shared>>
      %dma_start3A_97 = arith.constant 0 : i32
      %dma_start3A_98 = tpu.memref_slice %arg11[%add3A_29, %dma_start3A_97] : memref<10000x128xf32, #tpu.memory_space<vmem_shared>> -> memref<48x128xf32, #tpu.memory_space<vmem_shared>>
      tpu.enqueue_dma source(%arg10 : memref<48x128xf32, #tpu.memory_space<vmem>>) target(%dma_start3A_98 : memref<48x128xf32, #tpu.memory_space<vmem_shared>>) target_semaphore(%run_scoped3A : memref<!tpu.dma_semaphore, #tpu.memory_space<semaphore_mem>>)
      %dma_wait3A = arith.constant 0 : i32
      %dma_wait3A_99 = tpu.memref_slice %arg11[%add3A_29, %dma_wait3A] : memref<10000x128xf32, #tpu.memory_space<vmem_shared>> -> memref<48x128xf32, #tpu.memory_space<vmem_shared>>
      %dma_wait3A_100 = arith.constant 0 : i32
      %dma_wait3A_101 = tpu.memref_slice %arg11[%add3A_29, %dma_wait3A_100] : memref<10000x128xf32, #tpu.memory_space<vmem_shared>> -> memref<48x128xf32, #tpu.memory_space<vmem_shared>>
      tpu.wait_dma2 semaphore(%run_scoped3A : memref<!tpu.dma_semaphore, #tpu.memory_space<semaphore_mem>>) src(%arg10 : memref<48x128xf32, #tpu.memory_space<vmem>>) dst(%dma_wait3A_101 : memref<48x128xf32, #tpu.memory_space<vmem_shared>>)
      tpu.yield
    }) : () -> ()
    %mul3A_30 = arith.constant 624 : i32
    %mul3A_31 = arith.muli %arg1, %mul3A_30 : i32
    %add3A_32 = arith.constant 288 : i32
    %add3A_33 = arith.addi %mul3A_31, %add3A_32 : i32
    "tpu.region"() ({
      %run_scoped3A = tpu.sem_alloc : memref<!tpu.dma_semaphore, #tpu.memory_space<semaphore_mem>>
      %dma_start3A_95 = arith.constant 0 : i32
      %dma_start3A_96 = tpu.memref_slice %arg11[%add3A_33, %dma_start3A_95] : memref<10000x128xf32, #tpu.memory_space<vmem_shared>> -> memref<48x128xf32, #tpu.memory_space<vmem_shared>>
      %dma_start3A_97 = arith.constant 0 : i32
      %dma_start3A_98 = tpu.memref_slice %arg11[%add3A_33, %dma_start3A_97] : memref<10000x128xf32, #tpu.memory_space<vmem_shared>> -> memref<48x128xf32, #tpu.memory_space<vmem_shared>>
      tpu.enqueue_dma source(%arg10 : memref<48x128xf32, #tpu.memory_space<vmem>>) target(%dma_start3A_98 : memref<48x128xf32, #tpu.memory_space<vmem_shared>>) target_semaphore(%run_scoped3A : memref<!tpu.dma_semaphore, #tpu.memory_space<semaphore_mem>>)
      %dma_wait3A = arith.constant 0 : i32
      %dma_wait3A_99 = tpu.memref_slice %arg11[%add3A_33, %dma_wait3A] : memref<10000x128xf32, #tpu.memory_space<vmem_shared>> -> memref<48x128xf32, #tpu.memory_space<vmem_shared>>
      %dma_wait3A_100 = arith.constant 0 : i32
      %dma_wait3A_101 = tpu.memref_slice %arg11[%add3A_33, %dma_wait3A_100] : memref<10000x128xf32, #tpu.memory_space<vmem_shared>> -> memref<48x128xf32, #tpu.memory_space<vmem_shared>>
      tpu.wait_dma2 semaphore(%run_scoped3A : memref<!tpu.dma_semaphore, #tpu.memory_space<semaphore_mem>>) src(%arg10 : memref<48x128xf32, #tpu.memory_space<vmem>>) dst(%dma_wait3A_101 : memref<48x128xf32, #tpu.memory_space<vmem_shared>>)
      tpu.yield
    }) : () -> ()
    %mul3A_34 = arith.constant 624 : i32
    %mul3A_35 = arith.muli %arg1, %mul3A_34 : i32
    %add3A_36 = arith.constant 336 : i32
    %add3A_37 = arith.addi %mul3A_35, %add3A_36 : i32
    "tpu.region"() ({
      %run_scoped3A = tpu.sem_alloc : memref<!tpu.dma_semaphore, #tpu.memory_space<semaphore_mem>>
      %dma_start3A_95 = arith.constant 0 : i32
      %dma_start3A_96 = tpu.memref_slice %arg11[%add3A_37, %dma_start3A_95] : memref<10000x128xf32, #tpu.memory_space<vmem_shared>> -> memref<48x128xf32, #tpu.memory_space<vmem_shared>>
      %dma_start3A_97 = arith.constant 0 : i32
      %dma_start3A_98 = tpu.memref_slice %arg11[%add3A_37, %dma_start3A_97] : memref<10000x128xf32, #tpu.memory_space<vmem_shared>> -> memref<48x128xf32, #tpu.memory_space<vmem_shared>>
      tpu.enqueue_dma source(%arg10 : memref<48x128xf32, #tpu.memory_space<vmem>>) target(%dma_start3A_98 : memref<48x128xf32, #tpu.memory_space<vmem_shared>>) target_semaphore(%run_scoped3A : memref<!tpu.dma_semaphore, #tpu.memory_space<semaphore_mem>>)
      %dma_wait3A = arith.constant 0 : i32
      %dma_wait3A_99 = tpu.memref_slice %arg11[%add3A_37, %dma_wait3A] : memref<10000x128xf32, #tpu.memory_space<vmem_shared>> -> memref<48x128xf32, #tpu.memory_space<vmem_shared>>
      %dma_wait3A_100 = arith.constant 0 : i32
      %dma_wait3A_101 = tpu.memref_slice %arg11[%add3A_37, %dma_wait3A_100] : memref<10000x128xf32, #tpu.memory_space<vmem_shared>> -> memref<48x128xf32, #tpu.memory_space<vmem_shared>>
      tpu.wait_dma2 semaphore(%run_scoped3A : memref<!tpu.dma_semaphore, #tpu.memory_space<semaphore_mem>>) src(%arg10 : memref<48x128xf32, #tpu.memory_space<vmem>>) dst(%dma_wait3A_101 : memref<48x128xf32, #tpu.memory_space<vmem_shared>>)
      tpu.yield
    }) : () -> ()
    %mul3A_38 = arith.constant 624 : i32
    %mul3A_39 = arith.muli %arg1, %mul3A_38 : i32
    %add3A_40 = arith.constant 384 : i32
    %add3A_41 = arith.addi %mul3A_39, %add3A_40 : i32
    "tpu.region"() ({
      %run_scoped3A = tpu.sem_alloc : memref<!tpu.dma_semaphore, #tpu.memory_space<semaphore_mem>>
      %dma_start3A_95 = arith.constant 0 : i32
      %dma_start3A_96 = tpu.memref_slice %arg11[%add3A_41, %dma_start3A_95] : memref<10000x128xf32, #tpu.memory_space<vmem_shared>> -> memref<48x128xf32, #tpu.memory_space<vmem_shared>>
      %dma_start3A_97 = arith.constant 0 : i32
      %dma_start3A_98 = tpu.memref_slice %arg11[%add3A_41, %dma_start3A_97] : memref<10000x128xf32, #tpu.memory_space<vmem_shared>> -> memref<48x128xf32, #tpu.memory_space<vmem_shared>>
      tpu.enqueue_dma source(%arg10 : memref<48x128xf32, #tpu.memory_space<vmem>>) target(%dma_start3A_98 : memref<48x128xf32, #tpu.memory_space<vmem_shared>>) target_semaphore(%run_scoped3A : memref<!tpu.dma_semaphore, #tpu.memory_space<semaphore_mem>>)
      %dma_wait3A = arith.constant 0 : i32
      %dma_wait3A_99 = tpu.memref_slice %arg11[%add3A_41, %dma_wait3A] : memref<10000x128xf32, #tpu.memory_space<vmem_shared>> -> memref<48x128xf32, #tpu.memory_space<vmem_shared>>
      %dma_wait3A_100 = arith.constant 0 : i32
      %dma_wait3A_101 = tpu.memref_slice %arg11[%add3A_41, %dma_wait3A_100] : memref<10000x128xf32, #tpu.memory_space<vmem_shared>> -> memref<48x128xf32, #tpu.memory_space<vmem_shared>>
      tpu.wait_dma2 semaphore(%run_scoped3A : memref<!tpu.dma_semaphore, #tpu.memory_space<semaphore_mem>>) src(%arg10 : memref<48x128xf32, #tpu.memory_space<vmem>>) dst(%dma_wait3A_101 : memref<48x128xf32, #tpu.memory_space<vmem_shared>>)
      tpu.yield
    }) : () -> ()
    %mul3A_42 = arith.constant 624 : i32
    %mul3A_43 = arith.muli %arg1, %mul3A_42 : i32
    %add3A_44 = arith.constant 432 : i32
    %add3A_45 = arith.addi %mul3A_43, %add3A_44 : i32
    "tpu.region"() ({
      %run_scoped3A = tpu.sem_alloc : memref<!tpu.dma_semaphore, #tpu.memory_space<semaphore_mem>>
      %dma_start3A_95 = arith.constant 0 : i32
      %dma_start3A_96 = tpu.memref_slice %arg11[%add3A_45, %dma_start3A_95] : memref<10000x128xf32, #tpu.memory_space<vmem_shared>> -> memref<48x128xf32, #tpu.memory_space<vmem_shared>>
      %dma_start3A_97 = arith.constant 0 : i32
      %dma_start3A_98 = tpu.memref_slice %arg11[%add3A_45, %dma_start3A_97] : memref<10000x128xf32, #tpu.memory_space<vmem_shared>> -> memref<48x128xf32, #tpu.memory_space<vmem_shared>>
      tpu.enqueue_dma source(%arg10 : memref<48x128xf32, #tpu.memory_space<vmem>>) target(%dma_start3A_98 : memref<48x128xf32, #tpu.memory_space<vmem_shared>>) target_semaphore(%run_scoped3A : memref<!tpu.dma_semaphore, #tpu.memory_space<semaphore_mem>>)
      %dma_wait3A = arith.constant 0 : i32
      %dma_wait3A_99 = tpu.memref_slice %arg11[%add3A_45, %dma_wait3A] : memref<10000x128xf32, #tpu.memory_space<vmem_shared>> -> memref<48x128xf32, #tpu.memory_space<vmem_shared>>
      %dma_wait3A_100 = arith.constant 0 : i32
      %dma_wait3A_101 = tpu.memref_slice %arg11[%add3A_45, %dma_wait3A_100] : memref<10000x128xf32, #tpu.memory_space<vmem_shared>> -> memref<48x128xf32, #tpu.memory_space<vmem_shared>>
      tpu.wait_dma2 semaphore(%run_scoped3A : memref<!tpu.dma_semaphore, #tpu.memory_space<semaphore_mem>>) src(%arg10 : memref<48x128xf32, #tpu.memory_space<vmem>>) dst(%dma_wait3A_101 : memref<48x128xf32, #tpu.memory_space<vmem_shared>>)
      tpu.yield
    }) : () -> ()
    %mul3A_46 = arith.constant 624 : i32
    %mul3A_47 = arith.muli %arg1, %mul3A_46 : i32
    %add3A_48 = arith.constant 480 : i32
    %add3A_49 = arith.addi %mul3A_47, %add3A_48 : i32
    "tpu.region"() ({
      %run_scoped3A = tpu.sem_alloc : memref<!tpu.dma_semaphore, #tpu.memory_space<semaphore_mem>>
      %dma_start3A_95 = arith.constant 0 : i32
      %dma_start3A_96 = tpu.memref_slice %arg11[%add3A_49, %dma_start3A_95] : memref<10000x128xf32, #tpu.memory_space<vmem_shared>> -> memref<48x128xf32, #tpu.memory_space<vmem_shared>>
      %dma_start3A_97 = arith.constant 0 : i32
      %dma_start3A_98 = tpu.memref_slice %arg11[%add3A_49, %dma_start3A_97] : memref<10000x128xf32, #tpu.memory_space<vmem_shared>> -> memref<48x128xf32, #tpu.memory_space<vmem_shared>>
      tpu.enqueue_dma source(%arg10 : memref<48x128xf32, #tpu.memory_space<vmem>>) target(%dma_start3A_98 : memref<48x128xf32, #tpu.memory_space<vmem_shared>>) target_semaphore(%run_scoped3A : memref<!tpu.dma_semaphore, #tpu.memory_space<semaphore_mem>>)
      %dma_wait3A = arith.constant 0 : i32
      %dma_wait3A_99 = tpu.memref_slice %arg11[%add3A_49, %dma_wait3A] : memref<10000x128xf32, #tpu.memory_space<vmem_shared>> -> memref<48x128xf32, #tpu.memory_space<vmem_shared>>
      %dma_wait3A_100 = arith.constant 0 : i32
      %dma_wait3A_101 = tpu.memref_slice %arg11[%add3A_49, %dma_wait3A_100] : memref<10000x128xf32, #tpu.memory_space<vmem_shared>> -> memref<48x128xf32, #tpu.memory_space<vmem_shared>>
      tpu.wait_dma2 semaphore(%run_scoped3A : memref<!tpu.dma_semaphore, #tpu.memory_space<semaphore_mem>>) src(%arg10 : memref<48x128xf32, #tpu.memory_space<vmem>>) dst(%dma_wait3A_101 : memref<48x128xf32, #tpu.memory_space<vmem_shared>>)
      tpu.yield
    }) : () -> ()
    %mul3A_50 = arith.constant 624 : i32
    %mul3A_51 = arith.muli %arg1, %mul3A_50 : i32
    %add3A_52 = arith.constant 528 : i32
    %add3A_53 = arith.addi %mul3A_51, %add3A_52 : i32
    "tpu.region"() ({
      %run_scoped3A = tpu.sem_alloc : memref<!tpu.dma_semaphore, #tpu.memory_space<semaphore_mem>>
      %dma_start3A_95 = arith.constant 0 : i32
      %dma_start3A_96 = tpu.memref_slice %arg11[%add3A_53, %dma_start3A_95] : memref<10000x128xf32, #tpu.memory_space<vmem_shared>> -> memref<48x128xf32, #tpu.memory_space<vmem_shared>>
      %dma_start3A_97 = arith.constant 0 : i32
      %dma_start3A_98 = tpu.memref_slice %arg11[%add3A_53, %dma_start3A_97] : memref<10000x128xf32, #tpu.memory_space<vmem_shared>> -> memref<48x128xf32, #tpu.memory_space<vmem_shared>>
      tpu.enqueue_dma source(%arg10 : memref<48x128xf32, #tpu.memory_space<vmem>>) target(%dma_start3A_98 : memref<48x128xf32, #tpu.memory_space<vmem_shared>>) target_semaphore(%run_scoped3A : memref<!tpu.dma_semaphore, #tpu.memory_space<semaphore_mem>>)
      %dma_wait3A = arith.constant 0 : i32
      %dma_wait3A_99 = tpu.memref_slice %arg11[%add3A_53, %dma_wait3A] : memref<10000x128xf32, #tpu.memory_space<vmem_shared>> -> memref<48x128xf32, #tpu.memory_space<vmem_shared>>
      %dma_wait3A_100 = arith.constant 0 : i32
      %dma_wait3A_101 = tpu.memref_slice %arg11[%add3A_53, %dma_wait3A_100] : memref<10000x128xf32, #tpu.memory_space<vmem_shared>> -> memref<48x128xf32, #tpu.memory_space<vmem_shared>>
      tpu.wait_dma2 semaphore(%run_scoped3A : memref<!tpu.dma_semaphore, #tpu.memory_space<semaphore_mem>>) src(%arg10 : memref<48x128xf32, #tpu.memory_space<vmem>>) dst(%dma_wait3A_101 : memref<48x128xf32, #tpu.memory_space<vmem_shared>>)
      tpu.yield
    }) : () -> ()
    %mul3A_54 = arith.constant 624 : i32
    %mul3A_55 = arith.muli %arg1, %mul3A_54 : i32
    %add3A_56 = arith.constant 576 : i32
    %add3A_57 = arith.addi %mul3A_55, %add3A_56 : i32
    "tpu.region"() ({
      %run_scoped3A = tpu.sem_alloc : memref<!tpu.dma_semaphore, #tpu.memory_space<semaphore_mem>>
      %dma_start3A_95 = arith.constant 0 : i32
      %dma_start3A_96 = tpu.memref_slice %arg11[%add3A_57, %dma_start3A_95] : memref<10000x128xf32, #tpu.memory_space<vmem_shared>> -> memref<48x128xf32, #tpu.memory_space<vmem_shared>>
      %dma_start3A_97 = arith.constant 0 : i32
      %dma_start3A_98 = tpu.memref_slice %arg11[%add3A_57, %dma_start3A_97] : memref<10000x128xf32, #tpu.memory_space<vmem_shared>> -> memref<48x128xf32, #tpu.memory_space<vmem_shared>>
      tpu.enqueue_dma source(%arg10 : memref<48x128xf32, #tpu.memory_space<vmem>>) target(%dma_start3A_98 : memref<48x128xf32, #tpu.memory_space<vmem_shared>>) target_semaphore(%run_scoped3A : memref<!tpu.dma_semaphore, #tpu.memory_space<semaphore_mem>>)
      %dma_wait3A = arith.constant 0 : i32
      %dma_wait3A_99 = tpu.memref_slice %arg11[%add3A_57, %dma_wait3A] : memref<10000x128xf32, #tpu.memory_space<vmem_shared>> -> memref<48x128xf32, #tpu.memory_space<vmem_shared>>
      %dma_wait3A_100 = arith.constant 0 : i32
      %dma_wait3A_101 = tpu.memref_slice %arg11[%add3A_57, %dma_wait3A_100] : memref<10000x128xf32, #tpu.memory_space<vmem_shared>> -> memref<48x128xf32, #tpu.memory_space<vmem_shared>>
      tpu.wait_dma2 semaphore(%run_scoped3A : memref<!tpu.dma_semaphore, #tpu.memory_space<semaphore_mem>>) src(%arg10 : memref<48x128xf32, #tpu.memory_space<vmem>>) dst(%dma_wait3A_101 : memref<48x128xf32, #tpu.memory_space<vmem_shared>>)
      tpu.yield
    }) : () -> ()
    %eq3A = arith.constant 0 : i32
    %eq3A_58 = arith.cmpi eq, %arg1, %eq3A : i32
    %convert_element_type3A = arith.extui %eq3A_58 : i1 to i32
    %cond3A = arith.constant 0 : i32
    %cond3A_59 = arith.cmpi ne, %convert_element_type3A, %cond3A : i32
    scf.if %cond3A_59 {
      "tpu.region"() ({
        %run_scoped3A = tpu.sem_alloc : memref<!tpu.dma_semaphore, #tpu.memory_space<semaphore_mem>>
        %dma_start3A_95 = arith.constant 0 : i32
        %dma_start3A_96 = arith.constant 0 : i32
        %dma_start3A_97 = tpu.memref_slice %arg10[%dma_start3A_95, %dma_start3A_96] : memref<48x128xf32, #tpu.memory_space<vmem>> -> memref<16x128xf32, #tpu.memory_space<vmem>>
        %dma_start3A_98 = arith.constant 9984 : i32
        %dma_start3A_99 = arith.constant 0 : i32
        %dma_start3A_100 = tpu.memref_slice %arg11[%dma_start3A_98, %dma_start3A_99] : memref<10000x128xf32, #tpu.memory_space<vmem_shared>> -> memref<16x128xf32, #tpu.memory_space<vmem_shared>>
        %dma_start3A_101 = arith.constant 9984 : i32
        %dma_start3A_102 = arith.constant 0 : i32
        %dma_start3A_103 = tpu.memref_slice %arg11[%dma_start3A_101, %dma_start3A_102] : memref<10000x128xf32, #tpu.memory_space<vmem_shared>> -> memref<16x128xf32, #tpu.memory_space<vmem_shared>>
        %dma_start3A_104 = arith.constant 0 : i32
        %dma_start3A_105 = arith.constant 0 : i32
        %dma_start3A_106 = tpu.memref_slice %arg10[%dma_start3A_104, %dma_start3A_105] : memref<48x128xf32, #tpu.memory_space<vmem>> -> memref<16x128xf32, #tpu.memory_space<vmem>>
        tpu.enqueue_dma source(%dma_start3A_106 : memref<16x128xf32, #tpu.memory_space<vmem>>) target(%dma_start3A_103 : memref<16x128xf32, #tpu.memory_space<vmem_shared>>) target_semaphore(%run_scoped3A : memref<!tpu.dma_semaphore, #tpu.memory_space<semaphore_mem>>)
        %dma_wait3A = arith.constant 0 : i32
        %dma_wait3A_107 = arith.constant 0 : i32
        %dma_wait3A_108 = tpu.memref_slice %arg10[%dma_wait3A, %dma_wait3A_107] : memref<48x128xf32, #tpu.memory_space<vmem>> -> memref<16x128xf32, #tpu.memory_space<vmem>>
        %dma_wait3A_109 = arith.constant 9984 : i32
        %dma_wait3A_110 = arith.constant 0 : i32
        %dma_wait3A_111 = tpu.memref_slice %arg11[%dma_wait3A_109, %dma_wait3A_110] : memref<10000x128xf32, #tpu.memory_space<vmem_shared>> -> memref<16x128xf32, #tpu.memory_space<vmem_shared>>
        %dma_wait3A_112 = arith.constant 9984 : i32
        %dma_wait3A_113 = arith.constant 0 : i32
        %dma_wait3A_114 = tpu.memref_slice %arg11[%dma_wait3A_112, %dma_wait3A_113] : memref<10000x128xf32, #tpu.memory_space<vmem_shared>> -> memref<16x128xf32, #tpu.memory_space<vmem_shared>>
        %dma_wait3A_115 = arith.constant 0 : i32
        %dma_wait3A_116 = arith.constant 0 : i32
        %dma_wait3A_117 = tpu.memref_slice %arg10[%dma_wait3A_115, %dma_wait3A_116] : memref<48x128xf32, #tpu.memory_space<vmem>> -> memref<16x128xf32, #tpu.memory_space<vmem>>
        tpu.wait_dma2 semaphore(%run_scoped3A : memref<!tpu.dma_semaphore, #tpu.memory_space<semaphore_mem>>) src(%dma_wait3A_117 : memref<16x128xf32, #tpu.memory_space<vmem>>) dst(%dma_wait3A_114 : memref<16x128xf32, #tpu.memory_space<vmem_shared>>)
        tpu.yield
      }) : () -> ()
    } else {
    }
    %barrier3A = arith.constant 0 : index
    tpu.barrier barrier_id(%barrier3A)
    "tpu.region"() ({
      %run_scoped3A = tpu.sem_alloc : memref<!tpu.dma_semaphore, #tpu.memory_space<semaphore_mem>>
      %dma_start3A_95 = arith.constant 0 : i32
      %dma_start3A_96 = arith.constant 0 : i32
      %dma_start3A_97 = tpu.memref_slice %arg3[%add3A, %dma_start3A_95, %dma_start3A_96] : memref<32x80x125xi32, #tpu.memory_space<hbm>> -> memref<1x40x125xi32, #tpu.memory_space<hbm>>
      %dma_start3A_98 = tpu.memref_squeeze %dma_start3A_97 : memref<1x40x125xi32, #tpu.memory_space<hbm>> -> memref<40x125xi32, #tpu.memory_space<hbm>>
      %dma_start3A_99 = arith.constant 0 : i32
      %dma_start3A_100 = arith.constant 0 : i32
      %dma_start3A_101 = tpu.memref_slice %arg3[%add3A, %dma_start3A_99, %dma_start3A_100] : memref<32x80x125xi32, #tpu.memory_space<hbm>> -> memref<1x40x125xi32, #tpu.memory_space<hbm>>
      %dma_start3A_102 = tpu.memref_squeeze %dma_start3A_101 : memref<1x40x125xi32, #tpu.memory_space<hbm>> -> memref<40x125xi32, #tpu.memory_space<hbm>>
      tpu.enqueue_dma source(%dma_start3A_102 : memref<40x125xi32, #tpu.memory_space<hbm>>) target(%arg6 : memref<40x125xi32, #tpu.memory_space<vmem>>) target_semaphore(%run_scoped3A : memref<!tpu.dma_semaphore, #tpu.memory_space<semaphore_mem>>)
      %dma_wait3A = arith.constant 0 : i32
      %dma_wait3A_103 = arith.constant 0 : i32
      %dma_wait3A_104 = tpu.memref_slice %arg3[%add3A, %dma_wait3A, %dma_wait3A_103] : memref<32x80x125xi32, #tpu.memory_space<hbm>> -> memref<1x40x125xi32, #tpu.memory_space<hbm>>
      %dma_wait3A_105 = tpu.memref_squeeze %dma_wait3A_104 : memref<1x40x125xi32, #tpu.memory_space<hbm>> -> memref<40x125xi32, #tpu.memory_space<hbm>>
      %dma_wait3A_106 = arith.constant 0 : i32
      %dma_wait3A_107 = arith.constant 0 : i32
      %dma_wait3A_108 = tpu.memref_slice %arg3[%add3A, %dma_wait3A_106, %dma_wait3A_107] : memref<32x80x125xi32, #tpu.memory_space<hbm>> -> memref<1x40x125xi32, #tpu.memory_space<hbm>>
      %dma_wait3A_109 = tpu.memref_squeeze %dma_wait3A_108 : memref<1x40x125xi32, #tpu.memory_space<hbm>> -> memref<40x125xi32, #tpu.memory_space<hbm>>
      tpu.wait_dma2 semaphore(%run_scoped3A : memref<!tpu.dma_semaphore, #tpu.memory_space<semaphore_mem>>) src(%dma_wait3A_109 : memref<40x125xi32, #tpu.memory_space<hbm>>) dst(%arg6 : memref<40x125xi32, #tpu.memory_space<vmem>>)
      tpu.yield
    }) : () -> ()
    "tpu.region"() ({
      %run_scoped3A = tpu.sem_alloc : memref<!tpu.dma_semaphore, #tpu.memory_space<semaphore_mem>>
      %dma_start3A_95 = arith.constant 0 : i32
      %dma_start3A_96 = arith.constant 0 : i32
      %dma_start3A_97 = tpu.memref_slice %arg4[%add3A, %dma_start3A_95, %dma_start3A_96] : memref<32x80x125xi32, #tpu.memory_space<hbm>> -> memref<1x40x125xi32, #tpu.memory_space<hbm>>
      %dma_start3A_98 = tpu.memref_squeeze %dma_start3A_97 : memref<1x40x125xi32, #tpu.memory_space<hbm>> -> memref<40x125xi32, #tpu.memory_space<hbm>>
      %dma_start3A_99 = arith.constant 0 : i32
      %dma_start3A_100 = arith.constant 0 : i32
      %dma_start3A_101 = tpu.memref_slice %arg4[%add3A, %dma_start3A_99, %dma_start3A_100] : memref<32x80x125xi32, #tpu.memory_space<hbm>> -> memref<1x40x125xi32, #tpu.memory_space<hbm>>
      %dma_start3A_102 = tpu.memref_squeeze %dma_start3A_101 : memref<1x40x125xi32, #tpu.memory_space<hbm>> -> memref<40x125xi32, #tpu.memory_space<hbm>>
      tpu.enqueue_dma source(%dma_start3A_102 : memref<40x125xi32, #tpu.memory_space<hbm>>) target(%arg7 : memref<40x125xi32, #tpu.memory_space<vmem>>) target_semaphore(%run_scoped3A : memref<!tpu.dma_semaphore, #tpu.memory_space<semaphore_mem>>)
      %dma_wait3A = arith.constant 0 : i32
      %dma_wait3A_103 = arith.constant 0 : i32
      %dma_wait3A_104 = tpu.memref_slice %arg4[%add3A, %dma_wait3A, %dma_wait3A_103] : memref<32x80x125xi32, #tpu.memory_space<hbm>> -> memref<1x40x125xi32, #tpu.memory_space<hbm>>
      %dma_wait3A_105 = tpu.memref_squeeze %dma_wait3A_104 : memref<1x40x125xi32, #tpu.memory_space<hbm>> -> memref<40x125xi32, #tpu.memory_space<hbm>>
      %dma_wait3A_106 = arith.constant 0 : i32
      %dma_wait3A_107 = arith.constant 0 : i32
      %dma_wait3A_108 = tpu.memref_slice %arg4[%add3A, %dma_wait3A_106, %dma_wait3A_107] : memref<32x80x125xi32, #tpu.memory_space<hbm>> -> memref<1x40x125xi32, #tpu.memory_space<hbm>>
      %dma_wait3A_109 = tpu.memref_squeeze %dma_wait3A_108 : memref<1x40x125xi32, #tpu.memory_space<hbm>> -> memref<40x125xi32, #tpu.memory_space<hbm>>
      tpu.wait_dma2 semaphore(%run_scoped3A : memref<!tpu.dma_semaphore, #tpu.memory_space<semaphore_mem>>) src(%dma_wait3A_109 : memref<40x125xi32, #tpu.memory_space<hbm>>) dst(%arg7 : memref<40x125xi32, #tpu.memory_space<vmem>>)
      tpu.yield
    }) : () -> ()
    %dma_start3A = arith.constant 0 : i32
    %dma_start3A_60 = arith.constant 0 : i32
    %dma_start3A_61 = tpu.memref_slice %arg6[%dma_start3A, %dma_start3A_60] : memref<40x125xi32, #tpu.memory_space<vmem>> -> memref<1x125xi32, #tpu.memory_space<vmem>>
    %dma_start3A_62 = tpu.memref_squeeze %dma_start3A_61 : memref<1x125xi32, #tpu.memory_space<vmem>> -> memref<125xi32, #tpu.memory_space<vmem>>
    %dma_start3A_63 = arith.constant 0 : i32
    %dma_start3A_64 = arith.constant 0 : i32
    %dma_start3A_65 = tpu.memref_slice %arg2[%dma_start3A_63, %dma_start3A_64] : memref<10000x128xf32, #tpu.memory_space<hbm>> -> memref<10000x128xf32, #tpu.memory_space<hbm>>
    tpu.enqueue_indirect_dma source(%dma_start3A_65 : memref<10000x128xf32, #tpu.memory_space<hbm>>) target(%arg8 : memref<125x128xf32, #tpu.memory_space<vmem>>) offsets(%dma_start3A_62 : memref<125xi32, #tpu.memory_space<vmem>>) semaphore(%arg12 : memref<!tpu.dma_semaphore, #tpu.memory_space<semaphore_mem>>)
    %scan3A_66 = arith.constant 0 : i32
    %scan3A_67 = arith.constant 0 : i32
    %scan3A_68 = arith.constant 20 : i32
    %scan3A_69 = arith.addi %scan3A_67, %scan3A_68 : i32
    %scan3A_70 = arith.constant 1 : i32
    scf.for %scan3A_95 = %scan3A_67 to %scan3A_69 step %scan3A_70  : i32 {
      %mul3A_96 = arith.constant 2 : i32
      %mul3A_97 = arith.muli %mul3A_96, %scan3A_95 : i32
      %add3A_98 = arith.constant 1 : i32
      %add3A_99 = arith.addi %mul3A_97, %add3A_98 : i32
      %dma_start3A_100 = arith.constant 0 : i32
      %dma_start3A_101 = tpu.memref_slice %arg6[%add3A_99, %dma_start3A_100] : memref<40x125xi32, #tpu.memory_space<vmem>> -> memref<1x125xi32, #tpu.memory_space<vmem>>
      %dma_start3A_102 = tpu.memref_squeeze %dma_start3A_101 : memref<1x125xi32, #tpu.memory_space<vmem>> -> memref<125xi32, #tpu.memory_space<vmem>>
      %dma_start3A_103 = arith.constant 0 : i32
      %dma_start3A_104 = arith.constant 0 : i32
      %dma_start3A_105 = tpu.memref_slice %arg2[%dma_start3A_103, %dma_start3A_104] : memref<10000x128xf32, #tpu.memory_space<hbm>> -> memref<10000x128xf32, #tpu.memory_space<hbm>>
      tpu.enqueue_indirect_dma source(%dma_start3A_105 : memref<10000x128xf32, #tpu.memory_space<hbm>>) target(%arg9 : memref<125x128xf32, #tpu.memory_space<vmem>>) offsets(%dma_start3A_102 : memref<125xi32, #tpu.memory_space<vmem>>) semaphore(%arg13 : memref<!tpu.dma_semaphore, #tpu.memory_space<semaphore_mem>>)
      %dma_wait3A = arith.constant 0 : i32
      %dma_wait3A_106 = tpu.memref_slice %arg6[%mul3A_97, %dma_wait3A] : memref<40x125xi32, #tpu.memory_space<vmem>> -> memref<1x125xi32, #tpu.memory_space<vmem>>
      %dma_wait3A_107 = tpu.memref_squeeze %dma_wait3A_106 : memref<1x125xi32, #tpu.memory_space<vmem>> -> memref<125xi32, #tpu.memory_space<vmem>>
      %dma_wait3A_108 = arith.constant 0 : i32
      %dma_wait3A_109 = arith.constant 0 : i32
      %dma_wait3A_110 = tpu.memref_slice %arg2[%dma_wait3A_108, %dma_wait3A_109] : memref<10000x128xf32, #tpu.memory_space<hbm>> -> memref<10000x128xf32, #tpu.memory_space<hbm>>
      tpu.wait_indirect_dma semaphore(%arg12 : memref<!tpu.dma_semaphore, #tpu.memory_space<semaphore_mem>>) src(%dma_wait3A_110 : memref<10000x128xf32, #tpu.memory_space<hbm>>) dst(%arg8 : memref<125x128xf32, #tpu.memory_space<vmem>>)
      "tpu.region"() ({
        %run_scoped3A = tpu.sem_alloc : memref<!tpu.dma_semaphore, #tpu.memory_space<semaphore_mem>>
        %dma_start3A_127 = arith.constant 0 : i32
        %dma_start3A_128 = tpu.memref_slice %arg7[%mul3A_97, %dma_start3A_127] : memref<40x125xi32, #tpu.memory_space<vmem>> -> memref<1x125xi32, #tpu.memory_space<vmem>>
        %dma_start3A_129 = tpu.memref_squeeze %dma_start3A_128 : memref<1x125xi32, #tpu.memory_space<vmem>> -> memref<125xi32, #tpu.memory_space<vmem>>
        %dma_start3A_130 = arith.constant 0 : i32
        %dma_start3A_131 = arith.constant 0 : i32
        %dma_start3A_132 = tpu.memref_slice %arg11[%dma_start3A_130, %dma_start3A_131] : memref<10000x128xf32, #tpu.memory_space<vmem_shared>> -> memref<10000x128xf32, #tpu.memory_space<vmem_shared>>
        tpu.enqueue_indirect_dma source(%arg8 : memref<125x128xf32, #tpu.memory_space<vmem>>) target(%dma_start3A_132 : memref<10000x128xf32, #tpu.memory_space<vmem_shared>>) offsets(%dma_start3A_129 : memref<125xi32, #tpu.memory_space<vmem>>) semaphore(%run_scoped3A : memref<!tpu.dma_semaphore, #tpu.memory_space<semaphore_mem>>) {add = true}
        %dma_wait3A_133 = arith.constant 0 : i32
        %dma_wait3A_134 = tpu.memref_slice %arg7[%mul3A_97, %dma_wait3A_133] : memref<40x125xi32, #tpu.memory_space<vmem>> -> memref<1x125xi32, #tpu.memory_space<vmem>>
        %dma_wait3A_135 = tpu.memref_squeeze %dma_wait3A_134 : memref<1x125xi32, #tpu.memory_space<vmem>> -> memref<125xi32, #tpu.memory_space<vmem>>
        %dma_wait3A_136 = arith.constant 0 : i32
        %dma_wait3A_137 = arith.constant 0 : i32
        %dma_wait3A_138 = tpu.memref_slice %arg11[%dma_wait3A_136, %dma_wait3A_137] : memref<10000x128xf32, #tpu.memory_space<vmem_shared>> -> memref<10000x128xf32, #tpu.memory_space<vmem_shared>>
        tpu.wait_indirect_dma semaphore(%run_scoped3A : memref<!tpu.dma_semaphore, #tpu.memory_space<semaphore_mem>>) src(%arg8 : memref<125x128xf32, #tpu.memory_space<vmem>>) dst(%dma_wait3A_138 : memref<10000x128xf32, #tpu.memory_space<vmem_shared>>)
        tpu.yield
      }) : () -> ()
      %add3A_111 = arith.constant 2 : i32
      %add3A_112 = arith.addi %mul3A_97, %add3A_111 : i32
      %lt3A = arith.constant 40 : i32
      %lt3A_113 = arith.cmpi slt, %add3A_112, %lt3A : i32
      %convert_element_type3A_114 = arith.extui %lt3A_113 : i1 to i32
      %cond3A_115 = arith.constant 0 : i32
      %cond3A_116 = arith.cmpi ne, %convert_element_type3A_114, %cond3A_115 : i32
      scf.if %cond3A_116 {
        %add3A_127 = arith.constant 2 : i32
        %add3A_128 = arith.addi %mul3A_97, %add3A_127 : i32
        %dma_start3A_129 = arith.constant 0 : i32
        %dma_start3A_130 = tpu.memref_slice %arg6[%add3A_128, %dma_start3A_129] : memref<40x125xi32, #tpu.memory_space<vmem>> -> memref<1x125xi32, #tpu.memory_space<vmem>>
        %dma_start3A_131 = tpu.memref_squeeze %dma_start3A_130 : memref<1x125xi32, #tpu.memory_space<vmem>> -> memref<125xi32, #tpu.memory_space<vmem>>
        %dma_start3A_132 = arith.constant 0 : i32
        %dma_start3A_133 = arith.constant 0 : i32
        %dma_start3A_134 = tpu.memref_slice %arg2[%dma_start3A_132, %dma_start3A_133] : memref<10000x128xf32, #tpu.memory_space<hbm>> -> memref<10000x128xf32, #tpu.memory_space<hbm>>
        tpu.enqueue_indirect_dma source(%dma_start3A_134 : memref<10000x128xf32, #tpu.memory_space<hbm>>) target(%arg8 : memref<125x128xf32, #tpu.memory_space<vmem>>) offsets(%dma_start3A_131 : memref<125xi32, #tpu.memory_space<vmem>>) semaphore(%arg12 : memref<!tpu.dma_semaphore, #tpu.memory_space<semaphore_mem>>)
      } else {
      }
      %add3A_117 = arith.constant 1 : i32
      %add3A_118 = arith.addi %mul3A_97, %add3A_117 : i32
      %dma_wait3A_119 = arith.constant 0 : i32
      %dma_wait3A_120 = tpu.memref_slice %arg6[%add3A_118, %dma_wait3A_119] : memref<40x125xi32, #tpu.memory_space<vmem>> -> memref<1x125xi32, #tpu.memory_space<vmem>>
      %dma_wait3A_121 = tpu.memref_squeeze %dma_wait3A_120 : memref<1x125xi32, #tpu.memory_space<vmem>> -> memref<125xi32, #tpu.memory_space<vmem>>
      %dma_wait3A_122 = arith.constant 0 : i32
      %dma_wait3A_123 = arith.constant 0 : i32
      %dma_wait3A_124 = tpu.memref_slice %arg2[%dma_wait3A_122, %dma_wait3A_123] : memref<10000x128xf32, #tpu.memory_space<hbm>> -> memref<10000x128xf32, #tpu.memory_space<hbm>>
      tpu.wait_indirect_dma semaphore(%arg13 : memref<!tpu.dma_semaphore, #tpu.memory_space<semaphore_mem>>) src(%dma_wait3A_124 : memref<10000x128xf32, #tpu.memory_space<hbm>>) dst(%arg9 : memref<125x128xf32, #tpu.memory_space<vmem>>)
      %add3A_125 = arith.constant 1 : i32
      %add3A_126 = arith.addi %mul3A_97, %add3A_125 : i32
      "tpu.region"() ({
        %run_scoped3A = tpu.sem_alloc : memref<!tpu.dma_semaphore, #tpu.memory_space<semaphore_mem>>
        %dma_start3A_127 = arith.constant 0 : i32
        %dma_start3A_128 = tpu.memref_slice %arg7[%add3A_126, %dma_start3A_127] : memref<40x125xi32, #tpu.memory_space<vmem>> -> memref<1x125xi32, #tpu.memory_space<vmem>>
        %dma_start3A_129 = tpu.memref_squeeze %dma_start3A_128 : memref<1x125xi32, #tpu.memory_space<vmem>> -> memref<125xi32, #tpu.memory_space<vmem>>
        %dma_start3A_130 = arith.constant 0 : i32
        %dma_start3A_131 = arith.constant 0 : i32
        %dma_start3A_132 = tpu.memref_slice %arg11[%dma_start3A_130, %dma_start3A_131] : memref<10000x128xf32, #tpu.memory_space<vmem_shared>> -> memref<10000x128xf32, #tpu.memory_space<vmem_shared>>
        tpu.enqueue_indirect_dma source(%arg9 : memref<125x128xf32, #tpu.memory_space<vmem>>) target(%dma_start3A_132 : memref<10000x128xf32, #tpu.memory_space<vmem_shared>>) offsets(%dma_start3A_129 : memref<125xi32, #tpu.memory_space<vmem>>) semaphore(%run_scoped3A : memref<!tpu.dma_semaphore, #tpu.memory_space<semaphore_mem>>) {add = true}
        %dma_wait3A_133 = arith.constant 0 : i32
        %dma_wait3A_134 = tpu.memref_slice %arg7[%add3A_126, %dma_wait3A_133] : memref<40x125xi32, #tpu.memory_space<vmem>> -> memref<1x125xi32, #tpu.memory_space<vmem>>
        %dma_wait3A_135 = tpu.memref_squeeze %dma_wait3A_134 : memref<1x125xi32, #tpu.memory_space<vmem>> -> memref<125xi32, #tpu.memory_space<vmem>>
        %dma_wait3A_136 = arith.constant 0 : i32
        %dma_wait3A_137 = arith.constant 0 : i32
        %dma_wait3A_138 = tpu.memref_slice %arg11[%dma_wait3A_136, %dma_wait3A_137] : memref<10000x128xf32, #tpu.memory_space<vmem_shared>> -> memref<10000x128xf32, #tpu.memory_space<vmem_shared>>
        tpu.wait_indirect_dma semaphore(%run_scoped3A : memref<!tpu.dma_semaphore, #tpu.memory_space<semaphore_mem>>) src(%arg9 : memref<125x128xf32, #tpu.memory_space<vmem>>) dst(%dma_wait3A_138 : memref<10000x128xf32, #tpu.memory_space<vmem_shared>>)
        tpu.yield
      }) : () -> ()
    }
    %scan3A_71 = arith.constant 20 : i32
    "tpu.region"() ({
      %run_scoped3A = tpu.sem_alloc : memref<!tpu.dma_semaphore, #tpu.memory_space<semaphore_mem>>
      %dma_start3A_95 = arith.constant 40 : i32
      %dma_start3A_96 = arith.constant 0 : i32
      %dma_start3A_97 = tpu.memref_slice %arg3[%add3A, %dma_start3A_95, %dma_start3A_96] : memref<32x80x125xi32, #tpu.memory_space<hbm>> -> memref<1x40x125xi32, #tpu.memory_space<hbm>>
      %dma_start3A_98 = tpu.memref_squeeze %dma_start3A_97 : memref<1x40x125xi32, #tpu.memory_space<hbm>> -> memref<40x125xi32, #tpu.memory_space<hbm>>
      %dma_start3A_99 = arith.constant 40 : i32
      %dma_start3A_100 = arith.constant 0 : i32
      %dma_start3A_101 = tpu.memref_slice %arg3[%add3A, %dma_start3A_99, %dma_start3A_100] : memref<32x80x125xi32, #tpu.memory_space<hbm>> -> memref<1x40x125xi32, #tpu.memory_space<hbm>>
      %dma_start3A_102 = tpu.memref_squeeze %dma_start3A_101 : memref<1x40x125xi32, #tpu.memory_space<hbm>> -> memref<40x125xi32, #tpu.memory_space<hbm>>
      tpu.enqueue_dma source(%dma_start3A_102 : memref<40x125xi32, #tpu.memory_space<hbm>>) target(%arg6 : memref<40x125xi32, #tpu.memory_space<vmem>>) target_semaphore(%run_scoped3A : memref<!tpu.dma_semaphore, #tpu.memory_space<semaphore_mem>>)
      %dma_wait3A = arith.constant 40 : i32
      %dma_wait3A_103 = arith.constant 0 : i32
      %dma_wait3A_104 = tpu.memref_slice %arg3[%add3A, %dma_wait3A, %dma_wait3A_103] : memref<32x80x125xi32, #tpu.memory_space<hbm>> -> memref<1x40x125xi32, #tpu.memory_space<hbm>>
      %dma_wait3A_105 = tpu.memref_squeeze %dma_wait3A_104 : memref<1x40x125xi32, #tpu.memory_space<hbm>> -> memref<40x125xi32, #tpu.memory_space<hbm>>
      %dma_wait3A_106 = arith.constant 40 : i32
      %dma_wait3A_107 = arith.constant 0 : i32
      %dma_wait3A_108 = tpu.memref_slice %arg3[%add3A, %dma_wait3A_106, %dma_wait3A_107] : memref<32x80x125xi32, #tpu.memory_space<hbm>> -> memref<1x40x125xi32, #tpu.memory_space<hbm>>
      %dma_wait3A_109 = tpu.memref_squeeze %dma_wait3A_108 : memref<1x40x125xi32, #tpu.memory_space<hbm>> -> memref<40x125xi32, #tpu.memory_space<hbm>>
      tpu.wait_dma2 semaphore(%run_scoped3A : memref<!tpu.dma_semaphore, #tpu.memory_space<semaphore_mem>>) src(%dma_wait3A_109 : memref<40x125xi32, #tpu.memory_space<hbm>>) dst(%arg6 : memref<40x125xi32, #tpu.memory_space<vmem>>)
      tpu.yield
    }) : () -> ()
    "tpu.region"() ({
      %run_scoped3A = tpu.sem_alloc : memref<!tpu.dma_semaphore, #tpu.memory_space<semaphore_mem>>
      %dma_start3A_95 = arith.constant 40 : i32
      %dma_start3A_96 = arith.constant 0 : i32
      %dma_start3A_97 = tpu.memref_slice %arg4[%add3A, %dma_start3A_95, %dma_start3A_96] : memref<32x80x125xi32, #tpu.memory_space<hbm>> -> memref<1x40x125xi32, #tpu.memory_space<hbm>>
      %dma_start3A_98 = tpu.memref_squeeze %dma_start3A_97 : memref<1x40x125xi32, #tpu.memory_space<hbm>> -> memref<40x125xi32, #tpu.memory_space<hbm>>
      %dma_start3A_99 = arith.constant 40 : i32
      %dma_start3A_100 = arith.constant 0 : i32
      %dma_start3A_101 = tpu.memref_slice %arg4[%add3A, %dma_start3A_99, %dma_start3A_100] : memref<32x80x125xi32, #tpu.memory_space<hbm>> -> memref<1x40x125xi32, #tpu.memory_space<hbm>>
      %dma_start3A_102 = tpu.memref_squeeze %dma_start3A_101 : memref<1x40x125xi32, #tpu.memory_space<hbm>> -> memref<40x125xi32, #tpu.memory_space<hbm>>
      tpu.enqueue_dma source(%dma_start3A_102 : memref<40x125xi32, #tpu.memory_space<hbm>>) target(%arg7 : memref<40x125xi32, #tpu.memory_space<vmem>>) target_semaphore(%run_scoped3A : memref<!tpu.dma_semaphore, #tpu.memory_space<semaphore_mem>>)
      %dma_wait3A = arith.constant 40 : i32
      %dma_wait3A_103 = arith.constant 0 : i32
      %dma_wait3A_104 = tpu.memref_slice %arg4[%add3A, %dma_wait3A, %dma_wait3A_103] : memref<32x80x125xi32, #tpu.memory_space<hbm>> -> memref<1x40x125xi32, #tpu.memory_space<hbm>>
      %dma_wait3A_105 = tpu.memref_squeeze %dma_wait3A_104 : memref<1x40x125xi32, #tpu.memory_space<hbm>> -> memref<40x125xi32, #tpu.memory_space<hbm>>
      %dma_wait3A_106 = arith.constant 40 : i32
      %dma_wait3A_107 = arith.constant 0 : i32
      %dma_wait3A_108 = tpu.memref_slice %arg4[%add3A, %dma_wait3A_106, %dma_wait3A_107] : memref<32x80x125xi32, #tpu.memory_space<hbm>> -> memref<1x40x125xi32, #tpu.memory_space<hbm>>
      %dma_wait3A_109 = tpu.memref_squeeze %dma_wait3A_108 : memref<1x40x125xi32, #tpu.memory_space<hbm>> -> memref<40x125xi32, #tpu.memory_space<hbm>>
      tpu.wait_dma2 semaphore(%run_scoped3A : memref<!tpu.dma_semaphore, #tpu.memory_space<semaphore_mem>>) src(%dma_wait3A_109 : memref<40x125xi32, #tpu.memory_space<hbm>>) dst(%arg7 : memref<40x125xi32, #tpu.memory_space<vmem>>)
      tpu.yield
    }) : () -> ()
    %dma_start3A_72 = arith.constant 0 : i32
    %dma_start3A_73 = arith.constant 0 : i32
    %dma_start3A_74 = tpu.memref_slice %arg6[%dma_start3A_72, %dma_start3A_73] : memref<40x125xi32, #tpu.memory_space<vmem>> -> memref<1x125xi32, #tpu.memory_space<vmem>>
    %dma_start3A_75 = tpu.memref_squeeze %dma_start3A_74 : memref<1x125xi32, #tpu.memory_space<vmem>> -> memref<125xi32, #tpu.memory_space<vmem>>
    %dma_start3A_76 = arith.constant 0 : i32
    %dma_start3A_77 = arith.constant 0 : i32
    %dma_start3A_78 = tpu.memref_slice %arg2[%dma_start3A_76, %dma_start3A_77] : memref<10000x128xf32, #tpu.memory_space<hbm>> -> memref<10000x128xf32, #tpu.memory_space<hbm>>
    tpu.enqueue_indirect_dma source(%dma_start3A_78 : memref<10000x128xf32, #tpu.memory_space<hbm>>) target(%arg8 : memref<125x128xf32, #tpu.memory_space<vmem>>) offsets(%dma_start3A_75 : memref<125xi32, #tpu.memory_space<vmem>>) semaphore(%arg12 : memref<!tpu.dma_semaphore, #tpu.memory_space<semaphore_mem>>)
    %scan3A_79 = arith.constant 0 : i32
    %scan3A_80 = arith.constant 0 : i32
    %scan3A_81 = arith.constant 20 : i32
    %scan3A_82 = arith.addi %scan3A_80, %scan3A_81 : i32
    %scan3A_83 = arith.constant 1 : i32
    scf.for %scan3A_95 = %scan3A_80 to %scan3A_82 step %scan3A_83  : i32 {
      %mul3A_96 = arith.constant 2 : i32
      %mul3A_97 = arith.muli %mul3A_96, %scan3A_95 : i32
      %add3A_98 = arith.constant 1 : i32
      %add3A_99 = arith.addi %mul3A_97, %add3A_98 : i32
      %dma_start3A_100 = arith.constant 0 : i32
      %dma_start3A_101 = tpu.memref_slice %arg6[%add3A_99, %dma_start3A_100] : memref<40x125xi32, #tpu.memory_space<vmem>> -> memref<1x125xi32, #tpu.memory_space<vmem>>
      %dma_start3A_102 = tpu.memref_squeeze %dma_start3A_101 : memref<1x125xi32, #tpu.memory_space<vmem>> -> memref<125xi32, #tpu.memory_space<vmem>>
      %dma_start3A_103 = arith.constant 0 : i32
      %dma_start3A_104 = arith.constant 0 : i32
      %dma_start3A_105 = tpu.memref_slice %arg2[%dma_start3A_103, %dma_start3A_104] : memref<10000x128xf32, #tpu.memory_space<hbm>> -> memref<10000x128xf32, #tpu.memory_space<hbm>>
      tpu.enqueue_indirect_dma source(%dma_start3A_105 : memref<10000x128xf32, #tpu.memory_space<hbm>>) target(%arg9 : memref<125x128xf32, #tpu.memory_space<vmem>>) offsets(%dma_start3A_102 : memref<125xi32, #tpu.memory_space<vmem>>) semaphore(%arg13 : memref<!tpu.dma_semaphore, #tpu.memory_space<semaphore_mem>>)
      %dma_wait3A = arith.constant 0 : i32
      %dma_wait3A_106 = tpu.memref_slice %arg6[%mul3A_97, %dma_wait3A] : memref<40x125xi32, #tpu.memory_space<vmem>> -> memref<1x125xi32, #tpu.memory_space<vmem>>
      %dma_wait3A_107 = tpu.memref_squeeze %dma_wait3A_106 : memref<1x125xi32, #tpu.memory_space<vmem>> -> memref<125xi32, #tpu.memory_space<vmem>>
      %dma_wait3A_108 = arith.constant 0 : i32
      %dma_wait3A_109 = arith.constant 0 : i32
      %dma_wait3A_110 = tpu.memref_slice %arg2[%dma_wait3A_108, %dma_wait3A_109] : memref<10000x128xf32, #tpu.memory_space<hbm>> -> memref<10000x128xf32, #tpu.memory_space<hbm>>
      tpu.wait_indirect_dma semaphore(%arg12 : memref<!tpu.dma_semaphore, #tpu.memory_space<semaphore_mem>>) src(%dma_wait3A_110 : memref<10000x128xf32, #tpu.memory_space<hbm>>) dst(%arg8 : memref<125x128xf32, #tpu.memory_space<vmem>>)
      "tpu.region"() ({
        %run_scoped3A = tpu.sem_alloc : memref<!tpu.dma_semaphore, #tpu.memory_space<semaphore_mem>>
        %dma_start3A_127 = arith.constant 0 : i32
        %dma_start3A_128 = tpu.memref_slice %arg7[%mul3A_97, %dma_start3A_127] : memref<40x125xi32, #tpu.memory_space<vmem>> -> memref<1x125xi32, #tpu.memory_space<vmem>>
        %dma_start3A_129 = tpu.memref_squeeze %dma_start3A_128 : memref<1x125xi32, #tpu.memory_space<vmem>> -> memref<125xi32, #tpu.memory_space<vmem>>
        %dma_start3A_130 = arith.constant 0 : i32
        %dma_start3A_131 = arith.constant 0 : i32
        %dma_start3A_132 = tpu.memref_slice %arg11[%dma_start3A_130, %dma_start3A_131] : memref<10000x128xf32, #tpu.memory_space<vmem_shared>> -> memref<10000x128xf32, #tpu.memory_space<vmem_shared>>
        tpu.enqueue_indirect_dma source(%arg8 : memref<125x128xf32, #tpu.memory_space<vmem>>) target(%dma_start3A_132 : memref<10000x128xf32, #tpu.memory_space<vmem_shared>>) offsets(%dma_start3A_129 : memref<125xi32, #tpu.memory_space<vmem>>) semaphore(%run_scoped3A : memref<!tpu.dma_semaphore, #tpu.memory_space<semaphore_mem>>) {add = true}
        %dma_wait3A_133 = arith.constant 0 : i32
        %dma_wait3A_134 = tpu.memref_slice %arg7[%mul3A_97, %dma_wait3A_133] : memref<40x125xi32, #tpu.memory_space<vmem>> -> memref<1x125xi32, #tpu.memory_space<vmem>>
        %dma_wait3A_135 = tpu.memref_squeeze %dma_wait3A_134 : memref<1x125xi32, #tpu.memory_space<vmem>> -> memref<125xi32, #tpu.memory_space<vmem>>
        %dma_wait3A_136 = arith.constant 0 : i32
        %dma_wait3A_137 = arith.constant 0 : i32
        %dma_wait3A_138 = tpu.memref_slice %arg11[%dma_wait3A_136, %dma_wait3A_137] : memref<10000x128xf32, #tpu.memory_space<vmem_shared>> -> memref<10000x128xf32, #tpu.memory_space<vmem_shared>>
        tpu.wait_indirect_dma semaphore(%run_scoped3A : memref<!tpu.dma_semaphore, #tpu.memory_space<semaphore_mem>>) src(%arg8 : memref<125x128xf32, #tpu.memory_space<vmem>>) dst(%dma_wait3A_138 : memref<10000x128xf32, #tpu.memory_space<vmem_shared>>)
        tpu.yield
      }) : () -> ()
      %add3A_111 = arith.constant 2 : i32
      %add3A_112 = arith.addi %mul3A_97, %add3A_111 : i32
      %lt3A = arith.constant 40 : i32
      %lt3A_113 = arith.cmpi slt, %add3A_112, %lt3A : i32
      %convert_element_type3A_114 = arith.extui %lt3A_113 : i1 to i32
      %cond3A_115 = arith.constant 0 : i32
      %cond3A_116 = arith.cmpi ne, %convert_element_type3A_114, %cond3A_115 : i32
      scf.if %cond3A_116 {
        %add3A_127 = arith.constant 2 : i32
        %add3A_128 = arith.addi %mul3A_97, %add3A_127 : i32
        %dma_start3A_129 = arith.constant 0 : i32
        %dma_start3A_130 = tpu.memref_slice %arg6[%add3A_128, %dma_start3A_129] : memref<40x125xi32, #tpu.memory_space<vmem>> -> memref<1x125xi32, #tpu.memory_space<vmem>>
        %dma_start3A_131 = tpu.memref_squeeze %dma_start3A_130 : memref<1x125xi32, #tpu.memory_space<vmem>> -> memref<125xi32, #tpu.memory_space<vmem>>
        %dma_start3A_132 = arith.constant 0 : i32
        %dma_start3A_133 = arith.constant 0 : i32
        %dma_start3A_134 = tpu.memref_slice %arg2[%dma_start3A_132, %dma_start3A_133] : memref<10000x128xf32, #tpu.memory_space<hbm>> -> memref<10000x128xf32, #tpu.memory_space<hbm>>
        tpu.enqueue_indirect_dma source(%dma_start3A_134 : memref<10000x128xf32, #tpu.memory_space<hbm>>) target(%arg8 : memref<125x128xf32, #tpu.memory_space<vmem>>) offsets(%dma_start3A_131 : memref<125xi32, #tpu.memory_space<vmem>>) semaphore(%arg12 : memref<!tpu.dma_semaphore, #tpu.memory_space<semaphore_mem>>)
      } else {
      }
      %add3A_117 = arith.constant 1 : i32
      %add3A_118 = arith.addi %mul3A_97, %add3A_117 : i32
      %dma_wait3A_119 = arith.constant 0 : i32
      %dma_wait3A_120 = tpu.memref_slice %arg6[%add3A_118, %dma_wait3A_119] : memref<40x125xi32, #tpu.memory_space<vmem>> -> memref<1x125xi32, #tpu.memory_space<vmem>>
      %dma_wait3A_121 = tpu.memref_squeeze %dma_wait3A_120 : memref<1x125xi32, #tpu.memory_space<vmem>> -> memref<125xi32, #tpu.memory_space<vmem>>
      %dma_wait3A_122 = arith.constant 0 : i32
      %dma_wait3A_123 = arith.constant 0 : i32
      %dma_wait3A_124 = tpu.memref_slice %arg2[%dma_wait3A_122, %dma_wait3A_123] : memref<10000x128xf32, #tpu.memory_space<hbm>> -> memref<10000x128xf32, #tpu.memory_space<hbm>>
      tpu.wait_indirect_dma semaphore(%arg13 : memref<!tpu.dma_semaphore, #tpu.memory_space<semaphore_mem>>) src(%dma_wait3A_124 : memref<10000x128xf32, #tpu.memory_space<hbm>>) dst(%arg9 : memref<125x128xf32, #tpu.memory_space<vmem>>)
      %add3A_125 = arith.constant 1 : i32
      %add3A_126 = arith.addi %mul3A_97, %add3A_125 : i32
      "tpu.region"() ({
        %run_scoped3A = tpu.sem_alloc : memref<!tpu.dma_semaphore, #tpu.memory_space<semaphore_mem>>
        %dma_start3A_127 = arith.constant 0 : i32
        %dma_start3A_128 = tpu.memref_slice %arg7[%add3A_126, %dma_start3A_127] : memref<40x125xi32, #tpu.memory_space<vmem>> -> memref<1x125xi32, #tpu.memory_space<vmem>>
        %dma_start3A_129 = tpu.memref_squeeze %dma_start3A_128 : memref<1x125xi32, #tpu.memory_space<vmem>> -> memref<125xi32, #tpu.memory_space<vmem>>
        %dma_start3A_130 = arith.constant 0 : i32
        %dma_start3A_131 = arith.constant 0 : i32
        %dma_start3A_132 = tpu.memref_slice %arg11[%dma_start3A_130, %dma_start3A_131] : memref<10000x128xf32, #tpu.memory_space<vmem_shared>> -> memref<10000x128xf32, #tpu.memory_space<vmem_shared>>
        tpu.enqueue_indirect_dma source(%arg9 : memref<125x128xf32, #tpu.memory_space<vmem>>) target(%dma_start3A_132 : memref<10000x128xf32, #tpu.memory_space<vmem_shared>>) offsets(%dma_start3A_129 : memref<125xi32, #tpu.memory_space<vmem>>) semaphore(%run_scoped3A : memref<!tpu.dma_semaphore, #tpu.memory_space<semaphore_mem>>) {add = true}
        %dma_wait3A_133 = arith.constant 0 : i32
        %dma_wait3A_134 = tpu.memref_slice %arg7[%add3A_126, %dma_wait3A_133] : memref<40x125xi32, #tpu.memory_space<vmem>> -> memref<1x125xi32, #tpu.memory_space<vmem>>
        %dma_wait3A_135 = tpu.memref_squeeze %dma_wait3A_134 : memref<1x125xi32, #tpu.memory_space<vmem>> -> memref<125xi32, #tpu.memory_space<vmem>>
        %dma_wait3A_136 = arith.constant 0 : i32
        %dma_wait3A_137 = arith.constant 0 : i32
        %dma_wait3A_138 = tpu.memref_slice %arg11[%dma_wait3A_136, %dma_wait3A_137] : memref<10000x128xf32, #tpu.memory_space<vmem_shared>> -> memref<10000x128xf32, #tpu.memory_space<vmem_shared>>
        tpu.wait_indirect_dma semaphore(%run_scoped3A : memref<!tpu.dma_semaphore, #tpu.memory_space<semaphore_mem>>) src(%arg9 : memref<125x128xf32, #tpu.memory_space<vmem>>) dst(%dma_wait3A_138 : memref<10000x128xf32, #tpu.memory_space<vmem_shared>>)
        tpu.yield
      }) : () -> ()
    }
    %scan3A_84 = arith.constant 20 : i32
    %barrier3A_85 = arith.constant 0 : index
    tpu.barrier barrier_id(%barrier3A_85)
    %mul3A_86 = arith.constant 624 : i32
    %mul3A_87 = arith.muli %arg1, %mul3A_86 : i32
    %mul3A_88 = arith.constant 624 : i32
    %mul3A_89 = arith.muli %arg1, %mul3A_88 : i32
    "tpu.region"() ({
      %run_scoped3A = tpu.sem_alloc : memref<!tpu.dma_semaphore, #tpu.memory_space<semaphore_mem>>
      %dma_start3A_95 = arith.constant 0 : i32
      %dma_start3A_96 = tpu.memref_slice %arg5[%arg0, %mul3A_89, %dma_start3A_95] : memref<2x10000x128xf32, #tpu.memory_space<hbm>> -> memref<1x624x128xf32, #tpu.memory_space<hbm>>
      %dma_start3A_97 = tpu.memref_squeeze %dma_start3A_96 : memref<1x624x128xf32, #tpu.memory_space<hbm>> -> memref<624x128xf32, #tpu.memory_space<hbm>>
      %dma_start3A_98 = arith.constant 0 : i32
      %dma_start3A_99 = tpu.memref_slice %arg11[%mul3A_87, %dma_start3A_98] : memref<10000x128xf32, #tpu.memory_space<vmem_shared>> -> memref<624x128xf32, #tpu.memory_space<vmem_shared>>
      tpu.enqueue_dma source(%dma_start3A_99 : memref<624x128xf32, #tpu.memory_space<vmem_shared>>) target(%dma_start3A_97 : memref<624x128xf32, #tpu.memory_space<hbm>>) target_semaphore(%run_scoped3A : memref<!tpu.dma_semaphore, #tpu.memory_space<semaphore_mem>>)
      %dma_wait3A = arith.constant 0 : i32
      %dma_wait3A_100 = tpu.memref_slice %arg5[%arg0, %mul3A_89, %dma_wait3A] : memref<2x10000x128xf32, #tpu.memory_space<hbm>> -> memref<1x624x128xf32, #tpu.memory_space<hbm>>
      %dma_wait3A_101 = tpu.memref_squeeze %dma_wait3A_100 : memref<1x624x128xf32, #tpu.memory_space<hbm>> -> memref<624x128xf32, #tpu.memory_space<hbm>>
      %dma_wait3A_102 = arith.constant 0 : i32
      %dma_wait3A_103 = tpu.memref_slice %arg11[%mul3A_87, %dma_wait3A_102] : memref<10000x128xf32, #tpu.memory_space<vmem_shared>> -> memref<624x128xf32, #tpu.memory_space<vmem_shared>>
      tpu.wait_dma2 semaphore(%run_scoped3A : memref<!tpu.dma_semaphore, #tpu.memory_space<semaphore_mem>>) src(%dma_wait3A_103 : memref<624x128xf32, #tpu.memory_space<vmem_shared>>) dst(%dma_wait3A_101 : memref<624x128xf32, #tpu.memory_space<hbm>>)
      tpu.yield
    }) : () -> ()
    %eq3A_90 = arith.constant 0 : i32
    %eq3A_91 = arith.cmpi eq, %arg1, %eq3A_90 : i32
    %convert_element_type3A_92 = arith.extui %eq3A_91 : i1 to i32
    %cond3A_93 = arith.constant 0 : i32
    %cond3A_94 = arith.cmpi ne, %convert_element_type3A_92, %cond3A_93 : i32
    scf.if %cond3A_94 {
      "tpu.region"() ({
        %run_scoped3A = tpu.sem_alloc : memref<!tpu.dma_semaphore, #tpu.memory_space<semaphore_mem>>
        %dma_start3A_95 = arith.constant 9984 : i32
        %dma_start3A_96 = arith.constant 0 : i32
        %dma_start3A_97 = tpu.memref_slice %arg5[%arg0, %dma_start3A_95, %dma_start3A_96] : memref<2x10000x128xf32, #tpu.memory_space<hbm>> -> memref<1x16x128xf32, #tpu.memory_space<hbm>>
        %dma_start3A_98 = tpu.memref_squeeze %dma_start3A_97 : memref<1x16x128xf32, #tpu.memory_space<hbm>> -> memref<16x128xf32, #tpu.memory_space<hbm>>
        %dma_start3A_99 = arith.constant 9984 : i32
        %dma_start3A_100 = arith.constant 0 : i32
        %dma_start3A_101 = tpu.memref_slice %arg11[%dma_start3A_99, %dma_start3A_100] : memref<10000x128xf32, #tpu.memory_space<vmem_shared>> -> memref<16x128xf32, #tpu.memory_space<vmem_shared>>
        tpu.enqueue_dma source(%dma_start3A_101 : memref<16x128xf32, #tpu.memory_space<vmem_shared>>) target(%dma_start3A_98 : memref<16x128xf32, #tpu.memory_space<hbm>>) target_semaphore(%run_scoped3A : memref<!tpu.dma_semaphore, #tpu.memory_space<semaphore_mem>>)
        %dma_wait3A = arith.constant 9984 : i32
        %dma_wait3A_102 = arith.constant 0 : i32
        %dma_wait3A_103 = tpu.memref_slice %arg5[%arg0, %dma_wait3A, %dma_wait3A_102] : memref<2x10000x128xf32, #tpu.memory_space<hbm>> -> memref<1x16x128xf32, #tpu.memory_space<hbm>>
        %dma_wait3A_104 = tpu.memref_squeeze %dma_wait3A_103 : memref<1x16x128xf32, #tpu.memory_space<hbm>> -> memref<16x128xf32, #tpu.memory_space<hbm>>
        %dma_wait3A_105 = arith.constant 9984 : i32
        %dma_wait3A_106 = arith.constant 0 : i32
        %dma_wait3A_107 = tpu.memref_slice %arg11[%dma_wait3A_105, %dma_wait3A_106] : memref<10000x128xf32, #tpu.memory_space<vmem_shared>> -> memref<16x128xf32, #tpu.memory_space<vmem_shared>>
        tpu.wait_dma2 semaphore(%run_scoped3A : memref<!tpu.dma_semaphore, #tpu.memory_space<semaphore_mem>>) src(%dma_wait3A_107 : memref<16x128xf32, #tpu.memory_space<vmem_shared>>) dst(%dma_wait3A_104 : memref<16x128xf32, #tpu.memory_space<hbm>>)
        tpu.yield
      }) : () -> ()
    } else {
    }
    return
  }
}

#map = affine_map<(d0, d1) -> (0, 0)>
#map1 = affine_map<(d0, d1) -> (0, 0, 0)>
module attributes {stable_mosaic.version = 14 : i64} {
  func.func @aggr_k(%arg0: i32, %arg1: i32, %arg2: memref<10000x128xf32, #tpu.memory_space<hbm>>, %arg3: memref<32x80x125xi32, #tpu.memory_space<hbm>>, %arg4: memref<32x80x125xi32, #tpu.memory_space<hbm>>, %arg5: memref<2x10000x128xf32, #tpu.memory_space<hbm>>, %arg6: memref<40x125xi32, #tpu.memory_space<vmem>>, %arg7: memref<40x125xi32, #tpu.memory_space<vmem>>, %arg8: memref<125x128xf32, #tpu.memory_space<vmem>>, %arg9: memref<125x128xf32, #tpu.memory_space<vmem>>, %arg10: memref<48x128xf32, #tpu.memory_space<vmem>>, %arg11: memref<10000x128xf32, #tpu.memory_space<vmem_shared>>, %arg12: memref<!tpu.dma_semaphore, #tpu.memory_space<semaphore_mem>>, %arg13: memref<!tpu.dma_semaphore, #tpu.memory_space<semaphore_mem>>) attributes {dimension_semantics = [#tpu.dimension_semantics<core_parallel>, #tpu.dimension_semantics<subcore_parallel>], iteration_bounds = array<i64: 2, 16>, scalar_prefetch = 0 : i64, scratch_operands = 8 : i64, tpu.core_type = #tpu.core_type<sc_vector_subcore>, window_params = [{transform_indices = #map}, {transform_indices = #map1}, {transform_indices = #map1}, {transform_indices = #map1}]} {
    %mul3A = arith.constant 16 : i32
    %mul3A_0 = arith.muli %arg0, %mul3A : i32
    %add3A = arith.addi %mul3A_0, %arg1 : i32
    %scan3A = arith.constant 0 : i32
    %scan3A_1 = arith.constant 0 : i32
    %scan3A_2 = arith.constant 48 : i32
    %scan3A_3 = arith.addi %scan3A_1, %scan3A_2 : i32
    %scan3A_4 = arith.constant 1 : i32
    scf.for %scan3A_95 = %scan3A_1 to %scan3A_3 step %scan3A_4  : i32 {
      %broadcast_in_dim3A = arith.constant 0.000000e+00 : f32
      %broadcast_in_dim3A_96 = vector.broadcast %broadcast_in_dim3A : f32 to vector<16xf32>
      %swap3A = arith.index_cast %scan3A_95 : i32 to index
      %swap3A_97 = arith.constant 0 : index
      %swap3A_98 = tpu.vector_load %arg10[%swap3A, %swap3A_97] {strides = array<i32>} : memref<48x128xf32, #tpu.memory_space<vmem>>, vector<1x16xf32>,
      %swap3A_99 = vector.shape_cast %swap3A_98 : vector<1x16xf32> to vector<16xf32>
      %swap3A_100 = vector.shape_cast %broadcast_in_dim3A_96 : vector<16xf32> to vector<1x16xf32>
      tpu.vector_store %arg10[%swap3A, %swap3A_97], %swap3A_100 {strides = array<i32>} : memref<48x128xf32, #tpu.memory_space<vmem>>, vector<1x16xf32>,
      %broadcast_in_dim3A_101 = arith.constant 0.000000e+00 : f32
      %broadcast_in_dim3A_102 = vector.broadcast %broadcast_in_dim3A_101 : f32 to vector<16xf32>
      %swap3A_103 = arith.index_cast %scan3A_95 : i32 to index
      %swap3A_104 = arith.constant 16 : index
      %swap3A_105 = tpu.vector_load %arg10[%swap3A_103, %swap3A_104] {strides = array<i32>} : memref<48x128xf32, #tpu.memory_space<vmem>>, vector<1x16xf32>,
      %swap3A_106 = vector.shape_cast %swap3A_105 : vector<1x16xf32> to vector<16xf32>
      %swap3A_107 = vector.shape_cast %broadcast_in_dim3A_102 : vector<16xf32> to vector<1x16xf32>
      tpu.vector_store %arg10[%swap3A_103, %swap3A_104], %swap3A_107 {strides = array<i32>} : memref<48x128xf32, #tpu.memory_space<vmem>>, vector<1x16xf32>,
      %broadcast_in_dim3A_108 = arith.constant 0.000000e+00 : f32
      %broadcast_in_dim3A_109 = vector.broadcast %broadcast_in_dim3A_108 : f32 to vector<16xf32>
      %swap3A_110 = arith.index_cast %scan3A_95 : i32 to index
      %swap3A_111 = arith.constant 32 : index
      %swap3A_112 = tpu.vector_load %arg10[%swap3A_110, %swap3A_111] {strides = array<i32>} : memref<48x128xf32, #tpu.memory_space<vmem>>, vector<1x16xf32>,
      %swap3A_113 = vector.shape_cast %swap3A_112 : vector<1x16xf32> to vector<16xf32>
      %swap3A_114 = vector.shape_cast %broadcast_in_dim3A_109 : vector<16xf32> to vector<1x16xf32>
      tpu.vector_store %arg10[%swap3A_110, %swap3A_111], %swap3A_114 {strides = array<i32>} : memref<48x128xf32, #tpu.memory_space<vmem>>, vector<1x16xf32>,
      %broadcast_in_dim3A_115 = arith.constant 0.000000e+00 : f32
      %broadcast_in_dim3A_116 = vector.broadcast %broadcast_in_dim3A_115 : f32 to vector<16xf32>
      %swap3A_117 = arith.index_cast %scan3A_95 : i32 to index
      %swap3A_118 = arith.constant 48 : index
      %swap3A_119 = tpu.vector_load %arg10[%swap3A_117, %swap3A_118] {strides = array<i32>} : memref<48x128xf32, #tpu.memory_space<vmem>>, vector<1x16xf32>,
      %swap3A_120 = vector.shape_cast %swap3A_119 : vector<1x16xf32> to vector<16xf32>
      %swap3A_121 = vector.shape_cast %broadcast_in_dim3A_116 : vector<16xf32> to vector<1x16xf32>
      tpu.vector_store %arg10[%swap3A_117, %swap3A_118], %swap3A_121 {strides = array<i32>} : memref<48x128xf32, #tpu.memory_space<vmem>>, vector<1x16xf32>,
      %broadcast_in_dim3A_122 = arith.constant 0.000000e+00 : f32
      %broadcast_in_dim3A_123 = vector.broadcast %broadcast_in_dim3A_122 : f32 to vector<16xf32>
      %swap3A_124 = arith.index_cast %scan3A_95 : i32 to index
      %swap3A_125 = arith.constant 64 : index
      %swap3A_126 = tpu.vector_load %arg10[%swap3A_124, %swap3A_125] {strides = array<i32>} : memref<48x128xf32, #tpu.memory_space<vmem>>, vector<1x16xf32>,
      %swap3A_127 = vector.shape_cast %swap3A_126 : vector<1x16xf32> to vector<16xf32>
      %swap3A_128 = vector.shape_cast %broadcast_in_dim3A_123 : vector<16xf32> to vector<1x16xf32>
      tpu.vector_store %arg10[%swap3A_124, %swap3A_125], %swap3A_128 {strides = array<i32>} : memref<48x128xf32, #tpu.memory_space<vmem>>, vector<1x16xf32>,
      %broadcast_in_dim3A_129 = arith.constant 0.000000e+00 : f32
      %broadcast_in_dim3A_130 = vector.broadcast %broadcast_in_dim3A_129 : f32 to vector<16xf32>
      %swap3A_131 = arith.index_cast %scan3A_95 : i32 to index
      %swap3A_132 = arith.constant 80 : index
      %swap3A_133 = tpu.vector_load %arg10[%swap3A_131, %swap3A_132] {strides = array<i32>} : memref<48x128xf32, #tpu.memory_space<vmem>>, vector<1x16xf32>,
      %swap3A_134 = vector.shape_cast %swap3A_133 : vector<1x16xf32> to vector<16xf32>
      %swap3A_135 = vector.shape_cast %broadcast_in_dim3A_130 : vector<16xf32> to vector<1x16xf32>
      tpu.vector_store %arg10[%swap3A_131, %swap3A_132], %swap3A_135 {strides = array<i32>} : memref<48x128xf32, #tpu.memory_space<vmem>>, vector<1x16xf32>,
      %broadcast_in_dim3A_136 = arith.constant 0.000000e+00 : f32
      %broadcast_in_dim3A_137 = vector.broadcast %broadcast_in_dim3A_136 : f32 to vector<16xf32>
      %swap3A_138 = arith.index_cast %scan3A_95 : i32 to index
      %swap3A_139 = arith.constant 96 : index
      %swap3A_140 = tpu.vector_load %arg10[%swap3A_138, %swap3A_139] {strides = array<i32>} : memref<48x128xf32, #tpu.memory_space<vmem>>, vector<1x16xf32>,
      %swap3A_141 = vector.shape_cast %swap3A_140 : vector<1x16xf32> to vector<16xf32>
      %swap3A_142 = vector.shape_cast %broadcast_in_dim3A_137 : vector<16xf32> to vector<1x16xf32>
      tpu.vector_store %arg10[%swap3A_138, %swap3A_139], %swap3A_142 {strides = array<i32>} : memref<48x128xf32, #tpu.memory_space<vmem>>, vector<1x16xf32>,
      %broadcast_in_dim3A_143 = arith.constant 0.000000e+00 : f32
      %broadcast_in_dim3A_144 = vector.broadcast %broadcast_in_dim3A_143 : f32 to vector<16xf32>
      %swap3A_145 = arith.index_cast %scan3A_95 : i32 to index
      %swap3A_146 = arith.constant 112 : index
      %swap3A_147 = tpu.vector_load %arg10[%swap3A_145, %swap3A_146] {strides = array<i32>} : memref<48x128xf32, #tpu.memory_space<vmem>>, vector<1x16xf32>,
      %swap3A_148 = vector.shape_cast %swap3A_147 : vector<1x16xf32> to vector<16xf32>
      %swap3A_149 = vector.shape_cast %broadcast_in_dim3A_144 : vector<16xf32> to vector<1x16xf32>
      tpu.vector_store %arg10[%swap3A_145, %swap3A_146], %swap3A_149 {strides = array<i32>} : memref<48x128xf32, #tpu.memory_space<vmem>>, vector<1x16xf32>,
    }
    %scan3A_5 = arith.constant 48 : i32
    %mul3A_6 = arith.constant 624 : i32
    %mul3A_7 = arith.muli %arg1, %mul3A_6 : i32
    %add3A_8 = arith.constant 0 : i32
    %add3A_9 = arith.addi %mul3A_7, %add3A_8 : i32
    "tpu.region"() ({
      %run_scoped3A = tpu.sem_alloc : memref<!tpu.dma_semaphore, #tpu.memory_space<semaphore_mem>>
      %dma_start3A_95 = arith.constant 0 : i32
      %dma_start3A_96 = tpu.memref_slice %arg11[%add3A_9, %dma_start3A_95] : memref<10000x128xf32, #tpu.memory_space<vmem_shared>> -> memref<48x128xf32, #tpu.memory_space<vmem_shared>>
      %dma_start3A_97 = arith.constant 0 : i32
      %dma_start3A_98 = tpu.memref_slice %arg11[%add3A_9, %dma_start3A_97] : memref<10000x128xf32, #tpu.memory_space<vmem_shared>> -> memref<48x128xf32, #tpu.memory_space<vmem_shared>>
      tpu.enqueue_dma source(%arg10 : memref<48x128xf32, #tpu.memory_space<vmem>>) target(%dma_start3A_98 : memref<48x128xf32, #tpu.memory_space<vmem_shared>>) target_semaphore(%run_scoped3A : memref<!tpu.dma_semaphore, #tpu.memory_space<semaphore_mem>>)
      %dma_wait3A = arith.constant 0 : i32
      %dma_wait3A_99 = tpu.memref_slice %arg11[%add3A_9, %dma_wait3A] : memref<10000x128xf32, #tpu.memory_space<vmem_shared>> -> memref<48x128xf32, #tpu.memory_space<vmem_shared>>
      %dma_wait3A_100 = arith.constant 0 : i32
      %dma_wait3A_101 = tpu.memref_slice %arg11[%add3A_9, %dma_wait3A_100] : memref<10000x128xf32, #tpu.memory_space<vmem_shared>> -> memref<48x128xf32, #tpu.memory_space<vmem_shared>>
      tpu.wait_dma2 semaphore(%run_scoped3A : memref<!tpu.dma_semaphore, #tpu.memory_space<semaphore_mem>>) src(%arg10 : memref<48x128xf32, #tpu.memory_space<vmem>>) dst(%dma_wait3A_101 : memref<48x128xf32, #tpu.memory_space<vmem_shared>>)
      tpu.yield
    }) : () -> ()
    %mul3A_10 = arith.constant 624 : i32
    %mul3A_11 = arith.muli %arg1, %mul3A_10 : i32
    %add3A_12 = arith.constant 48 : i32
    %add3A_13 = arith.addi %mul3A_11, %add3A_12 : i32
    "tpu.region"() ({
      %run_scoped3A = tpu.sem_alloc : memref<!tpu.dma_semaphore, #tpu.memory_space<semaphore_mem>>
      %dma_start3A_95 = arith.constant 0 : i32
      %dma_start3A_96 = tpu.memref_slice %arg11[%add3A_13, %dma_start3A_95] : memref<10000x128xf32, #tpu.memory_space<vmem_shared>> -> memref<48x128xf32, #tpu.memory_space<vmem_shared>>
      %dma_start3A_97 = arith.constant 0 : i32
      %dma_start3A_98 = tpu.memref_slice %arg11[%add3A_13, %dma_start3A_97] : memref<10000x128xf32, #tpu.memory_space<vmem_shared>> -> memref<48x128xf32, #tpu.memory_space<vmem_shared>>
      tpu.enqueue_dma source(%arg10 : memref<48x128xf32, #tpu.memory_space<vmem>>) target(%dma_start3A_98 : memref<48x128xf32, #tpu.memory_space<vmem_shared>>) target_semaphore(%run_scoped3A : memref<!tpu.dma_semaphore, #tpu.memory_space<semaphore_mem>>)
      %dma_wait3A = arith.constant 0 : i32
      %dma_wait3A_99 = tpu.memref_slice %arg11[%add3A_13, %dma_wait3A] : memref<10000x128xf32, #tpu.memory_space<vmem_shared>> -> memref<48x128xf32, #tpu.memory_space<vmem_shared>>
      %dma_wait3A_100 = arith.constant 0 : i32
      %dma_wait3A_101 = tpu.memref_slice %arg11[%add3A_13, %dma_wait3A_100] : memref<10000x128xf32, #tpu.memory_space<vmem_shared>> -> memref<48x128xf32, #tpu.memory_space<vmem_shared>>
      tpu.wait_dma2 semaphore(%run_scoped3A : memref<!tpu.dma_semaphore, #tpu.memory_space<semaphore_mem>>) src(%arg10 : memref<48x128xf32, #tpu.memory_space<vmem>>) dst(%dma_wait3A_101 : memref<48x128xf32, #tpu.memory_space<vmem_shared>>)
      tpu.yield
    }) : () -> ()
    %mul3A_14 = arith.constant 624 : i32
    %mul3A_15 = arith.muli %arg1, %mul3A_14 : i32
    %add3A_16 = arith.constant 96 : i32
    %add3A_17 = arith.addi %mul3A_15, %add3A_16 : i32
    "tpu.region"() ({
      %run_scoped3A = tpu.sem_alloc : memref<!tpu.dma_semaphore, #tpu.memory_space<semaphore_mem>>
      %dma_start3A_95 = arith.constant 0 : i32
      %dma_start3A_96 = tpu.memref_slice %arg11[%add3A_17, %dma_start3A_95] : memref<10000x128xf32, #tpu.memory_space<vmem_shared>> -> memref<48x128xf32, #tpu.memory_space<vmem_shared>>
      %dma_start3A_97 = arith.constant 0 : i32
      %dma_start3A_98 = tpu.memref_slice %arg11[%add3A_17, %dma_start3A_97] : memref<10000x128xf32, #tpu.memory_space<vmem_shared>> -> memref<48x128xf32, #tpu.memory_space<vmem_shared>>
      tpu.enqueue_dma source(%arg10 : memref<48x128xf32, #tpu.memory_space<vmem>>) target(%dma_start3A_98 : memref<48x128xf32, #tpu.memory_space<vmem_shared>>) target_semaphore(%run_scoped3A : memref<!tpu.dma_semaphore, #tpu.memory_space<semaphore_mem>>)
      %dma_wait3A = arith.constant 0 : i32
      %dma_wait3A_99 = tpu.memref_slice %arg11[%add3A_17, %dma_wait3A] : memref<10000x128xf32, #tpu.memory_space<vmem_shared>> -> memref<48x128xf32, #tpu.memory_space<vmem_shared>>
      %dma_wait3A_100 = arith.constant 0 : i32
      %dma_wait3A_101 = tpu.memref_slice %arg11[%add3A_17, %dma_wait3A_100] : memref<10000x128xf32, #tpu.memory_space<vmem_shared>> -> memref<48x128xf32, #tpu.memory_space<vmem_shared>>
      tpu.wait_dma2 semaphore(%run_scoped3A : memref<!tpu.dma_semaphore, #tpu.memory_space<semaphore_mem>>) src(%arg10 : memref<48x128xf32, #tpu.memory_space<vmem>>) dst(%dma_wait3A_101 : memref<48x128xf32, #tpu.memory_space<vmem_shared>>)
      tpu.yield
    }) : () -> ()
    %mul3A_18 = arith.constant 624 : i32
    %mul3A_19 = arith.muli %arg1, %mul3A_18 : i32
    %add3A_20 = arith.constant 144 : i32
    %add3A_21 = arith.addi %mul3A_19, %add3A_20 : i32
    "tpu.region"() ({
      %run_scoped3A = tpu.sem_alloc : memref<!tpu.dma_semaphore, #tpu.memory_space<semaphore_mem>>
      %dma_start3A_95 = arith.constant 0 : i32
      %dma_start3A_96 = tpu.memref_slice %arg11[%add3A_21, %dma_start3A_95] : memref<10000x128xf32, #tpu.memory_space<vmem_shared>> -> memref<48x128xf32, #tpu.memory_space<vmem_shared>>
      %dma_start3A_97 = arith.constant 0 : i32
      %dma_start3A_98 = tpu.memref_slice %arg11[%add3A_21, %dma_start3A_97] : memref<10000x128xf32, #tpu.memory_space<vmem_shared>> -> memref<48x128xf32, #tpu.memory_space<vmem_shared>>
      tpu.enqueue_dma source(%arg10 : memref<48x128xf32, #tpu.memory_space<vmem>>) target(%dma_start3A_98 : memref<48x128xf32, #tpu.memory_space<vmem_shared>>) target_semaphore(%run_scoped3A : memref<!tpu.dma_semaphore, #tpu.memory_space<semaphore_mem>>)
      %dma_wait3A = arith.constant 0 : i32
      %dma_wait3A_99 = tpu.memref_slice %arg11[%add3A_21, %dma_wait3A] : memref<10000x128xf32, #tpu.memory_space<vmem_shared>> -> memref<48x128xf32, #tpu.memory_space<vmem_shared>>
      %dma_wait3A_100 = arith.constant 0 : i32
      %dma_wait3A_101 = tpu.memref_slice %arg11[%add3A_21, %dma_wait3A_100] : memref<10000x128xf32, #tpu.memory_space<vmem_shared>> -> memref<48x128xf32, #tpu.memory_space<vmem_shared>>
      tpu.wait_dma2 semaphore(%run_scoped3A : memref<!tpu.dma_semaphore, #tpu.memory_space<semaphore_mem>>) src(%arg10 : memref<48x128xf32, #tpu.memory_space<vmem>>) dst(%dma_wait3A_101 : memref<48x128xf32, #tpu.memory_space<vmem_shared>>)
      tpu.yield
    }) : () -> ()
    %mul3A_22 = arith.constant 624 : i32
    %mul3A_23 = arith.muli %arg1, %mul3A_22 : i32
    %add3A_24 = arith.constant 192 : i32
    %add3A_25 = arith.addi %mul3A_23, %add3A_24 : i32
    "tpu.region"() ({
      %run_scoped3A = tpu.sem_alloc : memref<!tpu.dma_semaphore, #tpu.memory_space<semaphore_mem>>
      %dma_start3A_95 = arith.constant 0 : i32
      %dma_start3A_96 = tpu.memref_slice %arg11[%add3A_25, %dma_start3A_95] : memref<10000x128xf32, #tpu.memory_space<vmem_shared>> -> memref<48x128xf32, #tpu.memory_space<vmem_shared>>
      %dma_start3A_97 = arith.constant 0 : i32
      %dma_start3A_98 = tpu.memref_slice %arg11[%add3A_25, %dma_start3A_97] : memref<10000x128xf32, #tpu.memory_space<vmem_shared>> -> memref<48x128xf32, #tpu.memory_space<vmem_shared>>
      tpu.enqueue_dma source(%arg10 : memref<48x128xf32, #tpu.memory_space<vmem>>) target(%dma_start3A_98 : memref<48x128xf32, #tpu.memory_space<vmem_shared>>) target_semaphore(%run_scoped3A : memref<!tpu.dma_semaphore, #tpu.memory_space<semaphore_mem>>)
      %dma_wait3A = arith.constant 0 : i32
      %dma_wait3A_99 = tpu.memref_slice %arg11[%add3A_25, %dma_wait3A] : memref<10000x128xf32, #tpu.memory_space<vmem_shared>> -> memref<48x128xf32, #tpu.memory_space<vmem_shared>>
      %dma_wait3A_100 = arith.constant 0 : i32
      %dma_wait3A_101 = tpu.memref_slice %arg11[%add3A_25, %dma_wait3A_100] : memref<10000x128xf32, #tpu.memory_space<vmem_shared>> -> memref<48x128xf32, #tpu.memory_space<vmem_shared>>
      tpu.wait_dma2 semaphore(%run_scoped3A : memref<!tpu.dma_semaphore, #tpu.memory_space<semaphore_mem>>) src(%arg10 : memref<48x128xf32, #tpu.memory_space<vmem>>) dst(%dma_wait3A_101 : memref<48x128xf32, #tpu.memory_space<vmem_shared>>)
      tpu.yield
    }) : () -> ()
    %mul3A_26 = arith.constant 624 : i32
    %mul3A_27 = arith.muli %arg1, %mul3A_26 : i32
    %add3A_28 = arith.constant 240 : i32
    %add3A_29 = arith.addi %mul3A_27, %add3A_28 : i32
    "tpu.region"() ({
      %run_scoped3A = tpu.sem_alloc : memref<!tpu.dma_semaphore, #tpu.memory_space<semaphore_mem>>
      %dma_start3A_95 = arith.constant 0 : i32
      %dma_start3A_96 = tpu.memref_slice %arg11[%add3A_29, %dma_start3A_95] : memref<10000x128xf32, #tpu.memory_space<vmem_shared>> -> memref<48x128xf32, #tpu.memory_space<vmem_shared>>
      %dma_start3A_97 = arith.constant 0 : i32
      %dma_start3A_98 = tpu.memref_slice %arg11[%add3A_29, %dma_start3A_97] : memref<10000x128xf32, #tpu.memory_space<vmem_shared>> -> memref<48x128xf32, #tpu.memory_space<vmem_shared>>
      tpu.enqueue_dma source(%arg10 : memref<48x128xf32, #tpu.memory_space<vmem>>) target(%dma_start3A_98 : memref<48x128xf32, #tpu.memory_space<vmem_shared>>) target_semaphore(%run_scoped3A : memref<!tpu.dma_semaphore, #tpu.memory_space<semaphore_mem>>)
      %dma_wait3A = arith.constant 0 : i32
      %dma_wait3A_99 = tpu.memref_slice %arg11[%add3A_29, %dma_wait3A] : memref<10000x128xf32, #tpu.memory_space<vmem_shared>> -> memref<48x128xf32, #tpu.memory_space<vmem_shared>>
      %dma_wait3A_100 = arith.constant 0 : i32
      %dma_wait3A_101 = tpu.memref_slice %arg11[%add3A_29, %dma_wait3A_100] : memref<10000x128xf32, #tpu.memory_space<vmem_shared>> -> memref<48x128xf32, #tpu.memory_space<vmem_shared>>
      tpu.wait_dma2 semaphore(%run_scoped3A : memref<!tpu.dma_semaphore, #tpu.memory_space<semaphore_mem>>) src(%arg10 : memref<48x128xf32, #tpu.memory_space<vmem>>) dst(%dma_wait3A_101 : memref<48x128xf32, #tpu.memory_space<vmem_shared>>)
      tpu.yield
    }) : () -> ()
    %mul3A_30 = arith.constant 624 : i32
    %mul3A_31 = arith.muli %arg1, %mul3A_30 : i32
    %add3A_32 = arith.constant 288 : i32
    %add3A_33 = arith.addi %mul3A_31, %add3A_32 : i32
    "tpu.region"() ({
      %run_scoped3A = tpu.sem_alloc : memref<!tpu.dma_semaphore, #tpu.memory_space<semaphore_mem>>
      %dma_start3A_95 = arith.constant 0 : i32
      %dma_start3A_96 = tpu.memref_slice %arg11[%add3A_33, %dma_start3A_95] : memref<10000x128xf32, #tpu.memory_space<vmem_shared>> -> memref<48x128xf32, #tpu.memory_space<vmem_shared>>
      %dma_start3A_97 = arith.constant 0 : i32
      %dma_start3A_98 = tpu.memref_slice %arg11[%add3A_33, %dma_start3A_97] : memref<10000x128xf32, #tpu.memory_space<vmem_shared>> -> memref<48x128xf32, #tpu.memory_space<vmem_shared>>
      tpu.enqueue_dma source(%arg10 : memref<48x128xf32, #tpu.memory_space<vmem>>) target(%dma_start3A_98 : memref<48x128xf32, #tpu.memory_space<vmem_shared>>) target_semaphore(%run_scoped3A : memref<!tpu.dma_semaphore, #tpu.memory_space<semaphore_mem>>)
      %dma_wait3A = arith.constant 0 : i32
      %dma_wait3A_99 = tpu.memref_slice %arg11[%add3A_33, %dma_wait3A] : memref<10000x128xf32, #tpu.memory_space<vmem_shared>> -> memref<48x128xf32, #tpu.memory_space<vmem_shared>>
      %dma_wait3A_100 = arith.constant 0 : i32
      %dma_wait3A_101 = tpu.memref_slice %arg11[%add3A_33, %dma_wait3A_100] : memref<10000x128xf32, #tpu.memory_space<vmem_shared>> -> memref<48x128xf32, #tpu.memory_space<vmem_shared>>
      tpu.wait_dma2 semaphore(%run_scoped3A : memref<!tpu.dma_semaphore, #tpu.memory_space<semaphore_mem>>) src(%arg10 : memref<48x128xf32, #tpu.memory_space<vmem>>) dst(%dma_wait3A_101 : memref<48x128xf32, #tpu.memory_space<vmem_shared>>)
      tpu.yield
    }) : () -> ()
    %mul3A_34 = arith.constant 624 : i32
    %mul3A_35 = arith.muli %arg1, %mul3A_34 : i32
    %add3A_36 = arith.constant 336 : i32
    %add3A_37 = arith.addi %mul3A_35, %add3A_36 : i32
    "tpu.region"() ({
      %run_scoped3A = tpu.sem_alloc : memref<!tpu.dma_semaphore, #tpu.memory_space<semaphore_mem>>
      %dma_start3A_95 = arith.constant 0 : i32
      %dma_start3A_96 = tpu.memref_slice %arg11[%add3A_37, %dma_start3A_95] : memref<10000x128xf32, #tpu.memory_space<vmem_shared>> -> memref<48x128xf32, #tpu.memory_space<vmem_shared>>
      %dma_start3A_97 = arith.constant 0 : i32
      %dma_start3A_98 = tpu.memref_slice %arg11[%add3A_37, %dma_start3A_97] : memref<10000x128xf32, #tpu.memory_space<vmem_shared>> -> memref<48x128xf32, #tpu.memory_space<vmem_shared>>
      tpu.enqueue_dma source(%arg10 : memref<48x128xf32, #tpu.memory_space<vmem>>) target(%dma_start3A_98 : memref<48x128xf32, #tpu.memory_space<vmem_shared>>) target_semaphore(%run_scoped3A : memref<!tpu.dma_semaphore, #tpu.memory_space<semaphore_mem>>)
      %dma_wait3A = arith.constant 0 : i32
      %dma_wait3A_99 = tpu.memref_slice %arg11[%add3A_37, %dma_wait3A] : memref<10000x128xf32, #tpu.memory_space<vmem_shared>> -> memref<48x128xf32, #tpu.memory_space<vmem_shared>>
      %dma_wait3A_100 = arith.constant 0 : i32
      %dma_wait3A_101 = tpu.memref_slice %arg11[%add3A_37, %dma_wait3A_100] : memref<10000x128xf32, #tpu.memory_space<vmem_shared>> -> memref<48x128xf32, #tpu.memory_space<vmem_shared>>
      tpu.wait_dma2 semaphore(%run_scoped3A : memref<!tpu.dma_semaphore, #tpu.memory_space<semaphore_mem>>) src(%arg10 : memref<48x128xf32, #tpu.memory_space<vmem>>) dst(%dma_wait3A_101 : memref<48x128xf32, #tpu.memory_space<vmem_shared>>)
      tpu.yield
    }) : () -> ()
    %mul3A_38 = arith.constant 624 : i32
    %mul3A_39 = arith.muli %arg1, %mul3A_38 : i32
    %add3A_40 = arith.constant 384 : i32
    %add3A_41 = arith.addi %mul3A_39, %add3A_40 : i32
    "tpu.region"() ({
      %run_scoped3A = tpu.sem_alloc : memref<!tpu.dma_semaphore, #tpu.memory_space<semaphore_mem>>
      %dma_start3A_95 = arith.constant 0 : i32
      %dma_start3A_96 = tpu.memref_slice %arg11[%add3A_41, %dma_start3A_95] : memref<10000x128xf32, #tpu.memory_space<vmem_shared>> -> memref<48x128xf32, #tpu.memory_space<vmem_shared>>
      %dma_start3A_97 = arith.constant 0 : i32
      %dma_start3A_98 = tpu.memref_slice %arg11[%add3A_41, %dma_start3A_97] : memref<10000x128xf32, #tpu.memory_space<vmem_shared>> -> memref<48x128xf32, #tpu.memory_space<vmem_shared>>
      tpu.enqueue_dma source(%arg10 : memref<48x128xf32, #tpu.memory_space<vmem>>) target(%dma_start3A_98 : memref<48x128xf32, #tpu.memory_space<vmem_shared>>) target_semaphore(%run_scoped3A : memref<!tpu.dma_semaphore, #tpu.memory_space<semaphore_mem>>)
      %dma_wait3A = arith.constant 0 : i32
      %dma_wait3A_99 = tpu.memref_slice %arg11[%add3A_41, %dma_wait3A] : memref<10000x128xf32, #tpu.memory_space<vmem_shared>> -> memref<48x128xf32, #tpu.memory_space<vmem_shared>>
      %dma_wait3A_100 = arith.constant 0 : i32
      %dma_wait3A_101 = tpu.memref_slice %arg11[%add3A_41, %dma_wait3A_100] : memref<10000x128xf32, #tpu.memory_space<vmem_shared>> -> memref<48x128xf32, #tpu.memory_space<vmem_shared>>
      tpu.wait_dma2 semaphore(%run_scoped3A : memref<!tpu.dma_semaphore, #tpu.memory_space<semaphore_mem>>) src(%arg10 : memref<48x128xf32, #tpu.memory_space<vmem>>) dst(%dma_wait3A_101 : memref<48x128xf32, #tpu.memory_space<vmem_shared>>)
      tpu.yield
    }) : () -> ()
    %mul3A_42 = arith.constant 624 : i32
    %mul3A_43 = arith.muli %arg1, %mul3A_42 : i32
    %add3A_44 = arith.constant 432 : i32
    %add3A_45 = arith.addi %mul3A_43, %add3A_44 : i32
    "tpu.region"() ({
      %run_scoped3A = tpu.sem_alloc : memref<!tpu.dma_semaphore, #tpu.memory_space<semaphore_mem>>
      %dma_start3A_95 = arith.constant 0 : i32
      %dma_start3A_96 = tpu.memref_slice %arg11[%add3A_45, %dma_start3A_95] : memref<10000x128xf32, #tpu.memory_space<vmem_shared>> -> memref<48x128xf32, #tpu.memory_space<vmem_shared>>
      %dma_start3A_97 = arith.constant 0 : i32
      %dma_start3A_98 = tpu.memref_slice %arg11[%add3A_45, %dma_start3A_97] : memref<10000x128xf32, #tpu.memory_space<vmem_shared>> -> memref<48x128xf32, #tpu.memory_space<vmem_shared>>
      tpu.enqueue_dma source(%arg10 : memref<48x128xf32, #tpu.memory_space<vmem>>) target(%dma_start3A_98 : memref<48x128xf32, #tpu.memory_space<vmem_shared>>) target_semaphore(%run_scoped3A : memref<!tpu.dma_semaphore, #tpu.memory_space<semaphore_mem>>)
      %dma_wait3A = arith.constant 0 : i32
      %dma_wait3A_99 = tpu.memref_slice %arg11[%add3A_45, %dma_wait3A] : memref<10000x128xf32, #tpu.memory_space<vmem_shared>> -> memref<48x128xf32, #tpu.memory_space<vmem_shared>>
      %dma_wait3A_100 = arith.constant 0 : i32
      %dma_wait3A_101 = tpu.memref_slice %arg11[%add3A_45, %dma_wait3A_100] : memref<10000x128xf32, #tpu.memory_space<vmem_shared>> -> memref<48x128xf32, #tpu.memory_space<vmem_shared>>
      tpu.wait_dma2 semaphore(%run_scoped3A : memref<!tpu.dma_semaphore, #tpu.memory_space<semaphore_mem>>) src(%arg10 : memref<48x128xf32, #tpu.memory_space<vmem>>) dst(%dma_wait3A_101 : memref<48x128xf32, #tpu.memory_space<vmem_shared>>)
      tpu.yield
    }) : () -> ()
    %mul3A_46 = arith.constant 624 : i32
    %mul3A_47 = arith.muli %arg1, %mul3A_46 : i32
    %add3A_48 = arith.constant 480 : i32
    %add3A_49 = arith.addi %mul3A_47, %add3A_48 : i32
    "tpu.region"() ({
      %run_scoped3A = tpu.sem_alloc : memref<!tpu.dma_semaphore, #tpu.memory_space<semaphore_mem>>
      %dma_start3A_95 = arith.constant 0 : i32
      %dma_start3A_96 = tpu.memref_slice %arg11[%add3A_49, %dma_start3A_95] : memref<10000x128xf32, #tpu.memory_space<vmem_shared>> -> memref<48x128xf32, #tpu.memory_space<vmem_shared>>
      %dma_start3A_97 = arith.constant 0 : i32
      %dma_start3A_98 = tpu.memref_slice %arg11[%add3A_49, %dma_start3A_97] : memref<10000x128xf32, #tpu.memory_space<vmem_shared>> -> memref<48x128xf32, #tpu.memory_space<vmem_shared>>
      tpu.enqueue_dma source(%arg10 : memref<48x128xf32, #tpu.memory_space<vmem>>) target(%dma_start3A_98 : memref<48x128xf32, #tpu.memory_space<vmem_shared>>) target_semaphore(%run_scoped3A : memref<!tpu.dma_semaphore, #tpu.memory_space<semaphore_mem>>)
      %dma_wait3A = arith.constant 0 : i32
      %dma_wait3A_99 = tpu.memref_slice %arg11[%add3A_49, %dma_wait3A] : memref<10000x128xf32, #tpu.memory_space<vmem_shared>> -> memref<48x128xf32, #tpu.memory_space<vmem_shared>>
      %dma_wait3A_100 = arith.constant 0 : i32
      %dma_wait3A_101 = tpu.memref_slice %arg11[%add3A_49, %dma_wait3A_100] : memref<10000x128xf32, #tpu.memory_space<vmem_shared>> -> memref<48x128xf32, #tpu.memory_space<vmem_shared>>
      tpu.wait_dma2 semaphore(%run_scoped3A : memref<!tpu.dma_semaphore, #tpu.memory_space<semaphore_mem>>) src(%arg10 : memref<48x128xf32, #tpu.memory_space<vmem>>) dst(%dma_wait3A_101 : memref<48x128xf32, #tpu.memory_space<vmem_shared>>)
      tpu.yield
    }) : () -> ()
    %mul3A_50 = arith.constant 624 : i32
    %mul3A_51 = arith.muli %arg1, %mul3A_50 : i32
    %add3A_52 = arith.constant 528 : i32
    %add3A_53 = arith.addi %mul3A_51, %add3A_52 : i32
    "tpu.region"() ({
      %run_scoped3A = tpu.sem_alloc : memref<!tpu.dma_semaphore, #tpu.memory_space<semaphore_mem>>
      %dma_start3A_95 = arith.constant 0 : i32
      %dma_start3A_96 = tpu.memref_slice %arg11[%add3A_53, %dma_start3A_95] : memref<10000x128xf32, #tpu.memory_space<vmem_shared>> -> memref<48x128xf32, #tpu.memory_space<vmem_shared>>
      %dma_start3A_97 = arith.constant 0 : i32
      %dma_start3A_98 = tpu.memref_slice %arg11[%add3A_53, %dma_start3A_97] : memref<10000x128xf32, #tpu.memory_space<vmem_shared>> -> memref<48x128xf32, #tpu.memory_space<vmem_shared>>
      tpu.enqueue_dma source(%arg10 : memref<48x128xf32, #tpu.memory_space<vmem>>) target(%dma_start3A_98 : memref<48x128xf32, #tpu.memory_space<vmem_shared>>) target_semaphore(%run_scoped3A : memref<!tpu.dma_semaphore, #tpu.memory_space<semaphore_mem>>)
      %dma_wait3A = arith.constant 0 : i32
      %dma_wait3A_99 = tpu.memref_slice %arg11[%add3A_53, %dma_wait3A] : memref<10000x128xf32, #tpu.memory_space<vmem_shared>> -> memref<48x128xf32, #tpu.memory_space<vmem_shared>>
      %dma_wait3A_100 = arith.constant 0 : i32
      %dma_wait3A_101 = tpu.memref_slice %arg11[%add3A_53, %dma_wait3A_100] : memref<10000x128xf32, #tpu.memory_space<vmem_shared>> -> memref<48x128xf32, #tpu.memory_space<vmem_shared>>
      tpu.wait_dma2 semaphore(%run_scoped3A : memref<!tpu.dma_semaphore, #tpu.memory_space<semaphore_mem>>) src(%arg10 : memref<48x128xf32, #tpu.memory_space<vmem>>) dst(%dma_wait3A_101 : memref<48x128xf32, #tpu.memory_space<vmem_shared>>)
      tpu.yield
    }) : () -> ()
    %mul3A_54 = arith.constant 624 : i32
    %mul3A_55 = arith.muli %arg1, %mul3A_54 : i32
    %add3A_56 = arith.constant 576 : i32
    %add3A_57 = arith.addi %mul3A_55, %add3A_56 : i32
    "tpu.region"() ({
      %run_scoped3A = tpu.sem_alloc : memref<!tpu.dma_semaphore, #tpu.memory_space<semaphore_mem>>
      %dma_start3A_95 = arith.constant 0 : i32
      %dma_start3A_96 = tpu.memref_slice %arg11[%add3A_57, %dma_start3A_95] : memref<10000x128xf32, #tpu.memory_space<vmem_shared>> -> memref<48x128xf32, #tpu.memory_space<vmem_shared>>
      %dma_start3A_97 = arith.constant 0 : i32
      %dma_start3A_98 = tpu.memref_slice %arg11[%add3A_57, %dma_start3A_97] : memref<10000x128xf32, #tpu.memory_space<vmem_shared>> -> memref<48x128xf32, #tpu.memory_space<vmem_shared>>
      tpu.enqueue_dma source(%arg10 : memref<48x128xf32, #tpu.memory_space<vmem>>) target(%dma_start3A_98 : memref<48x128xf32, #tpu.memory_space<vmem_shared>>) target_semaphore(%run_scoped3A : memref<!tpu.dma_semaphore, #tpu.memory_space<semaphore_mem>>)
      %dma_wait3A = arith.constant 0 : i32
      %dma_wait3A_99 = tpu.memref_slice %arg11[%add3A_57, %dma_wait3A] : memref<10000x128xf32, #tpu.memory_space<vmem_shared>> -> memref<48x128xf32, #tpu.memory_space<vmem_shared>>
      %dma_wait3A_100 = arith.constant 0 : i32
      %dma_wait3A_101 = tpu.memref_slice %arg11[%add3A_57, %dma_wait3A_100] : memref<10000x128xf32, #tpu.memory_space<vmem_shared>> -> memref<48x128xf32, #tpu.memory_space<vmem_shared>>
      tpu.wait_dma2 semaphore(%run_scoped3A : memref<!tpu.dma_semaphore, #tpu.memory_space<semaphore_mem>>) src(%arg10 : memref<48x128xf32, #tpu.memory_space<vmem>>) dst(%dma_wait3A_101 : memref<48x128xf32, #tpu.memory_space<vmem_shared>>)
      tpu.yield
    }) : () -> ()
    %eq3A = arith.constant 0 : i32
    %eq3A_58 = arith.cmpi eq, %arg1, %eq3A : i32
    %convert_element_type3A = arith.extui %eq3A_58 : i1 to i32
    %cond3A = arith.constant 0 : i32
    %cond3A_59 = arith.cmpi ne, %convert_element_type3A, %cond3A : i32
    scf.if %cond3A_59 {
      "tpu.region"() ({
        %run_scoped3A = tpu.sem_alloc : memref<!tpu.dma_semaphore, #tpu.memory_space<semaphore_mem>>
        %dma_start3A_95 = arith.constant 0 : i32
        %dma_start3A_96 = arith.constant 0 : i32
        %dma_start3A_97 = tpu.memref_slice %arg10[%dma_start3A_95, %dma_start3A_96] : memref<48x128xf32, #tpu.memory_space<vmem>> -> memref<16x128xf32, #tpu.memory_space<vmem>>
        %dma_start3A_98 = arith.constant 9984 : i32
        %dma_start3A_99 = arith.constant 0 : i32
        %dma_start3A_100 = tpu.memref_slice %arg11[%dma_start3A_98, %dma_start3A_99] : memref<10000x128xf32, #tpu.memory_space<vmem_shared>> -> memref<16x128xf32, #tpu.memory_space<vmem_shared>>
        %dma_start3A_101 = arith.constant 9984 : i32
        %dma_start3A_102 = arith.constant 0 : i32
        %dma_start3A_103 = tpu.memref_slice %arg11[%dma_start3A_101, %dma_start3A_102] : memref<10000x128xf32, #tpu.memory_space<vmem_shared>> -> memref<16x128xf32, #tpu.memory_space<vmem_shared>>
        %dma_start3A_104 = arith.constant 0 : i32
        %dma_start3A_105 = arith.constant 0 : i32
        %dma_start3A_106 = tpu.memref_slice %arg10[%dma_start3A_104, %dma_start3A_105] : memref<48x128xf32, #tpu.memory_space<vmem>> -> memref<16x128xf32, #tpu.memory_space<vmem>>
        tpu.enqueue_dma source(%dma_start3A_106 : memref<16x128xf32, #tpu.memory_space<vmem>>) target(%dma_start3A_103 : memref<16x128xf32, #tpu.memory_space<vmem_shared>>) target_semaphore(%run_scoped3A : memref<!tpu.dma_semaphore, #tpu.memory_space<semaphore_mem>>)
        %dma_wait3A = arith.constant 0 : i32
        %dma_wait3A_107 = arith.constant 0 : i32
        %dma_wait3A_108 = tpu.memref_slice %arg10[%dma_wait3A, %dma_wait3A_107] : memref<48x128xf32, #tpu.memory_space<vmem>> -> memref<16x128xf32, #tpu.memory_space<vmem>>
        %dma_wait3A_109 = arith.constant 9984 : i32
        %dma_wait3A_110 = arith.constant 0 : i32
        %dma_wait3A_111 = tpu.memref_slice %arg11[%dma_wait3A_109, %dma_wait3A_110] : memref<10000x128xf32, #tpu.memory_space<vmem_shared>> -> memref<16x128xf32, #tpu.memory_space<vmem_shared>>
        %dma_wait3A_112 = arith.constant 9984 : i32
        %dma_wait3A_113 = arith.constant 0 : i32
        %dma_wait3A_114 = tpu.memref_slice %arg11[%dma_wait3A_112, %dma_wait3A_113] : memref<10000x128xf32, #tpu.memory_space<vmem_shared>> -> memref<16x128xf32, #tpu.memory_space<vmem_shared>>
        %dma_wait3A_115 = arith.constant 0 : i32
        %dma_wait3A_116 = arith.constant 0 : i32
        %dma_wait3A_117 = tpu.memref_slice %arg10[%dma_wait3A_115, %dma_wait3A_116] : memref<48x128xf32, #tpu.memory_space<vmem>> -> memref<16x128xf32, #tpu.memory_space<vmem>>
        tpu.wait_dma2 semaphore(%run_scoped3A : memref<!tpu.dma_semaphore, #tpu.memory_space<semaphore_mem>>) src(%dma_wait3A_117 : memref<16x128xf32, #tpu.memory_space<vmem>>) dst(%dma_wait3A_114 : memref<16x128xf32, #tpu.memory_space<vmem_shared>>)
        tpu.yield
      }) : () -> ()
    } else {
    }
    %barrier3A = arith.constant 0 : index
    tpu.barrier barrier_id(%barrier3A)
    "tpu.region"() ({
      %run_scoped3A = tpu.sem_alloc : memref<!tpu.dma_semaphore, #tpu.memory_space<semaphore_mem>>
      %dma_start3A_95 = arith.constant 0 : i32
      %dma_start3A_96 = arith.constant 0 : i32
      %dma_start3A_97 = tpu.memref_slice %arg3[%add3A, %dma_start3A_95, %dma_start3A_96] : memref<32x80x125xi32, #tpu.memory_space<hbm>> -> memref<1x40x125xi32, #tpu.memory_space<hbm>>
      %dma_start3A_98 = tpu.memref_squeeze %dma_start3A_97 : memref<1x40x125xi32, #tpu.memory_space<hbm>> -> memref<40x125xi32, #tpu.memory_space<hbm>>
      %dma_start3A_99 = arith.constant 0 : i32
      %dma_start3A_100 = arith.constant 0 : i32
      %dma_start3A_101 = tpu.memref_slice %arg3[%add3A, %dma_start3A_99, %dma_start3A_100] : memref<32x80x125xi32, #tpu.memory_space<hbm>> -> memref<1x40x125xi32, #tpu.memory_space<hbm>>
      %dma_start3A_102 = tpu.memref_squeeze %dma_start3A_101 : memref<1x40x125xi32, #tpu.memory_space<hbm>> -> memref<40x125xi32, #tpu.memory_space<hbm>>
      tpu.enqueue_dma source(%dma_start3A_102 : memref<40x125xi32, #tpu.memory_space<hbm>>) target(%arg6 : memref<40x125xi32, #tpu.memory_space<vmem>>) target_semaphore(%run_scoped3A : memref<!tpu.dma_semaphore, #tpu.memory_space<semaphore_mem>>)
      %dma_wait3A = arith.constant 0 : i32
      %dma_wait3A_103 = arith.constant 0 : i32
      %dma_wait3A_104 = tpu.memref_slice %arg3[%add3A, %dma_wait3A, %dma_wait3A_103] : memref<32x80x125xi32, #tpu.memory_space<hbm>> -> memref<1x40x125xi32, #tpu.memory_space<hbm>>
      %dma_wait3A_105 = tpu.memref_squeeze %dma_wait3A_104 : memref<1x40x125xi32, #tpu.memory_space<hbm>> -> memref<40x125xi32, #tpu.memory_space<hbm>>
      %dma_wait3A_106 = arith.constant 0 : i32
      %dma_wait3A_107 = arith.constant 0 : i32
      %dma_wait3A_108 = tpu.memref_slice %arg3[%add3A, %dma_wait3A_106, %dma_wait3A_107] : memref<32x80x125xi32, #tpu.memory_space<hbm>> -> memref<1x40x125xi32, #tpu.memory_space<hbm>>
      %dma_wait3A_109 = tpu.memref_squeeze %dma_wait3A_108 : memref<1x40x125xi32, #tpu.memory_space<hbm>> -> memref<40x125xi32, #tpu.memory_space<hbm>>
      tpu.wait_dma2 semaphore(%run_scoped3A : memref<!tpu.dma_semaphore, #tpu.memory_space<semaphore_mem>>) src(%dma_wait3A_109 : memref<40x125xi32, #tpu.memory_space<hbm>>) dst(%arg6 : memref<40x125xi32, #tpu.memory_space<vmem>>)
      tpu.yield
    }) : () -> ()
    "tpu.region"() ({
      %run_scoped3A = tpu.sem_alloc : memref<!tpu.dma_semaphore, #tpu.memory_space<semaphore_mem>>
      %dma_start3A_95 = arith.constant 0 : i32
      %dma_start3A_96 = arith.constant 0 : i32
      %dma_start3A_97 = tpu.memref_slice %arg4[%add3A, %dma_start3A_95, %dma_start3A_96] : memref<32x80x125xi32, #tpu.memory_space<hbm>> -> memref<1x40x125xi32, #tpu.memory_space<hbm>>
      %dma_start3A_98 = tpu.memref_squeeze %dma_start3A_97 : memref<1x40x125xi32, #tpu.memory_space<hbm>> -> memref<40x125xi32, #tpu.memory_space<hbm>>
      %dma_start3A_99 = arith.constant 0 : i32
      %dma_start3A_100 = arith.constant 0 : i32
      %dma_start3A_101 = tpu.memref_slice %arg4[%add3A, %dma_start3A_99, %dma_start3A_100] : memref<32x80x125xi32, #tpu.memory_space<hbm>> -> memref<1x40x125xi32, #tpu.memory_space<hbm>>
      %dma_start3A_102 = tpu.memref_squeeze %dma_start3A_101 : memref<1x40x125xi32, #tpu.memory_space<hbm>> -> memref<40x125xi32, #tpu.memory_space<hbm>>
      tpu.enqueue_dma source(%dma_start3A_102 : memref<40x125xi32, #tpu.memory_space<hbm>>) target(%arg7 : memref<40x125xi32, #tpu.memory_space<vmem>>) target_semaphore(%run_scoped3A : memref<!tpu.dma_semaphore, #tpu.memory_space<semaphore_mem>>)
      %dma_wait3A = arith.constant 0 : i32
      %dma_wait3A_103 = arith.constant 0 : i32
      %dma_wait3A_104 = tpu.memref_slice %arg4[%add3A, %dma_wait3A, %dma_wait3A_103] : memref<32x80x125xi32, #tpu.memory_space<hbm>> -> memref<1x40x125xi32, #tpu.memory_space<hbm>>
      %dma_wait3A_105 = tpu.memref_squeeze %dma_wait3A_104 : memref<1x40x125xi32, #tpu.memory_space<hbm>> -> memref<40x125xi32, #tpu.memory_space<hbm>>
      %dma_wait3A_106 = arith.constant 0 : i32
      %dma_wait3A_107 = arith.constant 0 : i32
      %dma_wait3A_108 = tpu.memref_slice %arg4[%add3A, %dma_wait3A_106, %dma_wait3A_107] : memref<32x80x125xi32, #tpu.memory_space<hbm>> -> memref<1x40x125xi32, #tpu.memory_space<hbm>>
      %dma_wait3A_109 = tpu.memref_squeeze %dma_wait3A_108 : memref<1x40x125xi32, #tpu.memory_space<hbm>> -> memref<40x125xi32, #tpu.memory_space<hbm>>
      tpu.wait_dma2 semaphore(%run_scoped3A : memref<!tpu.dma_semaphore, #tpu.memory_space<semaphore_mem>>) src(%dma_wait3A_109 : memref<40x125xi32, #tpu.memory_space<hbm>>) dst(%arg7 : memref<40x125xi32, #tpu.memory_space<vmem>>)
      tpu.yield
    }) : () -> ()
    %dma_start3A = arith.constant 0 : i32
    %dma_start3A_60 = arith.constant 0 : i32
    %dma_start3A_61 = tpu.memref_slice %arg6[%dma_start3A, %dma_start3A_60] : memref<40x125xi32, #tpu.memory_space<vmem>> -> memref<1x125xi32, #tpu.memory_space<vmem>>
    %dma_start3A_62 = tpu.memref_squeeze %dma_start3A_61 : memref<1x125xi32, #tpu.memory_space<vmem>> -> memref<125xi32, #tpu.memory_space<vmem>>
    %dma_start3A_63 = arith.constant 0 : i32
    %dma_start3A_64 = arith.constant 0 : i32
    %dma_start3A_65 = tpu.memref_slice %arg2[%dma_start3A_63, %dma_start3A_64] : memref<10000x128xf32, #tpu.memory_space<hbm>> -> memref<10000x128xf32, #tpu.memory_space<hbm>>
    tpu.enqueue_indirect_dma source(%dma_start3A_65 : memref<10000x128xf32, #tpu.memory_space<hbm>>) target(%arg8 : memref<125x128xf32, #tpu.memory_space<vmem>>) offsets(%dma_start3A_62 : memref<125xi32, #tpu.memory_space<vmem>>) semaphore(%arg12 : memref<!tpu.dma_semaphore, #tpu.memory_space<semaphore_mem>>)
    %scan3A_66 = arith.constant 0 : i32
    %scan3A_67 = arith.constant 0 : i32
    %scan3A_68 = arith.constant 20 : i32
    %scan3A_69 = arith.addi %scan3A_67, %scan3A_68 : i32
    %scan3A_70 = arith.constant 1 : i32
    scf.for %scan3A_95 = %scan3A_67 to %scan3A_69 step %scan3A_70  : i32 {
      %mul3A_96 = arith.constant 2 : i32
      %mul3A_97 = arith.muli %mul3A_96, %scan3A_95 : i32
      %add3A_98 = arith.constant 1 : i32
      %add3A_99 = arith.addi %mul3A_97, %add3A_98 : i32
      %dma_start3A_100 = arith.constant 0 : i32
      %dma_start3A_101 = tpu.memref_slice %arg6[%add3A_99, %dma_start3A_100] : memref<40x125xi32, #tpu.memory_space<vmem>> -> memref<1x125xi32, #tpu.memory_space<vmem>>
      %dma_start3A_102 = tpu.memref_squeeze %dma_start3A_101 : memref<1x125xi32, #tpu.memory_space<vmem>> -> memref<125xi32, #tpu.memory_space<vmem>>
      %dma_start3A_103 = arith.constant 0 : i32
      %dma_start3A_104 = arith.constant 0 : i32
      %dma_start3A_105 = tpu.memref_slice %arg2[%dma_start3A_103, %dma_start3A_104] : memref<10000x128xf32, #tpu.memory_space<hbm>> -> memref<10000x128xf32, #tpu.memory_space<hbm>>
      tpu.enqueue_indirect_dma source(%dma_start3A_105 : memref<10000x128xf32, #tpu.memory_space<hbm>>) target(%arg9 : memref<125x128xf32, #tpu.memory_space<vmem>>) offsets(%dma_start3A_102 : memref<125xi32, #tpu.memory_space<vmem>>) semaphore(%arg13 : memref<!tpu.dma_semaphore, #tpu.memory_space<semaphore_mem>>)
      %dma_wait3A = arith.constant 0 : i32
      %dma_wait3A_106 = tpu.memref_slice %arg6[%mul3A_97, %dma_wait3A] : memref<40x125xi32, #tpu.memory_space<vmem>> -> memref<1x125xi32, #tpu.memory_space<vmem>>
      %dma_wait3A_107 = tpu.memref_squeeze %dma_wait3A_106 : memref<1x125xi32, #tpu.memory_space<vmem>> -> memref<125xi32, #tpu.memory_space<vmem>>
      %dma_wait3A_108 = arith.constant 0 : i32
      %dma_wait3A_109 = arith.constant 0 : i32
      %dma_wait3A_110 = tpu.memref_slice %arg2[%dma_wait3A_108, %dma_wait3A_109] : memref<10000x128xf32, #tpu.memory_space<hbm>> -> memref<10000x128xf32, #tpu.memory_space<hbm>>
      tpu.wait_indirect_dma semaphore(%arg12 : memref<!tpu.dma_semaphore, #tpu.memory_space<semaphore_mem>>) src(%dma_wait3A_110 : memref<10000x128xf32, #tpu.memory_space<hbm>>) dst(%arg8 : memref<125x128xf32, #tpu.memory_space<vmem>>)
      "tpu.region"() ({
        %run_scoped3A = tpu.sem_alloc : memref<!tpu.dma_semaphore, #tpu.memory_space<semaphore_mem>>
        %dma_start3A_127 = arith.constant 0 : i32
        %dma_start3A_128 = tpu.memref_slice %arg7[%mul3A_97, %dma_start3A_127] : memref<40x125xi32, #tpu.memory_space<vmem>> -> memref<1x125xi32, #tpu.memory_space<vmem>>
        %dma_start3A_129 = tpu.memref_squeeze %dma_start3A_128 : memref<1x125xi32, #tpu.memory_space<vmem>> -> memref<125xi32, #tpu.memory_space<vmem>>
        %dma_start3A_130 = arith.constant 0 : i32
        %dma_start3A_131 = arith.constant 0 : i32
        %dma_start3A_132 = tpu.memref_slice %arg11[%dma_start3A_130, %dma_start3A_131] : memref<10000x128xf32, #tpu.memory_space<vmem_shared>> -> memref<10000x128xf32, #tpu.memory_space<vmem_shared>>
        tpu.enqueue_indirect_dma source(%arg8 : memref<125x128xf32, #tpu.memory_space<vmem>>) target(%dma_start3A_132 : memref<10000x128xf32, #tpu.memory_space<vmem_shared>>) offsets(%dma_start3A_129 : memref<125xi32, #tpu.memory_space<vmem>>) semaphore(%run_scoped3A : memref<!tpu.dma_semaphore, #tpu.memory_space<semaphore_mem>>) {add = true}
        %dma_wait3A_133 = arith.constant 0 : i32
        %dma_wait3A_134 = tpu.memref_slice %arg7[%mul3A_97, %dma_wait3A_133] : memref<40x125xi32, #tpu.memory_space<vmem>> -> memref<1x125xi32, #tpu.memory_space<vmem>>
        %dma_wait3A_135 = tpu.memref_squeeze %dma_wait3A_134 : memref<1x125xi32, #tpu.memory_space<vmem>> -> memref<125xi32, #tpu.memory_space<vmem>>
        %dma_wait3A_136 = arith.constant 0 : i32
        %dma_wait3A_137 = arith.constant 0 : i32
        %dma_wait3A_138 = tpu.memref_slice %arg11[%dma_wait3A_136, %dma_wait3A_137] : memref<10000x128xf32, #tpu.memory_space<vmem_shared>> -> memref<10000x128xf32, #tpu.memory_space<vmem_shared>>
        tpu.wait_indirect_dma semaphore(%run_scoped3A : memref<!tpu.dma_semaphore, #tpu.memory_space<semaphore_mem>>) src(%arg8 : memref<125x128xf32, #tpu.memory_space<vmem>>) dst(%dma_wait3A_138 : memref<10000x128xf32, #tpu.memory_space<vmem_shared>>)
        tpu.yield
      }) : () -> ()
      %add3A_111 = arith.constant 2 : i32
      %add3A_112 = arith.addi %mul3A_97, %add3A_111 : i32
      %lt3A = arith.constant 40 : i32
      %lt3A_113 = arith.cmpi slt, %add3A_112, %lt3A : i32
      %convert_element_type3A_114 = arith.extui %lt3A_113 : i1 to i32
      %cond3A_115 = arith.constant 0 : i32
      %cond3A_116 = arith.cmpi ne, %convert_element_type3A_114, %cond3A_115 : i32
      scf.if %cond3A_116 {
        %add3A_127 = arith.constant 2 : i32
        %add3A_128 = arith.addi %mul3A_97, %add3A_127 : i32
        %dma_start3A_129 = arith.constant 0 : i32
        %dma_start3A_130 = tpu.memref_slice %arg6[%add3A_128, %dma_start3A_129] : memref<40x125xi32, #tpu.memory_space<vmem>> -> memref<1x125xi32, #tpu.memory_space<vmem>>
        %dma_start3A_131 = tpu.memref_squeeze %dma_start3A_130 : memref<1x125xi32, #tpu.memory_space<vmem>> -> memref<125xi32, #tpu.memory_space<vmem>>
        %dma_start3A_132 = arith.constant 0 : i32
        %dma_start3A_133 = arith.constant 0 : i32
        %dma_start3A_134 = tpu.memref_slice %arg2[%dma_start3A_132, %dma_start3A_133] : memref<10000x128xf32, #tpu.memory_space<hbm>> -> memref<10000x128xf32, #tpu.memory_space<hbm>>
        tpu.enqueue_indirect_dma source(%dma_start3A_134 : memref<10000x128xf32, #tpu.memory_space<hbm>>) target(%arg8 : memref<125x128xf32, #tpu.memory_space<vmem>>) offsets(%dma_start3A_131 : memref<125xi32, #tpu.memory_space<vmem>>) semaphore(%arg12 : memref<!tpu.dma_semaphore, #tpu.memory_space<semaphore_mem>>)
      } else {
      }
      %add3A_117 = arith.constant 1 : i32
      %add3A_118 = arith.addi %mul3A_97, %add3A_117 : i32
      %dma_wait3A_119 = arith.constant 0 : i32
      %dma_wait3A_120 = tpu.memref_slice %arg6[%add3A_118, %dma_wait3A_119] : memref<40x125xi32, #tpu.memory_space<vmem>> -> memref<1x125xi32, #tpu.memory_space<vmem>>
      %dma_wait3A_121 = tpu.memref_squeeze %dma_wait3A_120 : memref<1x125xi32, #tpu.memory_space<vmem>> -> memref<125xi32, #tpu.memory_space<vmem>>
      %dma_wait3A_122 = arith.constant 0 : i32
      %dma_wait3A_123 = arith.constant 0 : i32
      %dma_wait3A_124 = tpu.memref_slice %arg2[%dma_wait3A_122, %dma_wait3A_123] : memref<10000x128xf32, #tpu.memory_space<hbm>> -> memref<10000x128xf32, #tpu.memory_space<hbm>>
      tpu.wait_indirect_dma semaphore(%arg13 : memref<!tpu.dma_semaphore, #tpu.memory_space<semaphore_mem>>) src(%dma_wait3A_124 : memref<10000x128xf32, #tpu.memory_space<hbm>>) dst(%arg9 : memref<125x128xf32, #tpu.memory_space<vmem>>)
      %add3A_125 = arith.constant 1 : i32
      %add3A_126 = arith.addi %mul3A_97, %add3A_125 : i32
      "tpu.region"() ({
        %run_scoped3A = tpu.sem_alloc : memref<!tpu.dma_semaphore, #tpu.memory_space<semaphore_mem>>
        %dma_start3A_127 = arith.constant 0 : i32
        %dma_start3A_128 = tpu.memref_slice %arg7[%add3A_126, %dma_start3A_127] : memref<40x125xi32, #tpu.memory_space<vmem>> -> memref<1x125xi32, #tpu.memory_space<vmem>>
        %dma_start3A_129 = tpu.memref_squeeze %dma_start3A_128 : memref<1x125xi32, #tpu.memory_space<vmem>> -> memref<125xi32, #tpu.memory_space<vmem>>
        %dma_start3A_130 = arith.constant 0 : i32
        %dma_start3A_131 = arith.constant 0 : i32
        %dma_start3A_132 = tpu.memref_slice %arg11[%dma_start3A_130, %dma_start3A_131] : memref<10000x128xf32, #tpu.memory_space<vmem_shared>> -> memref<10000x128xf32, #tpu.memory_space<vmem_shared>>
        tpu.enqueue_indirect_dma source(%arg9 : memref<125x128xf32, #tpu.memory_space<vmem>>) target(%dma_start3A_132 : memref<10000x128xf32, #tpu.memory_space<vmem_shared>>) offsets(%dma_start3A_129 : memref<125xi32, #tpu.memory_space<vmem>>) semaphore(%run_scoped3A : memref<!tpu.dma_semaphore, #tpu.memory_space<semaphore_mem>>) {add = true}
        %dma_wait3A_133 = arith.constant 0 : i32
        %dma_wait3A_134 = tpu.memref_slice %arg7[%add3A_126, %dma_wait3A_133] : memref<40x125xi32, #tpu.memory_space<vmem>> -> memref<1x125xi32, #tpu.memory_space<vmem>>
        %dma_wait3A_135 = tpu.memref_squeeze %dma_wait3A_134 : memref<1x125xi32, #tpu.memory_space<vmem>> -> memref<125xi32, #tpu.memory_space<vmem>>
        %dma_wait3A_136 = arith.constant 0 : i32
        %dma_wait3A_137 = arith.constant 0 : i32
        %dma_wait3A_138 = tpu.memref_slice %arg11[%dma_wait3A_136, %dma_wait3A_137] : memref<10000x128xf32, #tpu.memory_space<vmem_shared>> -> memref<10000x128xf32, #tpu.memory_space<vmem_shared>>
        tpu.wait_indirect_dma semaphore(%run_scoped3A : memref<!tpu.dma_semaphore, #tpu.memory_space<semaphore_mem>>) src(%arg9 : memref<125x128xf32, #tpu.memory_space<vmem>>) dst(%dma_wait3A_138 : memref<10000x128xf32, #tpu.memory_space<vmem_shared>>)
        tpu.yield
      }) : () -> ()
    }
    %scan3A_71 = arith.constant 20 : i32
    "tpu.region"() ({
      %run_scoped3A = tpu.sem_alloc : memref<!tpu.dma_semaphore, #tpu.memory_space<semaphore_mem>>
      %dma_start3A_95 = arith.constant 40 : i32
      %dma_start3A_96 = arith.constant 0 : i32
      %dma_start3A_97 = tpu.memref_slice %arg3[%add3A, %dma_start3A_95, %dma_start3A_96] : memref<32x80x125xi32, #tpu.memory_space<hbm>> -> memref<1x40x125xi32, #tpu.memory_space<hbm>>
      %dma_start3A_98 = tpu.memref_squeeze %dma_start3A_97 : memref<1x40x125xi32, #tpu.memory_space<hbm>> -> memref<40x125xi32, #tpu.memory_space<hbm>>
      %dma_start3A_99 = arith.constant 40 : i32
      %dma_start3A_100 = arith.constant 0 : i32
      %dma_start3A_101 = tpu.memref_slice %arg3[%add3A, %dma_start3A_99, %dma_start3A_100] : memref<32x80x125xi32, #tpu.memory_space<hbm>> -> memref<1x40x125xi32, #tpu.memory_space<hbm>>
      %dma_start3A_102 = tpu.memref_squeeze %dma_start3A_101 : memref<1x40x125xi32, #tpu.memory_space<hbm>> -> memref<40x125xi32, #tpu.memory_space<hbm>>
      tpu.enqueue_dma source(%dma_start3A_102 : memref<40x125xi32, #tpu.memory_space<hbm>>) target(%arg6 : memref<40x125xi32, #tpu.memory_space<vmem>>) target_semaphore(%run_scoped3A : memref<!tpu.dma_semaphore, #tpu.memory_space<semaphore_mem>>)
      %dma_wait3A = arith.constant 40 : i32
      %dma_wait3A_103 = arith.constant 0 : i32
      %dma_wait3A_104 = tpu.memref_slice %arg3[%add3A, %dma_wait3A, %dma_wait3A_103] : memref<32x80x125xi32, #tpu.memory_space<hbm>> -> memref<1x40x125xi32, #tpu.memory_space<hbm>>
      %dma_wait3A_105 = tpu.memref_squeeze %dma_wait3A_104 : memref<1x40x125xi32, #tpu.memory_space<hbm>> -> memref<40x125xi32, #tpu.memory_space<hbm>>
      %dma_wait3A_106 = arith.constant 40 : i32
      %dma_wait3A_107 = arith.constant 0 : i32
      %dma_wait3A_108 = tpu.memref_slice %arg3[%add3A, %dma_wait3A_106, %dma_wait3A_107] : memref<32x80x125xi32, #tpu.memory_space<hbm>> -> memref<1x40x125xi32, #tpu.memory_space<hbm>>
      %dma_wait3A_109 = tpu.memref_squeeze %dma_wait3A_108 : memref<1x40x125xi32, #tpu.memory_space<hbm>> -> memref<40x125xi32, #tpu.memory_space<hbm>>
      tpu.wait_dma2 semaphore(%run_scoped3A : memref<!tpu.dma_semaphore, #tpu.memory_space<semaphore_mem>>) src(%dma_wait3A_109 : memref<40x125xi32, #tpu.memory_space<hbm>>) dst(%arg6 : memref<40x125xi32, #tpu.memory_space<vmem>>)
      tpu.yield
    }) : () -> ()
    "tpu.region"() ({
      %run_scoped3A = tpu.sem_alloc : memref<!tpu.dma_semaphore, #tpu.memory_space<semaphore_mem>>
      %dma_start3A_95 = arith.constant 40 : i32
      %dma_start3A_96 = arith.constant 0 : i32
      %dma_start3A_97 = tpu.memref_slice %arg4[%add3A, %dma_start3A_95, %dma_start3A_96] : memref<32x80x125xi32, #tpu.memory_space<hbm>> -> memref<1x40x125xi32, #tpu.memory_space<hbm>>
      %dma_start3A_98 = tpu.memref_squeeze %dma_start3A_97 : memref<1x40x125xi32, #tpu.memory_space<hbm>> -> memref<40x125xi32, #tpu.memory_space<hbm>>
      %dma_start3A_99 = arith.constant 40 : i32
      %dma_start3A_100 = arith.constant 0 : i32
      %dma_start3A_101 = tpu.memref_slice %arg4[%add3A, %dma_start3A_99, %dma_start3A_100] : memref<32x80x125xi32, #tpu.memory_space<hbm>> -> memref<1x40x125xi32, #tpu.memory_space<hbm>>
      %dma_start3A_102 = tpu.memref_squeeze %dma_start3A_101 : memref<1x40x125xi32, #tpu.memory_space<hbm>> -> memref<40x125xi32, #tpu.memory_space<hbm>>
      tpu.enqueue_dma source(%dma_start3A_102 : memref<40x125xi32, #tpu.memory_space<hbm>>) target(%arg7 : memref<40x125xi32, #tpu.memory_space<vmem>>) target_semaphore(%run_scoped3A : memref<!tpu.dma_semaphore, #tpu.memory_space<semaphore_mem>>)
      %dma_wait3A = arith.constant 40 : i32
      %dma_wait3A_103 = arith.constant 0 : i32
      %dma_wait3A_104 = tpu.memref_slice %arg4[%add3A, %dma_wait3A, %dma_wait3A_103] : memref<32x80x125xi32, #tpu.memory_space<hbm>> -> memref<1x40x125xi32, #tpu.memory_space<hbm>>
      %dma_wait3A_105 = tpu.memref_squeeze %dma_wait3A_104 : memref<1x40x125xi32, #tpu.memory_space<hbm>> -> memref<40x125xi32, #tpu.memory_space<hbm>>
      %dma_wait3A_106 = arith.constant 40 : i32
      %dma_wait3A_107 = arith.constant 0 : i32
      %dma_wait3A_108 = tpu.memref_slice %arg4[%add3A, %dma_wait3A_106, %dma_wait3A_107] : memref<32x80x125xi32, #tpu.memory_space<hbm>> -> memref<1x40x125xi32, #tpu.memory_space<hbm>>
      %dma_wait3A_109 = tpu.memref_squeeze %dma_wait3A_108 : memref<1x40x125xi32, #tpu.memory_space<hbm>> -> memref<40x125xi32, #tpu.memory_space<hbm>>
      tpu.wait_dma2 semaphore(%run_scoped3A : memref<!tpu.dma_semaphore, #tpu.memory_space<semaphore_mem>>) src(%dma_wait3A_109 : memref<40x125xi32, #tpu.memory_space<hbm>>) dst(%arg7 : memref<40x125xi32, #tpu.memory_space<vmem>>)
      tpu.yield
    }) : () -> ()
    %dma_start3A_72 = arith.constant 0 : i32
    %dma_start3A_73 = arith.constant 0 : i32
    %dma_start3A_74 = tpu.memref_slice %arg6[%dma_start3A_72, %dma_start3A_73] : memref<40x125xi32, #tpu.memory_space<vmem>> -> memref<1x125xi32, #tpu.memory_space<vmem>>
    %dma_start3A_75 = tpu.memref_squeeze %dma_start3A_74 : memref<1x125xi32, #tpu.memory_space<vmem>> -> memref<125xi32, #tpu.memory_space<vmem>>
    %dma_start3A_76 = arith.constant 0 : i32
    %dma_start3A_77 = arith.constant 0 : i32
    %dma_start3A_78 = tpu.memref_slice %arg2[%dma_start3A_76, %dma_start3A_77] : memref<10000x128xf32, #tpu.memory_space<hbm>> -> memref<10000x128xf32, #tpu.memory_space<hbm>>
    tpu.enqueue_indirect_dma source(%dma_start3A_78 : memref<10000x128xf32, #tpu.memory_space<hbm>>) target(%arg8 : memref<125x128xf32, #tpu.memory_space<vmem>>) offsets(%dma_start3A_75 : memref<125xi32, #tpu.memory_space<vmem>>) semaphore(%arg12 : memref<!tpu.dma_semaphore, #tpu.memory_space<semaphore_mem>>)
    %scan3A_79 = arith.constant 0 : i32
    %scan3A_80 = arith.constant 0 : i32
    %scan3A_81 = arith.constant 20 : i32
    %scan3A_82 = arith.addi %scan3A_80, %scan3A_81 : i32
    %scan3A_83 = arith.constant 1 : i32
    scf.for %scan3A_95 = %scan3A_80 to %scan3A_82 step %scan3A_83  : i32 {
      %mul3A_96 = arith.constant 2 : i32
      %mul3A_97 = arith.muli %mul3A_96, %scan3A_95 : i32
      %add3A_98 = arith.constant 1 : i32
      %add3A_99 = arith.addi %mul3A_97, %add3A_98 : i32
      %dma_start3A_100 = arith.constant 0 : i32
      %dma_start3A_101 = tpu.memref_slice %arg6[%add3A_99, %dma_start3A_100] : memref<40x125xi32, #tpu.memory_space<vmem>> -> memref<1x125xi32, #tpu.memory_space<vmem>>
      %dma_start3A_102 = tpu.memref_squeeze %dma_start3A_101 : memref<1x125xi32, #tpu.memory_space<vmem>> -> memref<125xi32, #tpu.memory_space<vmem>>
      %dma_start3A_103 = arith.constant 0 : i32
      %dma_start3A_104 = arith.constant 0 : i32
      %dma_start3A_105 = tpu.memref_slice %arg2[%dma_start3A_103, %dma_start3A_104] : memref<10000x128xf32, #tpu.memory_space<hbm>> -> memref<10000x128xf32, #tpu.memory_space<hbm>>
      tpu.enqueue_indirect_dma source(%dma_start3A_105 : memref<10000x128xf32, #tpu.memory_space<hbm>>) target(%arg9 : memref<125x128xf32, #tpu.memory_space<vmem>>) offsets(%dma_start3A_102 : memref<125xi32, #tpu.memory_space<vmem>>) semaphore(%arg13 : memref<!tpu.dma_semaphore, #tpu.memory_space<semaphore_mem>>)
      %dma_wait3A = arith.constant 0 : i32
      %dma_wait3A_106 = tpu.memref_slice %arg6[%mul3A_97, %dma_wait3A] : memref<40x125xi32, #tpu.memory_space<vmem>> -> memref<1x125xi32, #tpu.memory_space<vmem>>
      %dma_wait3A_107 = tpu.memref_squeeze %dma_wait3A_106 : memref<1x125xi32, #tpu.memory_space<vmem>> -> memref<125xi32, #tpu.memory_space<vmem>>
      %dma_wait3A_108 = arith.constant 0 : i32
      %dma_wait3A_109 = arith.constant 0 : i32
      %dma_wait3A_110 = tpu.memref_slice %arg2[%dma_wait3A_108, %dma_wait3A_109] : memref<10000x128xf32, #tpu.memory_space<hbm>> -> memref<10000x128xf32, #tpu.memory_space<hbm>>
      tpu.wait_indirect_dma semaphore(%arg12 : memref<!tpu.dma_semaphore, #tpu.memory_space<semaphore_mem>>) src(%dma_wait3A_110 : memref<10000x128xf32, #tpu.memory_space<hbm>>) dst(%arg8 : memref<125x128xf32, #tpu.memory_space<vmem>>)
      "tpu.region"() ({
        %run_scoped3A = tpu.sem_alloc : memref<!tpu.dma_semaphore, #tpu.memory_space<semaphore_mem>>
        %dma_start3A_127 = arith.constant 0 : i32
        %dma_start3A_128 = tpu.memref_slice %arg7[%mul3A_97, %dma_start3A_127] : memref<40x125xi32, #tpu.memory_space<vmem>> -> memref<1x125xi32, #tpu.memory_space<vmem>>
        %dma_start3A_129 = tpu.memref_squeeze %dma_start3A_128 : memref<1x125xi32, #tpu.memory_space<vmem>> -> memref<125xi32, #tpu.memory_space<vmem>>
        %dma_start3A_130 = arith.constant 0 : i32
        %dma_start3A_131 = arith.constant 0 : i32
        %dma_start3A_132 = tpu.memref_slice %arg11[%dma_start3A_130, %dma_start3A_131] : memref<10000x128xf32, #tpu.memory_space<vmem_shared>> -> memref<10000x128xf32, #tpu.memory_space<vmem_shared>>
        tpu.enqueue_indirect_dma source(%arg8 : memref<125x128xf32, #tpu.memory_space<vmem>>) target(%dma_start3A_132 : memref<10000x128xf32, #tpu.memory_space<vmem_shared>>) offsets(%dma_start3A_129 : memref<125xi32, #tpu.memory_space<vmem>>) semaphore(%run_scoped3A : memref<!tpu.dma_semaphore, #tpu.memory_space<semaphore_mem>>) {add = true}
        %dma_wait3A_133 = arith.constant 0 : i32
        %dma_wait3A_134 = tpu.memref_slice %arg7[%mul3A_97, %dma_wait3A_133] : memref<40x125xi32, #tpu.memory_space<vmem>> -> memref<1x125xi32, #tpu.memory_space<vmem>>
        %dma_wait3A_135 = tpu.memref_squeeze %dma_wait3A_134 : memref<1x125xi32, #tpu.memory_space<vmem>> -> memref<125xi32, #tpu.memory_space<vmem>>
        %dma_wait3A_136 = arith.constant 0 : i32
        %dma_wait3A_137 = arith.constant 0 : i32
        %dma_wait3A_138 = tpu.memref_slice %arg11[%dma_wait3A_136, %dma_wait3A_137] : memref<10000x128xf32, #tpu.memory_space<vmem_shared>> -> memref<10000x128xf32, #tpu.memory_space<vmem_shared>>
        tpu.wait_indirect_dma semaphore(%run_scoped3A : memref<!tpu.dma_semaphore, #tpu.memory_space<semaphore_mem>>) src(%arg8 : memref<125x128xf32, #tpu.memory_space<vmem>>) dst(%dma_wait3A_138 : memref<10000x128xf32, #tpu.memory_space<vmem_shared>>)
        tpu.yield
      }) : () -> ()
      %add3A_111 = arith.constant 2 : i32
      %add3A_112 = arith.addi %mul3A_97, %add3A_111 : i32
      %lt3A = arith.constant 40 : i32
      %lt3A_113 = arith.cmpi slt, %add3A_112, %lt3A : i32
      %convert_element_type3A_114 = arith.extui %lt3A_113 : i1 to i32
      %cond3A_115 = arith.constant 0 : i32
      %cond3A_116 = arith.cmpi ne, %convert_element_type3A_114, %cond3A_115 : i32
      scf.if %cond3A_116 {
        %add3A_127 = arith.constant 2 : i32
        %add3A_128 = arith.addi %mul3A_97, %add3A_127 : i32
        %dma_start3A_129 = arith.constant 0 : i32
        %dma_start3A_130 = tpu.memref_slice %arg6[%add3A_128, %dma_start3A_129] : memref<40x125xi32, #tpu.memory_space<vmem>> -> memref<1x125xi32, #tpu.memory_space<vmem>>
        %dma_start3A_131 = tpu.memref_squeeze %dma_start3A_130 : memref<1x125xi32, #tpu.memory_space<vmem>> -> memref<125xi32, #tpu.memory_space<vmem>>
        %dma_start3A_132 = arith.constant 0 : i32
        %dma_start3A_133 = arith.constant 0 : i32
        %dma_start3A_134 = tpu.memref_slice %arg2[%dma_start3A_132, %dma_start3A_133] : memref<10000x128xf32, #tpu.memory_space<hbm>> -> memref<10000x128xf32, #tpu.memory_space<hbm>>
        tpu.enqueue_indirect_dma source(%dma_start3A_134 : memref<10000x128xf32, #tpu.memory_space<hbm>>) target(%arg8 : memref<125x128xf32, #tpu.memory_space<vmem>>) offsets(%dma_start3A_131 : memref<125xi32, #tpu.memory_space<vmem>>) semaphore(%arg12 : memref<!tpu.dma_semaphore, #tpu.memory_space<semaphore_mem>>)
      } else {
      }
      %add3A_117 = arith.constant 1 : i32
      %add3A_118 = arith.addi %mul3A_97, %add3A_117 : i32
      %dma_wait3A_119 = arith.constant 0 : i32
      %dma_wait3A_120 = tpu.memref_slice %arg6[%add3A_118, %dma_wait3A_119] : memref<40x125xi32, #tpu.memory_space<vmem>> -> memref<1x125xi32, #tpu.memory_space<vmem>>
      %dma_wait3A_121 = tpu.memref_squeeze %dma_wait3A_120 : memref<1x125xi32, #tpu.memory_space<vmem>> -> memref<125xi32, #tpu.memory_space<vmem>>
      %dma_wait3A_122 = arith.constant 0 : i32
      %dma_wait3A_123 = arith.constant 0 : i32
      %dma_wait3A_124 = tpu.memref_slice %arg2[%dma_wait3A_122, %dma_wait3A_123] : memref<10000x128xf32, #tpu.memory_space<hbm>> -> memref<10000x128xf32, #tpu.memory_space<hbm>>
      tpu.wait_indirect_dma semaphore(%arg13 : memref<!tpu.dma_semaphore, #tpu.memory_space<semaphore_mem>>) src(%dma_wait3A_124 : memref<10000x128xf32, #tpu.memory_space<hbm>>) dst(%arg9 : memref<125x128xf32, #tpu.memory_space<vmem>>)
      %add3A_125 = arith.constant 1 : i32
      %add3A_126 = arith.addi %mul3A_97, %add3A_125 : i32
      "tpu.region"() ({
        %run_scoped3A = tpu.sem_alloc : memref<!tpu.dma_semaphore, #tpu.memory_space<semaphore_mem>>
        %dma_start3A_127 = arith.constant 0 : i32
        %dma_start3A_128 = tpu.memref_slice %arg7[%add3A_126, %dma_start3A_127] : memref<40x125xi32, #tpu.memory_space<vmem>> -> memref<1x125xi32, #tpu.memory_space<vmem>>
        %dma_start3A_129 = tpu.memref_squeeze %dma_start3A_128 : memref<1x125xi32, #tpu.memory_space<vmem>> -> memref<125xi32, #tpu.memory_space<vmem>>
        %dma_start3A_130 = arith.constant 0 : i32
        %dma_start3A_131 = arith.constant 0 : i32
        %dma_start3A_132 = tpu.memref_slice %arg11[%dma_start3A_130, %dma_start3A_131] : memref<10000x128xf32, #tpu.memory_space<vmem_shared>> -> memref<10000x128xf32, #tpu.memory_space<vmem_shared>>
        tpu.enqueue_indirect_dma source(%arg9 : memref<125x128xf32, #tpu.memory_space<vmem>>) target(%dma_start3A_132 : memref<10000x128xf32, #tpu.memory_space<vmem_shared>>) offsets(%dma_start3A_129 : memref<125xi32, #tpu.memory_space<vmem>>) semaphore(%run_scoped3A : memref<!tpu.dma_semaphore, #tpu.memory_space<semaphore_mem>>) {add = true}
        %dma_wait3A_133 = arith.constant 0 : i32
        %dma_wait3A_134 = tpu.memref_slice %arg7[%add3A_126, %dma_wait3A_133] : memref<40x125xi32, #tpu.memory_space<vmem>> -> memref<1x125xi32, #tpu.memory_space<vmem>>
        %dma_wait3A_135 = tpu.memref_squeeze %dma_wait3A_134 : memref<1x125xi32, #tpu.memory_space<vmem>> -> memref<125xi32, #tpu.memory_space<vmem>>
        %dma_wait3A_136 = arith.constant 0 : i32
        %dma_wait3A_137 = arith.constant 0 : i32
        %dma_wait3A_138 = tpu.memref_slice %arg11[%dma_wait3A_136, %dma_wait3A_137] : memref<10000x128xf32, #tpu.memory_space<vmem_shared>> -> memref<10000x128xf32, #tpu.memory_space<vmem_shared>>
        tpu.wait_indirect_dma semaphore(%run_scoped3A : memref<!tpu.dma_semaphore, #tpu.memory_space<semaphore_mem>>) src(%arg9 : memref<125x128xf32, #tpu.memory_space<vmem>>) dst(%dma_wait3A_138 : memref<10000x128xf32, #tpu.memory_space<vmem_shared>>)
        tpu.yield
      }) : () -> ()
    }
    %scan3A_84 = arith.constant 20 : i32
    %barrier3A_85 = arith.constant 0 : index
    tpu.barrier barrier_id(%barrier3A_85)
    %mul3A_86 = arith.constant 624 : i32
    %mul3A_87 = arith.muli %arg1, %mul3A_86 : i32
    %mul3A_88 = arith.constant 624 : i32
    %mul3A_89 = arith.muli %arg1, %mul3A_88 : i32
    "tpu.region"() ({
      %run_scoped3A = tpu.sem_alloc : memref<!tpu.dma_semaphore, #tpu.memory_space<semaphore_mem>>
      %dma_start3A_95 = arith.constant 0 : i32
      %dma_start3A_96 = tpu.memref_slice %arg5[%arg0, %mul3A_89, %dma_start3A_95] : memref<2x10000x128xf32, #tpu.memory_space<hbm>> -> memref<1x624x128xf32, #tpu.memory_space<hbm>>
      %dma_start3A_97 = tpu.memref_squeeze %dma_start3A_96 : memref<1x624x128xf32, #tpu.memory_space<hbm>> -> memref<624x128xf32, #tpu.memory_space<hbm>>
      %dma_start3A_98 = arith.constant 0 : i32
      %dma_start3A_99 = tpu.memref_slice %arg11[%mul3A_87, %dma_start3A_98] : memref<10000x128xf32, #tpu.memory_space<vmem_shared>> -> memref<624x128xf32, #tpu.memory_space<vmem_shared>>
      tpu.enqueue_dma source(%dma_start3A_99 : memref<624x128xf32, #tpu.memory_space<vmem_shared>>) target(%dma_start3A_97 : memref<624x128xf32, #tpu.memory_space<hbm>>) target_semaphore(%run_scoped3A : memref<!tpu.dma_semaphore, #tpu.memory_space<semaphore_mem>>)
      %dma_wait3A = arith.constant 0 : i32
      %dma_wait3A_100 = tpu.memref_slice %arg5[%arg0, %mul3A_89, %dma_wait3A] : memref<2x10000x128xf32, #tpu.memory_space<hbm>> -> memref<1x624x128xf32, #tpu.memory_space<hbm>>
      %dma_wait3A_101 = tpu.memref_squeeze %dma_wait3A_100 : memref<1x624x128xf32, #tpu.memory_space<hbm>> -> memref<624x128xf32, #tpu.memory_space<hbm>>
      %dma_wait3A_102 = arith.constant 0 : i32
      %dma_wait3A_103 = tpu.memref_slice %arg11[%mul3A_87, %dma_wait3A_102] : memref<10000x128xf32, #tpu.memory_space<vmem_shared>> -> memref<624x128xf32, #tpu.memory_space<vmem_shared>>
      tpu.wait_dma2 semaphore(%run_scoped3A : memref<!tpu.dma_semaphore, #tpu.memory_space<semaphore_mem>>) src(%dma_wait3A_103 : memref<624x128xf32, #tpu.memory_space<vmem_shared>>) dst(%dma_wait3A_101 : memref<624x128xf32, #tpu.memory_space<hbm>>)
      tpu.yield
    }) : () -> ()
    %eq3A_90 = arith.constant 0 : i32
    %eq3A_91 = arith.cmpi eq, %arg1, %eq3A_90 : i32
    %convert_element_type3A_92 = arith.extui %eq3A_91 : i1 to i32
    %cond3A_93 = arith.constant 0 : i32
    %cond3A_94 = arith.cmpi ne, %convert_element_type3A_92, %cond3A_93 : i32
    scf.if %cond3A_94 {
      "tpu.region"() ({
        %run_scoped3A = tpu.sem_alloc : memref<!tpu.dma_semaphore, #tpu.memory_space<semaphore_mem>>
        %dma_start3A_95 = arith.constant 9984 : i32
        %dma_start3A_96 = arith.constant 0 : i32
        %dma_start3A_97 = tpu.memref_slice %arg5[%arg0, %dma_start3A_95, %dma_start3A_96] : memref<2x10000x128xf32, #tpu.memory_space<hbm>> -> memref<1x16x128xf32, #tpu.memory_space<hbm>>
        %dma_start3A_98 = tpu.memref_squeeze %dma_start3A_97 : memref<1x16x128xf32, #tpu.memory_space<hbm>> -> memref<16x128xf32, #tpu.memory_space<hbm>>
        %dma_start3A_99 = arith.constant 9984 : i32
        %dma_start3A_100 = arith.constant 0 : i32
        %dma_start3A_101 = tpu.memref_slice %arg11[%dma_start3A_99, %dma_start3A_100] : memref<10000x128xf32, #tpu.memory_space<vmem_shared>> -> memref<16x128xf32, #tpu.memory_space<vmem_shared>>
        tpu.enqueue_dma source(%dma_start3A_101 : memref<16x128xf32, #tpu.memory_space<vmem_shared>>) target(%dma_start3A_98 : memref<16x128xf32, #tpu.memory_space<hbm>>) target_semaphore(%run_scoped3A : memref<!tpu.dma_semaphore, #tpu.memory_space<semaphore_mem>>)
        %dma_wait3A = arith.constant 9984 : i32
        %dma_wait3A_102 = arith.constant 0 : i32
        %dma_wait3A_103 = tpu.memref_slice %arg5[%arg0, %dma_wait3A, %dma_wait3A_102] : memref<2x10000x128xf32, #tpu.memory_space<hbm>> -> memref<1x16x128xf32, #tpu.memory_space<hbm>>
        %dma_wait3A_104 = tpu.memref_squeeze %dma_wait3A_103 : memref<1x16x128xf32, #tpu.memory_space<hbm>> -> memref<16x128xf32, #tpu.memory_space<hbm>>
        %dma_wait3A_105 = arith.constant 9984 : i32
        %dma_wait3A_106 = arith.constant 0 : i32
        %dma_wait3A_107 = tpu.memref_slice %arg11[%dma_wait3A_105, %dma_wait3A_106] : memref<10000x128xf32, #tpu.memory_space<vmem_shared>> -> memref<16x128xf32, #tpu.memory_space<vmem_shared>>
        tpu.wait_dma2 semaphore(%run_scoped3A : memref<!tpu.dma_semaphore, #tpu.memory_space<semaphore_mem>>) src(%dma_wait3A_107 : memref<16x128xf32, #tpu.memory_space<vmem_shared>>) dst(%dma_wait3A_104 : memref<16x128xf32, #tpu.memory_space<hbm>>)
        tpu.yield
      }) : () -> ()
    } else {
    }
    return
  }
}

module attributes {stable_mosaic.version = 14 : i64} {
  func.func @_tc0_body(%arg0: i32, %arg1: memref<1x2500x1xf32, #tpu.memory_space<vmem>>, %arg2: memref<2x128xf32, #tpu.memory_space<vmem>>, %arg3: memref<1x2500x128xf32, #tpu.memory_space<vmem>>) attributes {dimension_semantics = [#tpu.dimension_semantics<arbitrary>], iteration_bounds = array<i64: 4>, scalar_prefetch = 0 : i64, scratch_operands = 0 : i64, tpu.core_type = #tpu.core_type<tc>, window_params = [{transform_indices = @transform_0, window_bounds = array<i64: 1, 2500, 1>}, {pipeline_mode = #tpu.pipeline_mode<synchronous>, transform_indices = @transform_1, window_bounds = array<i64: 2, 128>}, {transform_indices = @transform_2, window_bounds = array<i64: 1, 2500, 128>}]} {
    %get3A = arith.constant 0 : index
    %get3A_0 = arith.constant 0 : index
    %get3A_1 = arith.constant 0 : index
    %get3A_2 = vector.load %arg1[%get3A, %get3A_0, %get3A_1] : memref<1x2500x1xf32, #tpu.memory_space<vmem>>, vector<1x2500x1xf32>
    %squeeze3A = vector.shape_cast %get3A_2 : vector<1x2500x1xf32> to vector<2500x1xf32>
    %get3A_3 = arith.constant 0 : index
    %get3A_4 = arith.constant 0 : index
    %get3A_5 = vector.load %arg2[%get3A_3, %get3A_4] : memref<2x128xf32, #tpu.memory_space<vmem>>, vector<2x128xf32>
    %sub3A = arith.constant 1.000000e+00 : f32
    %sub3A_6 = vector.broadcast %sub3A : f32 to vector<2500x1xf32>
    %sub3A_7 = arith.subf %sub3A_6, %squeeze3A : vector<2500x1xf32>
    %slice3A = vector.extract_strided_slice %get3A_5 {offsets = [0, 0], sizes = [1, 128], strides = [1, 1]} : vector<2x128xf32> to vector<1x128xf32>
    %mul3A = vector.broadcast %sub3A_7 : vector<2500x1xf32> to vector<2500x128xf32>
    %mul3A_8 = vector.broadcast %slice3A : vector<1x128xf32> to vector<2500x128xf32>
    %mul3A_9 = arith.mulf %mul3A, %mul3A_8 : vector<2500x128xf32>
    %slice3A_10 = vector.extract_strided_slice %get3A_5 {offsets = [1, 0], sizes = [1, 128], strides = [1, 1]} : vector<2x128xf32> to vector<1x128xf32>
    %mul3A_11 = vector.broadcast %squeeze3A : vector<2500x1xf32> to vector<2500x128xf32>
    %mul3A_12 = vector.broadcast %slice3A_10 : vector<1x128xf32> to vector<2500x128xf32>
    %mul3A_13 = arith.mulf %mul3A_11, %mul3A_12 : vector<2500x128xf32>
    %add3A = arith.addf %mul3A_9, %mul3A_13 : vector<2500x128xf32>
    %reshape3A = vector.shape_cast %add3A : vector<2500x128xf32> to vector<1x2500x128xf32>
    %swap3A = arith.constant 0 : index
    %swap3A_14 = arith.constant 0 : index
    %swap3A_15 = arith.constant 0 : index
    %swap3A_16 = vector.load %arg3[%swap3A, %swap3A_14, %swap3A_15] : memref<1x2500x128xf32, #tpu.memory_space<vmem>>, vector<1x2500x128xf32>
    tpu.vector_store %arg3[%swap3A, %swap3A_14, %swap3A_15], %reshape3A {strides = array<i32>} : memref<1x2500x128xf32, #tpu.memory_space<vmem>>, vector<1x2500x128xf32>,
    return
  }
  func.func @transform_0(%arg0: i32) -> (i32, i32, i32) {
    %c0_i32 = arith.constant 0 : i32
    %c0_i32_0 = arith.constant 0 : i32
    %c0_i32_1 = arith.constant 0 : i32
    return %arg0, %c0_i32, %c0_i32_0 : i32, i32, i32
  }
  func.func @transform_1(%arg0: i32) -> (i32, i32) {
    %c0_i32 = arith.constant 0 : i32
    %c0_i32_0 = arith.constant 0 : i32
    %c0_i32_1 = arith.constant 0 : i32
    return %c0_i32, %c0_i32_0 : i32, i32
  }
  func.func @transform_2(%arg0: i32) -> (i32, i32, i32) {
    %c0_i32 = arith.constant 0 : i32
    %c0_i32_0 = arith.constant 0 : i32
    %c0_i32_1 = arith.constant 0 : i32
    return %arg0, %c0_i32, %c0_i32_0 : i32, i32, i32
  }
}

module attributes {stable_mosaic.version = 14 : i64} {
  func.func @_tc1_body(%arg0: i32, %arg1: memref<1x2500x128xf32, #tpu.memory_space<vmem>>, %arg2: memref<2x1x2500x128xf32, #tpu.memory_space<vmem>>, %arg3: memref<128x128xf32, #tpu.memory_space<vmem>>, %arg4: memref<1x128xf32, #tpu.memory_space<vmem>>, %arg5: memref<1x128xf32, #tpu.memory_space<vmem>>, %arg6: memref<128x128xf32, #tpu.memory_space<vmem>>, %arg7: memref<1x128xf32, #tpu.memory_space<vmem>>, %arg8: memref<1x128xf32, #tpu.memory_space<vmem>>, %arg9: memref<1x2500x128xf32, #tpu.memory_space<vmem>>) attributes {dimension_semantics = [#tpu.dimension_semantics<arbitrary>], iteration_bounds = array<i64: 4>, scalar_prefetch = 0 : i64, scratch_operands = 0 : i64, tpu.core_type = #tpu.core_type<tc>, window_params = [{transform_indices = @transform_0, window_bounds = array<i64: 1, 2500, 128>}, {transform_indices = @transform_1, window_bounds = array<i64: 2, 1, 2500, 128>}, {pipeline_mode = #tpu.pipeline_mode<synchronous>, transform_indices = @transform_2, window_bounds = array<i64: 128, 128>}, {pipeline_mode = #tpu.pipeline_mode<synchronous>, transform_indices = @transform_3, window_bounds = array<i64: 1, 128>}, {pipeline_mode = #tpu.pipeline_mode<synchronous>, transform_indices = @transform_4, window_bounds = array<i64: 1, 128>}, {pipeline_mode = #tpu.pipeline_mode<synchronous>, transform_indices = @transform_5, window_bounds = array<i64: 128, 128>}, {pipeline_mode = #tpu.pipeline_mode<synchronous>, transform_indices = @transform_6, window_bounds = array<i64: 1, 128>}, {pipeline_mode = #tpu.pipeline_mode<synchronous>, transform_indices = @transform_7, window_bounds = array<i64: 1, 128>}, {transform_indices = @transform_8, window_bounds = array<i64: 1, 2500, 128>}]} {
    %get3A = arith.constant 0 : index
    %get3A_0 = arith.constant 0 : index
    %get3A_1 = arith.constant 0 : index
    %get3A_2 = vector.load %arg1[%get3A, %get3A_0, %get3A_1] : memref<1x2500x128xf32, #tpu.memory_space<vmem>>, vector<1x2500x128xf32>
    %squeeze3A = vector.shape_cast %get3A_2 : vector<1x2500x128xf32> to vector<2500x128xf32>
    %get3A_3 = arith.constant 0 : index
    %get3A_4 = arith.constant 0 : index
    %get3A_5 = arith.constant 0 : index
    %get3A_6 = arith.constant 0 : index
    %get3A_7 = vector.load %arg2[%get3A_3, %get3A_4, %get3A_5, %get3A_6] : memref<2x1x2500x128xf32, #tpu.memory_space<vmem>>, vector<2x1x2500x128xf32>
    %slice3A = vector.extract_strided_slice %get3A_7 {offsets = [0, 0, 0, 0], sizes = [1, 1, 2500, 128], strides = [1, 1, 1, 1]} : vector<2x1x2500x128xf32> to vector<1x1x2500x128xf32>
    %squeeze3A_8 = vector.shape_cast %slice3A : vector<1x1x2500x128xf32> to vector<2500x128xf32>
    %add3A = arith.addf %squeeze3A, %squeeze3A_8 : vector<2500x128xf32>
    %slice3A_9 = vector.extract_strided_slice %get3A_7 {offsets = [1, 0, 0, 0], sizes = [1, 1, 2500, 128], strides = [1, 1, 1, 1]} : vector<2x1x2500x128xf32> to vector<1x1x2500x128xf32>
    %squeeze3A_10 = vector.shape_cast %slice3A_9 : vector<1x1x2500x128xf32> to vector<2500x128xf32>
    %add3A_11 = arith.addf %add3A, %squeeze3A_10 : vector<2500x128xf32>
    %get3A_12 = arith.constant 0 : index
    %get3A_13 = arith.constant 0 : index
    %get3A_14 = vector.load %arg3[%get3A_12, %get3A_13] : memref<128x128xf32, #tpu.memory_space<vmem>>, vector<128x128xf32>
    %get3A_15 = arith.constant 0 : index
    %get3A_16 = arith.constant 0 : index
    %get3A_17 = vector.load %arg4[%get3A_15, %get3A_16] : memref<1x128xf32, #tpu.memory_space<vmem>>, vector<1x128xf32>
    %get3A_18 = arith.constant 0 : index
    %get3A_19 = arith.constant 0 : index
    %get3A_20 = vector.load %arg5[%get3A_18, %get3A_19] : memref<1x128xf32, #tpu.memory_space<vmem>>, vector<1x128xf32>
    %get3A_21 = arith.constant 0 : index
    %get3A_22 = arith.constant 0 : index
    %get3A_23 = vector.load %arg6[%get3A_21, %get3A_22] : memref<128x128xf32, #tpu.memory_space<vmem>>, vector<128x128xf32>
    %get3A_24 = arith.constant 0 : index
    %get3A_25 = arith.constant 0 : index
    %get3A_26 = vector.load %arg7[%get3A_24, %get3A_25] : memref<1x128xf32, #tpu.memory_space<vmem>>, vector<1x128xf32>
    %get3A_27 = arith.constant 0 : index
    %get3A_28 = arith.constant 0 : index
    %get3A_29 = vector.load %arg8[%get3A_27, %get3A_28] : memref<1x128xf32, #tpu.memory_space<vmem>>, vector<1x128xf32>
    %dot_general3A = arith.constant dense<0.000000e+00> : vector<2500x128xf32>
    %dot_general3A_30 = tpu.matmul %add3A_11, %get3A_14, %dot_general3A {dimension_numbers = #tpu.dot_dimension_numbers<[1], [1], [0], [0], [0, 0, 1, 0], [], []>, transpose_lhs_hint = false} : vector<2500x128xf32>, vector<128x128xf32>, vector<2500x128xf32> -> vector<2500x128xf32>
    %mul3A = arith.constant 0.999994993 : f32
    %mul3A_31 = vector.broadcast %mul3A : f32 to vector<2500x128xf32>
    %mul3A_32 = arith.mulf %dot_general3A_30, %mul3A_31 : vector<2500x128xf32>
    %mul3A_33 = vector.broadcast %get3A_17 : vector<1x128xf32> to vector<2500x128xf32>
    %mul3A_34 = arith.mulf %mul3A_32, %mul3A_33 : vector<2500x128xf32>
    %add3A_35 = vector.broadcast %get3A_20 : vector<1x128xf32> to vector<2500x128xf32>
    %add3A_36 = arith.addf %mul3A_34, %add3A_35 : vector<2500x128xf32>
    %max3A = arith.constant 0.000000e+00 : f32
    %max3A_37 = vector.broadcast %max3A : f32 to vector<2500x128xf32>
    %max3A_38 = arith.maximumf %add3A_36, %max3A_37 : vector<2500x128xf32>
    %dot_general3A_39 = arith.constant dense<0.000000e+00> : vector<2500x128xf32>
    %dot_general3A_40 = tpu.matmul %max3A_38, %get3A_23, %dot_general3A_39 {dimension_numbers = #tpu.dot_dimension_numbers<[1], [1], [0], [0], [0, 0, 1, 0], [], []>, transpose_lhs_hint = false} : vector<2500x128xf32>, vector<128x128xf32>, vector<2500x128xf32> -> vector<2500x128xf32>
    %mul3A_41 = arith.constant 0.999994993 : f32
    %mul3A_42 = vector.broadcast %mul3A_41 : f32 to vector<2500x128xf32>
    %mul3A_43 = arith.mulf %dot_general3A_40, %mul3A_42 : vector<2500x128xf32>
    %mul3A_44 = vector.broadcast %get3A_26 : vector<1x128xf32> to vector<2500x128xf32>
    %mul3A_45 = arith.mulf %mul3A_43, %mul3A_44 : vector<2500x128xf32>
    %add3A_46 = vector.broadcast %get3A_29 : vector<1x128xf32> to vector<2500x128xf32>
    %add3A_47 = arith.addf %mul3A_45, %add3A_46 : vector<2500x128xf32>
    %max3A_48 = arith.constant 0.000000e+00 : f32
    %max3A_49 = vector.broadcast %max3A_48 : f32 to vector<2500x128xf32>
    %max3A_50 = arith.maximumf %add3A_47, %max3A_49 : vector<2500x128xf32>
    %reshape3A = vector.shape_cast %max3A_50 : vector<2500x128xf32> to vector<1x2500x128xf32>
    %swap3A = arith.constant 0 : index
    %swap3A_51 = arith.constant 0 : index
    %swap3A_52 = arith.constant 0 : index
    %swap3A_53 = vector.load %arg9[%swap3A, %swap3A_51, %swap3A_52] : memref<1x2500x128xf32, #tpu.memory_space<vmem>>, vector<1x2500x128xf32>
    tpu.vector_store %arg9[%swap3A, %swap3A_51, %swap3A_52], %reshape3A {strides = array<i32>} : memref<1x2500x128xf32, #tpu.memory_space<vmem>>, vector<1x2500x128xf32>,
    return
  }
  func.func @transform_0(%arg0: i32) -> (i32, i32, i32) {
    %c0_i32 = arith.constant 0 : i32
    %c0_i32_0 = arith.constant 0 : i32
    %c0_i32_1 = arith.constant 0 : i32
    return %arg0, %c0_i32, %c0_i32_0 : i32, i32, i32
  }
  func.func @transform_1(%arg0: i32) -> (i32, i32, i32, i32) {
    %c0_i32 = arith.constant 0 : i32
    %c0_i32_0 = arith.constant 0 : i32
    %c0_i32_1 = arith.constant 0 : i32
    %c0_i32_2 = arith.constant 0 : i32
    return %c0_i32, %arg0, %c0_i32_0, %c0_i32_1 : i32, i32, i32, i32
  }
  func.func @transform_2(%arg0: i32) -> (i32, i32) {
    %c0_i32 = arith.constant 0 : i32
    %c0_i32_0 = arith.constant 0 : i32
    %c0_i32_1 = arith.constant 0 : i32
    return %c0_i32, %c0_i32_0 : i32, i32
  }
  func.func @transform_3(%arg0: i32) -> (i32, i32) {
    %c0_i32 = arith.constant 0 : i32
    %c0_i32_0 = arith.constant 0 : i32
    %c0_i32_1 = arith.constant 0 : i32
    return %c0_i32, %c0_i32_0 : i32, i32
  }
  func.func @transform_4(%arg0: i32) -> (i32, i32) {
    %c0_i32 = arith.constant 0 : i32
    %c0_i32_0 = arith.constant 0 : i32
    %c0_i32_1 = arith.constant 0 : i32
    return %c0_i32, %c0_i32_0 : i32, i32
  }
  func.func @transform_5(%arg0: i32) -> (i32, i32) {
    %c0_i32 = arith.constant 0 : i32
    %c0_i32_0 = arith.constant 0 : i32
    %c0_i32_1 = arith.constant 0 : i32
    return %c0_i32, %c0_i32_0 : i32, i32
  }
  func.func @transform_6(%arg0: i32) -> (i32, i32) {
    %c0_i32 = arith.constant 0 : i32
    %c0_i32_0 = arith.constant 0 : i32
    %c0_i32_1 = arith.constant 0 : i32
    return %c0_i32, %c0_i32_0 : i32, i32
  }
  func.func @transform_7(%arg0: i32) -> (i32, i32) {
    %c0_i32 = arith.constant 0 : i32
    %c0_i32_0 = arith.constant 0 : i32
    %c0_i32_1 = arith.constant 0 : i32
    return %c0_i32, %c0_i32_0 : i32, i32
  }
  func.func @transform_8(%arg0: i32) -> (i32, i32, i32) {
    %c0_i32 = arith.constant 0 : i32
    %c0_i32_0 = arith.constant 0 : i32
    %c0_i32_1 = arith.constant 0 : i32
    return %arg0, %c0_i32, %c0_i32_0 : i32, i32, i32
  }
}

module attributes {stable_mosaic.version = 14 : i64} {
  func.func @_tc2_body(%arg0: i32, %arg1: memref<1x2500x128xf32, #tpu.memory_space<vmem>>, %arg2: memref<1x2500x128xf32, #tpu.memory_space<vmem>>, %arg3: memref<2x1x2500x128xf32, #tpu.memory_space<vmem>>, %arg4: memref<128x128xf32, #tpu.memory_space<vmem>>, %arg5: memref<1x128xf32, #tpu.memory_space<vmem>>, %arg6: memref<1x128xf32, #tpu.memory_space<vmem>>, %arg7: memref<128x128xf32, #tpu.memory_space<vmem>>, %arg8: memref<1x128xf32, #tpu.memory_space<vmem>>, %arg9: memref<1x128xf32, #tpu.memory_space<vmem>>, %arg10: memref<128x128xf32, #tpu.memory_space<vmem>>, %arg11: memref<128x128xf32, #tpu.memory_space<vmem>>, %arg12: memref<128x128xf32, #tpu.memory_space<vmem>>, %arg13: memref<1x128xf32, #tpu.memory_space<vmem>>, %arg14: memref<8x128xf32, #tpu.memory_space<vmem>>, %arg15: memref<1x1xf32, #tpu.memory_space<vmem>>, %arg16: memref<1x2500x1xf32, #tpu.memory_space<vmem>>, %arg17: memref<1x1x1xf32, #tpu.memory_space<vmem>>) attributes {dimension_semantics = [#tpu.dimension_semantics<arbitrary>], iteration_bounds = array<i64: 4>, scalar_prefetch = 0 : i64, scratch_operands = 0 : i64, tpu.core_type = #tpu.core_type<tc>, window_params = [{transform_indices = @transform_0, window_bounds = array<i64: 1, 2500, 128>}, {transform_indices = @transform_1, window_bounds = array<i64: 1, 2500, 128>}, {transform_indices = @transform_2, window_bounds = array<i64: 2, 1, 2500, 128>}, {pipeline_mode = #tpu.pipeline_mode<synchronous>, transform_indices = @transform_3, window_bounds = array<i64: 128, 128>}, {pipeline_mode = #tpu.pipeline_mode<synchronous>, transform_indices = @transform_4, window_bounds = array<i64: 1, 128>}, {pipeline_mode = #tpu.pipeline_mode<synchronous>, transform_indices = @transform_5, window_bounds = array<i64: 1, 128>}, {pipeline_mode = #tpu.pipeline_mode<synchronous>, transform_indices = @transform_6, window_bounds = array<i64: 128, 128>}, {pipeline_mode = #tpu.pipeline_mode<synchronous>, transform_indices = @transform_7, window_bounds = array<i64: 1, 128>}, {pipeline_mode = #tpu.pipeline_mode<synchronous>, transform_indices = @transform_8, window_bounds = array<i64: 1, 128>}, {pipeline_mode = #tpu.pipeline_mode<synchronous>, transform_indices = @transform_9, window_bounds = array<i64: 128, 128>}, {pipeline_mode = #tpu.pipeline_mode<synchronous>, transform_indices = @transform_10, window_bounds = array<i64: 128, 128>}, {pipeline_mode = #tpu.pipeline_mode<synchronous>, transform_indices = @transform_11, window_bounds = array<i64: 128, 128>}, {pipeline_mode = #tpu.pipeline_mode<synchronous>, transform_indices = @transform_12, window_bounds = array<i64: 1, 128>}, {pipeline_mode = #tpu.pipeline_mode<synchronous>, transform_indices = @transform_13, window_bounds = array<i64: 8, 128>}, {pipeline_mode = #tpu.pipeline_mode<synchronous>, transform_indices = @transform_14, window_bounds = array<i64: 1, 1>}, {transform_indices = @transform_15, window_bounds = array<i64: 1, 2500, 1>}, {transform_indices = @transform_16, window_bounds = array<i64: 1, 1, 1>}]} {
    %get3A = arith.constant 0 : index
    %get3A_0 = arith.constant 0 : index
    %get3A_1 = arith.constant 0 : index
    %get3A_2 = vector.load %arg1[%get3A, %get3A_0, %get3A_1] : memref<1x2500x128xf32, #tpu.memory_space<vmem>>, vector<1x2500x128xf32>
    %squeeze3A = vector.shape_cast %get3A_2 : vector<1x2500x128xf32> to vector<2500x128xf32>
    %get3A_3 = arith.constant 0 : index
    %get3A_4 = arith.constant 0 : index
    %get3A_5 = arith.constant 0 : index
    %get3A_6 = vector.load %arg2[%get3A_3, %get3A_4, %get3A_5] : memref<1x2500x128xf32, #tpu.memory_space<vmem>>, vector<1x2500x128xf32>
    %squeeze3A_7 = vector.shape_cast %get3A_6 : vector<1x2500x128xf32> to vector<2500x128xf32>
    %get3A_8 = arith.constant 0 : index
    %get3A_9 = arith.constant 0 : index
    %get3A_10 = arith.constant 0 : index
    %get3A_11 = arith.constant 0 : index
    %get3A_12 = vector.load %arg3[%get3A_8, %get3A_9, %get3A_10, %get3A_11] : memref<2x1x2500x128xf32, #tpu.memory_space<vmem>>, vector<2x1x2500x128xf32>
    %slice3A = vector.extract_strided_slice %get3A_12 {offsets = [0, 0, 0, 0], sizes = [1, 1, 2500, 128], strides = [1, 1, 1, 1]} : vector<2x1x2500x128xf32> to vector<1x1x2500x128xf32>
    %squeeze3A_13 = vector.shape_cast %slice3A : vector<1x1x2500x128xf32> to vector<2500x128xf32>
    %add3A = arith.addf %squeeze3A_7, %squeeze3A_13 : vector<2500x128xf32>
    %slice3A_14 = vector.extract_strided_slice %get3A_12 {offsets = [1, 0, 0, 0], sizes = [1, 1, 2500, 128], strides = [1, 1, 1, 1]} : vector<2x1x2500x128xf32> to vector<1x1x2500x128xf32>
    %squeeze3A_15 = vector.shape_cast %slice3A_14 : vector<1x1x2500x128xf32> to vector<2500x128xf32>
    %add3A_16 = arith.addf %add3A, %squeeze3A_15 : vector<2500x128xf32>
    %get3A_17 = arith.constant 0 : index
    %get3A_18 = arith.constant 0 : index
    %get3A_19 = vector.load %arg4[%get3A_17, %get3A_18] : memref<128x128xf32, #tpu.memory_space<vmem>>, vector<128x128xf32>
    %get3A_20 = arith.constant 0 : index
    %get3A_21 = arith.constant 0 : index
    %get3A_22 = vector.load %arg5[%get3A_20, %get3A_21] : memref<1x128xf32, #tpu.memory_space<vmem>>, vector<1x128xf32>
    %get3A_23 = arith.constant 0 : index
    %get3A_24 = arith.constant 0 : index
    %get3A_25 = vector.load %arg6[%get3A_23, %get3A_24] : memref<1x128xf32, #tpu.memory_space<vmem>>, vector<1x128xf32>
    %get3A_26 = arith.constant 0 : index
    %get3A_27 = arith.constant 0 : index
    %get3A_28 = vector.load %arg7[%get3A_26, %get3A_27] : memref<128x128xf32, #tpu.memory_space<vmem>>, vector<128x128xf32>
    %get3A_29 = arith.constant 0 : index
    %get3A_30 = arith.constant 0 : index
    %get3A_31 = vector.load %arg8[%get3A_29, %get3A_30] : memref<1x128xf32, #tpu.memory_space<vmem>>, vector<1x128xf32>
    %get3A_32 = arith.constant 0 : index
    %get3A_33 = arith.constant 0 : index
    %get3A_34 = vector.load %arg9[%get3A_32, %get3A_33] : memref<1x128xf32, #tpu.memory_space<vmem>>, vector<1x128xf32>
    %dot_general3A = arith.constant dense<0.000000e+00> : vector<2500x128xf32>
    %dot_general3A_35 = tpu.matmul %add3A_16, %get3A_19, %dot_general3A {dimension_numbers = #tpu.dot_dimension_numbers<[1], [1], [0], [0], [0, 0, 1, 0], [], []>, transpose_lhs_hint = false} : vector<2500x128xf32>, vector<128x128xf32>, vector<2500x128xf32> -> vector<2500x128xf32>
    %mul3A = arith.constant 0.999994993 : f32
    %mul3A_36 = vector.broadcast %mul3A : f32 to vector<2500x128xf32>
    %mul3A_37 = arith.mulf %dot_general3A_35, %mul3A_36 : vector<2500x128xf32>
    %mul3A_38 = vector.broadcast %get3A_22 : vector<1x128xf32> to vector<2500x128xf32>
    %mul3A_39 = arith.mulf %mul3A_37, %mul3A_38 : vector<2500x128xf32>
    %add3A_40 = vector.broadcast %get3A_25 : vector<1x128xf32> to vector<2500x128xf32>
    %add3A_41 = arith.addf %mul3A_39, %add3A_40 : vector<2500x128xf32>
    %max3A = arith.constant 0.000000e+00 : f32
    %max3A_42 = vector.broadcast %max3A : f32 to vector<2500x128xf32>
    %max3A_43 = arith.maximumf %add3A_41, %max3A_42 : vector<2500x128xf32>
    %dot_general3A_44 = arith.constant dense<0.000000e+00> : vector<2500x128xf32>
    %dot_general3A_45 = tpu.matmul %max3A_43, %get3A_28, %dot_general3A_44 {dimension_numbers = #tpu.dot_dimension_numbers<[1], [1], [0], [0], [0, 0, 1, 0], [], []>, transpose_lhs_hint = false} : vector<2500x128xf32>, vector<128x128xf32>, vector<2500x128xf32> -> vector<2500x128xf32>
    %mul3A_46 = arith.constant 0.999994993 : f32
    %mul3A_47 = vector.broadcast %mul3A_46 : f32 to vector<2500x128xf32>
    %mul3A_48 = arith.mulf %dot_general3A_45, %mul3A_47 : vector<2500x128xf32>
    %mul3A_49 = vector.broadcast %get3A_31 : vector<1x128xf32> to vector<2500x128xf32>
    %mul3A_50 = arith.mulf %mul3A_48, %mul3A_49 : vector<2500x128xf32>
    %add3A_51 = vector.broadcast %get3A_34 : vector<1x128xf32> to vector<2500x128xf32>
    %add3A_52 = arith.addf %mul3A_50, %add3A_51 : vector<2500x128xf32>
    %max3A_53 = arith.constant 0.000000e+00 : f32
    %max3A_54 = vector.broadcast %max3A_53 : f32 to vector<2500x128xf32>
    %max3A_55 = arith.maximumf %add3A_52, %max3A_54 : vector<2500x128xf32>
    %get3A_56 = arith.constant 0 : index
    %get3A_57 = arith.constant 0 : index
    %get3A_58 = vector.load %arg10[%get3A_56, %get3A_57] : memref<128x128xf32, #tpu.memory_space<vmem>>, vector<128x128xf32>
    %dot_general3A_59 = arith.constant dense<0.000000e+00> : vector<2500x128xf32>
    %dot_general3A_60 = tpu.matmul %squeeze3A, %get3A_58, %dot_general3A_59 {dimension_numbers = #tpu.dot_dimension_numbers<[1], [1], [0], [0], [0, 0, 1, 0], [], []>, transpose_lhs_hint = false} : vector<2500x128xf32>, vector<128x128xf32>, vector<2500x128xf32> -> vector<2500x128xf32>
    %get3A_61 = arith.constant 0 : index
    %get3A_62 = arith.constant 0 : index
    %get3A_63 = vector.load %arg11[%get3A_61, %get3A_62] : memref<128x128xf32, #tpu.memory_space<vmem>>, vector<128x128xf32>
    %dot_general3A_64 = arith.constant dense<0.000000e+00> : vector<2500x128xf32>
    %dot_general3A_65 = tpu.matmul %squeeze3A_7, %get3A_63, %dot_general3A_64 {dimension_numbers = #tpu.dot_dimension_numbers<[1], [1], [0], [0], [0, 0, 1, 0], [], []>, transpose_lhs_hint = false} : vector<2500x128xf32>, vector<128x128xf32>, vector<2500x128xf32> -> vector<2500x128xf32>
    %add3A_66 = arith.addf %dot_general3A_60, %dot_general3A_65 : vector<2500x128xf32>
    %get3A_67 = arith.constant 0 : index
    %get3A_68 = arith.constant 0 : index
    %get3A_69 = vector.load %arg12[%get3A_67, %get3A_68] : memref<128x128xf32, #tpu.memory_space<vmem>>, vector<128x128xf32>
    %dot_general3A_70 = arith.constant dense<0.000000e+00> : vector<2500x128xf32>
    %dot_general3A_71 = tpu.matmul %max3A_55, %get3A_69, %dot_general3A_70 {dimension_numbers = #tpu.dot_dimension_numbers<[1], [1], [0], [0], [0, 0, 1, 0], [], []>, transpose_lhs_hint = false} : vector<2500x128xf32>, vector<128x128xf32>, vector<2500x128xf32> -> vector<2500x128xf32>
    %add3A_72 = arith.addf %add3A_66, %dot_general3A_71 : vector<2500x128xf32>
    %get3A_73 = arith.constant 0 : index
    %get3A_74 = arith.constant 0 : index
    %get3A_75 = vector.load %arg13[%get3A_73, %get3A_74] : memref<1x128xf32, #tpu.memory_space<vmem>>, vector<1x128xf32>
    %add3A_76 = vector.broadcast %get3A_75 : vector<1x128xf32> to vector<2500x128xf32>
    %add3A_77 = arith.addf %add3A_72, %add3A_76 : vector<2500x128xf32>
    %max3A_78 = arith.constant 0.000000e+00 : f32
    %max3A_79 = vector.broadcast %max3A_78 : f32 to vector<2500x128xf32>
    %max3A_80 = arith.maximumf %add3A_77, %max3A_79 : vector<2500x128xf32>
    %get3A_81 = arith.constant 0 : index
    %get3A_82 = arith.constant 0 : index
    %get3A_83 = vector.load %arg14[%get3A_81, %get3A_82] : memref<8x128xf32, #tpu.memory_space<vmem>>, vector<8x128xf32>
    %dot_general3A_84 = arith.constant dense<0.000000e+00> : vector<2500x8xf32>
    %dot_general3A_85 = tpu.matmul %max3A_80, %get3A_83, %dot_general3A_84 {dimension_numbers = #tpu.dot_dimension_numbers<[1], [1], [0], [0], [0, 0, 1, 0], [], []>, transpose_lhs_hint = false} : vector<2500x128xf32>, vector<8x128xf32>, vector<2500x8xf32> -> vector<2500x8xf32>
    %slice3A_86 = vector.extract_strided_slice %dot_general3A_85 {offsets = [0, 0], sizes = [2500, 1], strides = [1, 1]} : vector<2500x8xf32> to vector<2500x1xf32>
    %get3A_87 = arith.constant 0 : index
    %get3A_88 = arith.constant 0 : index
    %get3A_89 = vector.load %arg15[%get3A_87, %get3A_88] : memref<1x1xf32, #tpu.memory_space<vmem>>, vector<1x1xf32>
    %get3A_90 = vector.extract %get3A_89[0, 0] : f32 from vector<1x1xf32>
    %add3A_91 = vector.broadcast %get3A_90 : f32 to vector<2500x1xf32>
    %add3A_92 = arith.addf %slice3A_86, %add3A_91 : vector<2500x1xf32>
    %reshape3A = vector.shape_cast %add3A_92 : vector<2500x1xf32> to vector<1x2500x1xf32>
    %swap3A = arith.constant 0 : index
    %swap3A_93 = arith.constant 0 : index
    %swap3A_94 = arith.constant 0 : index
    %swap3A_95 = vector.load %arg16[%swap3A, %swap3A_93, %swap3A_94] : memref<1x2500x1xf32, #tpu.memory_space<vmem>>, vector<1x2500x1xf32>
    tpu.vector_store %arg16[%swap3A, %swap3A_93, %swap3A_94], %reshape3A {strides = array<i32>} : memref<1x2500x1xf32, #tpu.memory_space<vmem>>, vector<1x2500x1xf32>,
    %reduce_max3A = vector.shape_cast %add3A_92 : vector<2500x1xf32> to vector<1x2500x1xf32>
    %reduce_max3A_96 = arith.constant dense<0xFF800000> : vector<1xf32>
    %reduce_max3A_97 = vector.multi_reduction <maximumf>, %reduce_max3A, %reduce_max3A_96 [1, 2] : vector<1x2500x1xf32> to vector<1xf32>
    %reduce_max3A_98 = vector.shape_cast %reduce_max3A_97 : vector<1xf32> to vector<1x1x1xf32>
    %reduce_max3A_99 = vector.extract %reduce_max3A_98[0, 0, 0] : f32 from vector<1x1x1xf32>
    %reshape3A_100 = vector.broadcast %reduce_max3A_99 : f32 to vector<1x1x1xf32>
    %swap3A_101 = arith.constant 0 : index
    %swap3A_102 = arith.constant 0 : index
    %swap3A_103 = arith.constant 0 : index
    %swap3A_104 = vector.load %arg17[%swap3A_101, %swap3A_102, %swap3A_103] : memref<1x1x1xf32, #tpu.memory_space<vmem>>, vector<1x1x1xf32>
    tpu.vector_store %arg17[%swap3A_101, %swap3A_102, %swap3A_103], %reshape3A_100 {strides = array<i32>} : memref<1x1x1xf32, #tpu.memory_space<vmem>>, vector<1x1x1xf32>,
    return
  }
  func.func @transform_0(%arg0: i32) -> (i32, i32, i32) {
    %c0_i32 = arith.constant 0 : i32
    %c0_i32_0 = arith.constant 0 : i32
    %c0_i32_1 = arith.constant 0 : i32
    return %arg0, %c0_i32, %c0_i32_0 : i32, i32, i32
  }
  func.func @transform_1(%arg0: i32) -> (i32, i32, i32) {
    %c0_i32 = arith.constant 0 : i32
    %c0_i32_0 = arith.constant 0 : i32
    %c0_i32_1 = arith.constant 0 : i32
    return %arg0, %c0_i32, %c0_i32_0 : i32, i32, i32
  }
  func.func @transform_2(%arg0: i32) -> (i32, i32, i32, i32) {
    %c0_i32 = arith.constant 0 : i32
    %c0_i32_0 = arith.constant 0 : i32
    %c0_i32_1 = arith.constant 0 : i32
    %c0_i32_2 = arith.constant 0 : i32
    return %c0_i32, %arg0, %c0_i32_0, %c0_i32_1 : i32, i32, i32, i32
  }
  func.func @transform_3(%arg0: i32) -> (i32, i32) {
    %c0_i32 = arith.constant 0 : i32
    %c0_i32_0 = arith.constant 0 : i32
    %c0_i32_1 = arith.constant 0 : i32
    return %c0_i32, %c0_i32_0 : i32, i32
  }
  func.func @transform_4(%arg0: i32) -> (i32, i32) {
    %c0_i32 = arith.constant 0 : i32
    %c0_i32_0 = arith.constant 0 : i32
    %c0_i32_1 = arith.constant 0 : i32
    return %c0_i32, %c0_i32_0 : i32, i32
  }
  func.func @transform_5(%arg0: i32) -> (i32, i32) {
    %c0_i32 = arith.constant 0 : i32
    %c0_i32_0 = arith.constant 0 : i32
    %c0_i32_1 = arith.constant 0 : i32
    return %c0_i32, %c0_i32_0 : i32, i32
  }
  func.func @transform_6(%arg0: i32) -> (i32, i32) {
    %c0_i32 = arith.constant 0 : i32
    %c0_i32_0 = arith.constant 0 : i32
    %c0_i32_1 = arith.constant 0 : i32
    return %c0_i32, %c0_i32_0 : i32, i32
  }
  func.func @transform_7(%arg0: i32) -> (i32, i32) {
    %c0_i32 = arith.constant 0 : i32
    %c0_i32_0 = arith.constant 0 : i32
    %c0_i32_1 = arith.constant 0 : i32
    return %c0_i32, %c0_i32_0 : i32, i32
  }
  func.func @transform_8(%arg0: i32) -> (i32, i32) {
    %c0_i32 = arith.constant 0 : i32
    %c0_i32_0 = arith.constant 0 : i32
    %c0_i32_1 = arith.constant 0 : i32
    return %c0_i32, %c0_i32_0 : i32, i32
  }
  func.func @transform_9(%arg0: i32) -> (i32, i32) {
    %c0_i32 = arith.constant 0 : i32
    %c0_i32_0 = arith.constant 0 : i32
    %c0_i32_1 = arith.constant 0 : i32
    return %c0_i32, %c0_i32_0 : i32, i32
  }
  func.func @transform_10(%arg0: i32) -> (i32, i32) {
    %c0_i32 = arith.constant 0 : i32
    %c0_i32_0 = arith.constant 0 : i32
    %c0_i32_1 = arith.constant 0 : i32
    return %c0_i32, %c0_i32_0 : i32, i32
  }
  func.func @transform_11(%arg0: i32) -> (i32, i32) {
    %c0_i32 = arith.constant 0 : i32
    %c0_i32_0 = arith.constant 0 : i32
    %c0_i32_1 = arith.constant 0 : i32
    return %c0_i32, %c0_i32_0 : i32, i32
  }
  func.func @transform_12(%arg0: i32) -> (i32, i32) {
    %c0_i32 = arith.constant 0 : i32
    %c0_i32_0 = arith.constant 0 : i32
    %c0_i32_1 = arith.constant 0 : i32
    return %c0_i32, %c0_i32_0 : i32, i32
  }
  func.func @transform_13(%arg0: i32) -> (i32, i32) {
    %c0_i32 = arith.constant 0 : i32
    %c0_i32_0 = arith.constant 0 : i32
    %c0_i32_1 = arith.constant 0 : i32
    return %c0_i32, %c0_i32_0 : i32, i32
  }
  func.func @transform_14(%arg0: i32) -> (i32, i32) {
    %c0_i32 = arith.constant 0 : i32
    %c0_i32_0 = arith.constant 0 : i32
    %c0_i32_1 = arith.constant 0 : i32
    return %c0_i32, %c0_i32_0 : i32, i32
  }
  func.func @transform_15(%arg0: i32) -> (i32, i32, i32) {
    %c0_i32 = arith.constant 0 : i32
    %c0_i32_0 = arith.constant 0 : i32
    %c0_i32_1 = arith.constant 0 : i32
    return %arg0, %c0_i32, %c0_i32_0 : i32, i32, i32
  }
  func.func @transform_16(%arg0: i32) -> (i32, i32, i32) {
    %c0_i32 = arith.constant 0 : i32
    %c0_i32_0 = arith.constant 0 : i32
    %c0_i32_1 = arith.constant 0 : i32
    return %arg0, %c0_i32, %c0_i32_0 : i32, i32, i32
  }
}

</mosaic_0001>

<sc_bundles>
// kernel: kernel.10.cloned.1.call-start
scs
__scs_entry_jumppad:
0x0: {  	(pc) =	sbr.rel $0x88, $3  }
0x1: {  	(tag) =	ssettag $0x0;
	lr =	simm.s32 $0x1  }
0x2: {  	[smem:$0x3F8E] =	sst lr;
	_ =	strace $0xD0000000  }
0x3: {  	_ = 	snop  }
0x4: {  	_ = 	snop  }
0x5: {  	_ = 	snop  }
0x6: {  	_ = 	snop  }
0x7: {  	_ = 	snop  }
__scs_overlays_trampoline_lowered:
0x8: {  	[smem:$0x3F9D] =	sst s0  }
0x9: {  	[smem:$0x3F9E] =	sst s1  }
0xa: {  	[smem:$0x3F9F] =	sst s2  }
0xb: {  	[smem:$0x3FA0] =	sst s3  }
0xc: {  	[smem:$0x3FA1] =	sst s4  }
0xd: {  	[smem:$0x3FA2] =	sst s5  }
0xe: {  	[smem:$0x3FA3] =	sst s6  }
0xf: {  	[smem:$0x3FA4] =	sst s7  }
0x10: {  	[smem:$0x3FA5] =	sst s8  }
0x11: {  	[smem:$0x3FA6] =	sst s9;
	s0 =	simm.s32 @!p0 $0x0  }
0x12: {  	s1 =	sld [smem:$0x3F8C];
	s0 =	simm.s32 @p0 $0x1  }
0x13: {  	[smem:$0x3FA7] =	sst s0;
	s0 =	simm.s32 @!p1 $0x0  }
0x14: {  	s2 =	sld [smem:$0x3F8B];
	s0 =	simm.s32 @p1 $0x1  }
0x15: {  	[smem:$0x3FA8] =	sst s0;
	s0 =	simm.s32 @!p2 $0x0  }
0x16: {  	s3 =	sld [smem:$0x3FDB];
	s0 =	simm.s32 @p2 $0x1  }
0x17: {  	s4 =	simm.s32 $0x1BF5;
	[smem:$0x3FAA] =	sst s0  }
0x18: {  	s0 =	sld [smem:$0x3F8D];
	_ =	swait.ge [sflag:s4], $0x0  }
0x19: {  	s7 =	sld [smem:$0x3F8E]  }
0x1a: {  	s8 =	sadd.s32 $0xFFFFE003, lr  }
0x1b: {  	s9 =	sadd.s32 $0xFFFFFEF7, lr;
	s5 =	simm.s32 $0xFFFFFFFF;
	p2 =	slt.u32 s8, $0xFFFFF086  }
0x1c: {  	p1 =	slt.u32 s9, $0xF7A;
	s5 =	simm.s32 @!p2 $0x0  }
0x1d: {  	s5 =	simm.s32 @p1 $0x1;
	p0 =	seq.s32 s7, s2  }
0x1e: {  	s7 =	smul.u32 @!p0 $0xF7A, s2;
	p2 =	seq.s32 @!p0 s5, $0x0  }
0x1f: {  	s9 =	smul.u32 $0xF7A, s1;
	s8 =	simm.s32 @!p0 $0x1BF5;
	p2 =	por !p2, p0  }
0x20: {  	[sflag:s8] =	ssyncset.s32 @!p0 $0xFFFFF086;
	s6 =	sadd.s32 @!p0 s3, s7;
	s7 =	simm.s32 @!p0 $0x108  }
0x21: {  	s3 =	sadd.s32 s3, s9;
	s6 =	sadd.s32 @!p0 $0x88, s6;
	s7 =	simm.s32 @p2 $0x1082  }
0x22: {  	[simem:s7], [sflag:s8] =	dma.local @!p0 [hbm:s6], $0xF7A  }
0x23: {  	s9 =	sor.u32 $0xD0000000, s2;
	s6 =	simm.s32 $0x108;
	_ =	swait.ge @!p0 [sflag:s8], $0x0  }
0x24: {  	s3 =	sadd.s32 $0x88, s3;
	s6 =	simm.s32 @!p1 $0x1082;
	[sflag:s4] =	ssyncset.s32 $0xFFFFF086  }
0x25: {  	[simem:s6], [sflag:s4] =	dma.local [hbm:s3], $0xF7A  }
0x26: {  	[smem:$0x3F8E] =	sst s1;
	(tag) =	ssettag s2;
	_ =	strace s9  }
0x27: {  	s1 =	sld [smem:$0x3F9E]  }
0x28: {  	s2 =	sld [smem:$0x3F9F]  }
0x29: {  	s4 =	sld [smem:$0x3FA1]  }
0x2a: {  	p0 =	seq.s32 s5, $0x0;
	s5 =	sld [smem:$0x3FA2]  }
0x2b: {  	s6 =	sld [smem:$0x3FA3]  }
0x2c: {  	s7 =	sld [smem:$0x3FA4]  }
0x2d: {  	s3 =	simm.s32 $0x108;
	s8 =	sld [smem:$0x3FA5]  }
0x2e: {  	s3 =	simm.s32 @!p0 $0x1082;
	s9 =	sld [smem:$0x3FA6]  }
0x2f: {  	lr =	sadd.s32 s0, s3;
	s0 =	sld [smem:$0x3F9D]  }
0x30: {  	s3 =	sld [smem:$0x3FA0]  }
0x31: {  	[smem:$0x3FA9] =	sst s10  }
0x32: {  	s10 =	sld [smem:$0x3FA7];
	_ =	sdelay $0x3  }
0x33: {  	p0 =	seq.s32 s10, $0x1;
	s10 =	sld [smem:$0x3FA9];
	_ =	sdelay $0x3  }
0x34: {  	[smem:$0x3FA9] =	sst s10  }
0x35: {  	s10 =	sld [smem:$0x3FA8];
	_ =	sdelay $0x3  }
0x36: {  	p1 =	seq.s32 s10, $0x1;
	s10 =	sld [smem:$0x3FA9];
	_ =	sdelay $0x3  }
0x37: {  	[smem:$0x3FA9] =	sst s10  }
0x38: {  	s10 =	sld [smem:$0x3FAA]  }
0x39: {  	_ = 	snop;
	(pc) =	sbr.ind lr, $3  }
0x3a: {  	_ = 	snop  }
0x3b: {  	_ = 	snop  }
0x3c: {  	p2 =	seq.s32 s10, $0x1;
	s10 =	sld [smem:$0x3FA9]  }
0x3d: {  	_ =	shalt  }
0x3e: {  	_ =	shalt  }
0x3f: {  	_ =	shalt  }
0x40: {  	_ =	shalt  }
0x41: {  	_ =	shalt  }
0x42: {  	_ =	shalt  }
0x43: {  	_ =	shalt  }
0x44: {  	_ =	shalt  }
0x45: {  	_ =	shalt  }
0x46: {  	_ =	shalt  }
0x47: {  	_ =	shalt  }
0x48: {  	_ =	shalt  }
0x49: {  	_ =	shalt  }
0x4a: {  	_ =	shalt  }
0x4b: {  	_ =	shalt  }
0x4c: {  	_ =	shalt  }
0x4d: {  	_ =	shalt  }
0x4e: {  	_ =	shalt  }
0x4f: {  	_ =	shalt  }
0x50: {  	_ =	shalt  }
0x51: {  	_ =	shalt  }
0x52: {  	_ =	shalt  }
0x53: {  	_ =	shalt  }
0x54: {  	_ =	shalt  }
0x55: {  	_ =	shalt  }
0x56: {  	_ =	shalt  }
0x57: {  	_ =	shalt  }
0x58: {  	_ =	shalt  }
0x59: {  	_ =	shalt  }
0x5a: {  	_ =	shalt  }
0x5b: {  	_ =	shalt  }
0x5c: {  	_ =	shalt  }
0x5d: {  	_ =	shalt  }
0x5e: {  	_ =	shalt  }
0x5f: {  	_ =	shalt  }
0x60: {  	_ =	shalt  }
0x61: {  	_ =	shalt  }
0x62: {  	_ =	shalt  }
0x63: {  	_ =	shalt  }
0x64: {  	_ =	shalt  }
0x65: {  	_ =	shalt  }
0x66: {  	_ =	shalt  }
0x67: {  	_ =	shalt  }
0x68: {  	_ =	shalt  }
0x69: {  	_ =	shalt  }
0x6a: {  	_ =	shalt  }
0x6b: {  	_ =	shalt  }
0x6c: {  	_ =	shalt  }
0x6d: {  	_ =	shalt  }
0x6e: {  	_ =	shalt  }
0x6f: {  	_ =	shalt  }
0x70: {  	_ =	shalt  }
0x71: {  	_ =	shalt  }
0x72: {  	_ =	shalt  }
0x73: {  	_ =	shalt  }
0x74: {  	_ =	shalt  }
0x75: {  	_ =	shalt  }
0x76: {  	_ =	shalt  }
0x77: {  	_ =	shalt  }
0x78: {  	_ =	shalt  }
0x79: {  	_ =	shalt  }
0x7a: {  	_ =	shalt  }
0x7b: {  	_ =	shalt  }
0x7c: {  	_ =	shalt  }
0x7d: {  	_ =	shalt  }
0x7e: {  	_ =	shalt  }
0x7f: {  	_ =	shalt  }
0x80: {  	_ =	shalt  }
0x81: {  	_ =	shalt  }
0x82: {  	_ =	shalt  }
0x83: {  	_ =	shalt  }
0x84: {  	_ =	shalt  }
0x85: {  	_ =	shalt  }
0x86: {  	_ =	shalt  }
0x87: {  	_ =	shalt  }
.Lfunc_end0:
.L_simem_size_0:
called_computation.1_lowered:
.L_overlay_start_0:
0x88: {  	s2 =	sld [smem:$0x3FD9]  }
0x89: {  	s3 =	sld [smem:$0x3FFE];
	_ =	sdelay $0x1  }
0x8a: {  	s1 =	srdreg.scid  }
0x8b: {  	s0 =	sand.u32 $0x1, s1  }
0x8c: {  	s16 =	sshll.u32 s0, $0xA;
	s2 =	sadd.s32 s3, s2  }
0x8d: {  	s2 =	sadd.s32 s2, s16  }
0x8e: {  	[smem:$0x3FB5] =	sst s2  }
0x8f: {  	_ = 	snop  }
0x90: {  	(tm) =	ssettm $0x1  }
0x91: {  	s17 =	sld [smem:$0x3FFB];
	_ =	sdelay $0x3  }
0x92: {  	_ =	strace s17  }
0x93: {  	s2 =	sld [smem:$0x3FFC];
	_ =	sdelay $0x3  }
0x94: {  	_ =	strace s2  }
0x95: {  	s2 =	sld [smem:$0x3FFD];
	_ =	sdelay $0x3  }
0x96: {  	_ =	strace s2  }
0x97: {  	_ =	strace $0x8FFFFFFF  }
0x98: {  	s18 =	sld [smem:$0x3FDB];
	_ =	sdelay $0x1  }
0x99: {  	s19 =	simm.s32 $_scs_section_size  }
0x9a: {  	s4 =	simm.s32 $_size__tile_overlayer_lowered;
	s5 =	simm.s32 $_tile_overlayer_lowered  }
0x9b: {  	s22 =	simm.s32 $0x1BFF;
	s21 =	sshll.u32 s5, $0x1;
	s2 =	sadd.s32 s19, s18  }
0x9c: {  	s6 =	simm.s32 $0x0;
	s20 =	sshll.u32 s4, $0x1;
	s4 =	sadd.s32 s21, s2  }
0x9d: {  	[timem:s6], [sflag:s22] =	dma.local [hbm:s4], s20  }
0x9e: {  	_ =	swait.ge [sflag:s22], s20  }
0x9f: {  	s3 =	ssub.s32 $0x0, s20;
	[sflag:s22] =	ssyncset.done $0x0  }
0xa0: {  	[sflag:s22] =	ssyncadd.s32 s3;
	_ =	sdelay $0x1  }
0xa1: {  	s23 =	simm.s32 $0x1B8B  }
0xa2: {  	_ =	swait.ge [sflag:s23], $0x1  }
0xa3: {  	[sflag:s23] =	ssyncset.done $0x0  }
0xa4: {  	s25 =	simm.s32 $0x1B8E;
	s24 =	sld [smem:$0x3FFE];
	[sflag:s23] =	ssyncadd.s32 $0xFFFFFFFF  }
0xa5: {  	s26 =	simm.s32 $execute0_lowered;
	[smem:$0x3FD2] =	sst s25  }
0xa6: {  	s4 =	sshll.u32 s26, $0x1;
	_ =	strace $0x80000049;
	[dreg:$0x1] =	wrdreg $0xFFFFFFFF  }
0xa7: {  	s28 =	simm.s32 $_size_execute0_lowered;
	s2 =	sadd.s32 s2, s4;
	[dreg:$0x0] =	wrdreg $0x0  }
0xa8: {  	s4 =	sshll.u32 s28, $0x1;
	[dreg:$0x2] =	wrdreg s2  }
0xa9: {  	[dreg:$0x3] =	wrdreg s4  }
0xaa: {  	[dreg:$0x4] =	wrdreg $0xC0  }
0xab: {  	_ =	task [dreg:s6], $0x5FFFF  }
0xac: {  	[dreg:$0x1] =	wrdreg $0xFFFFFFFF  }
0xad: {  	[dreg:$0x0] =	wrdreg $0x60  }
0xae: {  	[dreg:$0x2] =	wrdreg s24  }
0xaf: {  	[dreg:$0x3] =	wrdreg $0xC0000  }
0xb0: {  	[dreg:$0x4] =	wrdreg $0x9  }
0xb1: {  	_ =	task.clear_ibuf [dreg:s6], $0x5FFFF;
	_ =	strace $0x90000049  }
0xb2: {  	s29 =	simm.s32 $0x9;
	_ =	strace $0x8000004B  }
0xb3: {  	_ =	swait.ge [sflag:s29], $0x1  }
0xb4: {  	[sflag:s29] =	ssyncadd.s32 $0xFFFFFFFF  }
0xb5: {  	_ =	strace $0x9000004B  }
0xb6: {  	_ =	sfence  }
0xb7: {  	s30 =	sld [smem:$0x0];
	_ =	sdelay $0x2  }
0xb8: {  	s31 =	sshll.u32 s1, $0xD;
	s1 =	sshrl.u32 s1, $0x2  }
0xb9: {  	s3 =	sand.u32 $0x4000, s31;
	s1 =	sadd.s32 s1, s30  }
0xba: {  	s0 =	sor.u32 s3, s0;
	s1 =	sshll.u32 s1, $0x11  }
0xbb: {  	s0 =	sor.u32 s1, s0  }
0xbc: {  	s0 =	sadd.s32 $0x8F2B, s0  }
0xbd: {  	[sflag:s0] =	ssyncadd.remote.s32 $0x1  }
0xbe: {  	_ =	sfence.sel $0xFFFF  }
0xbf: {  	[dreg:$0x0] =	wrdreg $0xFFFFFFFF;
	(pc) =	sbr.abs _section_cstart, $3  }
0xc0: {  	[dreg:$0x1] =	wrdreg $0xFFFFFFFF  }
0xc1: {  	_ =	task.clear_ibuf [dreg:s6], $0x2FFFF;
	_ =	strace $0x9FFFFFFF  }
0xc2: {  	(tm) =	ssettm $0x7FFFFFFF  }
0xc3: {  	_ =	shalt  }
tec
execute0_lowered:
.L_overlay_start_1:
0x0: {  	(tag) =	ssettag $0x1  }
0x1: {  	s0 =	rddreg [dreg:$0x0]  }
0x2: {  	s1 =	rddreg [dreg:$0x1];
	s2 =	simm.s32 $0x0;
	s3 =	srdreg.scid  }
0x3: {  	s12 =	stileid.u32;
	s28 =	simm.s32 $0x3;
	s29 =	simm.s32 $0x1400  }
0x4: {  	s30 =	simm.s32 $0x7D;
	s31 =	simm.s32 $0x2800;
	[smem:$0x7FF] =	sst s2  }
0x5: {  	s4 =	sadd.s32 $0x1A00, s0;
	s3 =	sand.u32 $0x1, s3;
	s5 =	smul.u32 $0x4E000, s12  }
0x6: {  	s6 =	sadd.s32 $0x28C00, s0;
	s7 =	sadd.s32 $0x32C00, s0;
	s0 =	sadd.s32 $0x3CC00, s0  }
0x7: {  	s25 =	smul.u32 $0x13800, s12;
	p0 =	sne.s32 s12, $0x0;
	s5 =	sshrl.u32 s5, $0x2  }
0x8: {  	_ =	strace $0x8000004A;
	s8 =	ssub.s32 $0x2, s3;
	s5 =	sadd.s32 s5, s1  }
0x9: {  	s16 =	sshll.u32 s3, $0x4;
	s3 =	smul.u32 $0x138800, s3;
	s10 =	sadd.s32 $0x1800, s5  }
0xa: {  	s9 =	sshrl.u32 s8, $0x1;
	s17 =	sadd.s32 $0x3000, s5;
	[dreg:$0x3] =	wrdreg s10  }
0xb: {  	s8 =	ssub.s32 s8, s9;
	s18 =	sadd.s32 $0x4800, s5;
	[dreg:$0x4] =	wrdreg s17  }
0xc: {  	s9 =	sor.u32 s12, s16;
	s19 =	sadd.s32 $0x6000, s5;
	[dreg:$0x5] =	wrdreg s18  }
0xd: {  	s26 =	sadd.s32 s25, s3;
	s20 =	sadd.s32 $0x7800, s5;
	[dreg:$0x6] =	wrdreg s19  }
0xe: {  	s3 =	sshrl.u32 s3, $0x3;
	s21 =	sadd.s32 $0x9000, s5;
	[dreg:$0x7] =	wrdreg s20  }
0xf: {  	s22 =	sadd.s32 $0xA800, s5;
	s9 =	smul.u32 $0x2800, s9;
	[dreg:$0x8] =	wrdreg s21  }
0x10: {  	s23 =	sadd.s32 $0xC000, s5;
	s24 =	sadd.s32 $0xD800, s5;
	[dreg:$0x9] =	wrdreg s22  }
0x11: {  	s15 =	sadd.s32 $0xF000, s5;
	s16 =	sadd.s32 $0x10800, s5;
	[dreg:$0xa] =	wrdreg s23  }
0x12: {  	s25 =	smax.u32 s8, $0x1;
	s8 =	simm.s32 $0x2700;
	[dreg:$0xb] =	wrdreg s24  }
0x13: {  	s21 =	sadd.s32 $0x12000, s5;
	s23 =	sadd.s32 $0x138000, s1;
	s9 =	sshrl.u32 s9, $0x3  }
0x14: {  	s17 =	sadd.s32 s6, s9;
	s11 =	sadd.s32 $0x280, s9;
	s18 =	sadd.s32 s7, s9  }
0x15: {  	s9 =	simm.s32 $0x2780;
	s19 =	sadd.s32 s6, s11;
	s20 =	sadd.s32 s7, s11  }
0x16: {  	s6 =	sshrl.u32 s26, $0x3;
	s26 =	simm.s32 $0xA800;
	s7 =	simm.s32 $0x1380  }
0x17: {  	s22 =	sadd.s32 s0, s6;
	s0 =	sadd.s32 s0, s3;
	s3 =	simm.s32 $0x1  }
0x18: {  	v0 =	vimm.f32 $0.0e+00;
	s6 =	simm.s32 $0x2;
	s24 =	sadd.s32 $0x27000, s0;
	s0 =	simm.s32 $0x6800  }
.LBB2_1:
0x19: {  	s10 =	simm.s32 $0x0;
	s11 =	simm.s32 $0x200  }
.LBB2_2:
0x1a: {  	p1 =	sne.s32 s11, $0x5E00;
	[tilespmem:s10+$0xA870] =	vst v0  }
0x1b: {  	[tilespmem:s10+$0xA800] =	vst v0  }
0x1c: {  	[tilespmem:s10+$0xA810] =	vst v0  }
.Ltmp0:
0x1d: {  	[tilespmem:s10+$0xA820] =	vst v0;
	(pc) =	sbr.rel @p1 .LBB2_2-.Ltmp0, $4  }
0x1e: {  	[tilespmem:s10+$0xA830] =	vst v0  }
0x1f: {  	[tilespmem:s10+$0xA840] =	vst v0  }
0x20: {  	[tilespmem:s10+$0xA850] =	vst v0  }
0x21: {  	[tilespmem:s10+$0xA860] =	vst v0;
	s10 =	sshra.s32 s11, $0x2;
	s11 =	sadd.s32 $0x200, s11  }
0x22: {  	[tilespmem:s10+$0xA870] =	vst v0  }
0x23: {  	[tilespmem:s10+$0xA800] =	vst v0  }
0x24: {  	[tilespmem:s10+$0xA810] =	vst v0  }
0x25: {  	[tilespmem:s10+$0xA820] =	vst v0  }
0x26: {  	[tilespmem:s10+$0xA830] =	vst v0  }
0x27: {  	[tilespmem:s10+$0xA840] =	vst v0  }
0x28: {  	[tilespmem:s10+$0xA850] =	vst v0  }
0x29: {  	[tilespmem:s10+$0xA860] =	vst v0  }
0x2a: {  	[spmem:s5] =	stream.linear.scatter [tilespmem:s26], [sflag:$0x3], $0x1800, $0x38;
	[tilespmem:$0x1F880] =	vst v63  }
0x2b: {  	_ =	swait.ge [sflag:s28], $0x1800  }
0x2c: {  	[sflag:s28] =	ssyncset.done $0x0  }
0x2d: {  	s13 =	rddreg [dreg:$0x3];
	[sflag:s28] =	ssyncadd.s32 $0xFFFFE800  }
0x2e: {  	[spmem:s13] =	stream.linear.scatter [tilespmem:s26], [sflag:$0x3], $0x1800, $0x38;
	[tilespmem:$0x1F880] =	vst v63  }
0x2f: {  	_ =	swait.ge [sflag:s28], $0x1800  }
0x30: {  	[sflag:s28] =	ssyncset.done $0x0  }
0x31: {  	s14 =	rddreg [dreg:$0x4];
	[sflag:s28] =	ssyncadd.s32 $0xFFFFE800  }
0x32: {  	[spmem:s14] =	stream.linear.scatter [tilespmem:s26], [sflag:$0x3], $0x1800, $0x38;
	[tilespmem:$0x1F880] =	vst v63  }
0x33: {  	_ =	swait.ge [sflag:s28], $0x1800  }
0x34: {  	[sflag:s28] =	ssyncset.done $0x0  }
0x35: {  	s11 =	rddreg [dreg:$0x5];
	[sflag:s28] =	ssyncadd.s32 $0xFFFFE800  }
0x36: {  	[spmem:s11] =	stream.linear.scatter [tilespmem:s26], [sflag:$0x3], $0x1800, $0x38;
	[tilespmem:$0x1F880] =	vst v63  }
0x37: {  	_ =	swait.ge [sflag:s28], $0x1800  }
0x38: {  	[sflag:s28] =	ssyncset.done $0x0  }
0x39: {  	s12 =	rddreg [dreg:$0x6];
	[sflag:s28] =	ssyncadd.s32 $0xFFFFE800  }
0x3a: {  	[spmem:s12] =	stream.linear.scatter [tilespmem:s26], [sflag:$0x3], $0x1800, $0x38;
	[tilespmem:$0x1F880] =	vst v63  }
0x3b: {  	_ =	swait.ge [sflag:s28], $0x1800  }
0x3c: {  	[sflag:s28] =	ssyncset.done $0x0  }
0x3d: {  	s13 =	rddreg [dreg:$0x7];
	[sflag:s28] =	ssyncadd.s32 $0xFFFFE800  }
0x3e: {  	[spmem:s13] =	stream.linear.scatter [tilespmem:s26], [sflag:$0x3], $0x1800, $0x38;
	[tilespmem:$0x1F880] =	vst v63  }
0x3f: {  	_ =	swait.ge [sflag:s28], $0x1800  }
0x40: {  	[sflag:s28] =	ssyncset.done $0x0  }
0x41: {  	s14 =	rddreg [dreg:$0x8];
	[sflag:s28] =	ssyncadd.s32 $0xFFFFE800  }
0x42: {  	[spmem:s14] =	stream.linear.scatter [tilespmem:s26], [sflag:$0x3], $0x1800, $0x38;
	[tilespmem:$0x1F880] =	vst v63  }
0x43: {  	_ =	swait.ge [sflag:s28], $0x1800  }
0x44: {  	[sflag:s28] =	ssyncset.done $0x0  }
0x45: {  	s11 =	rddreg [dreg:$0x9];
	[sflag:s28] =	ssyncadd.s32 $0xFFFFE800  }
0x46: {  	[spmem:s11] =	stream.linear.scatter [tilespmem:s26], [sflag:$0x3], $0x1800, $0x38;
	[tilespmem:$0x1F880] =	vst v63  }
0x47: {  	_ =	swait.ge [sflag:s28], $0x1800  }
0x48: {  	[sflag:s28] =	ssyncset.done $0x0  }
0x49: {  	s12 =	rddreg [dreg:$0xa];
	[sflag:s28] =	ssyncadd.s32 $0xFFFFE800  }
0x4a: {  	[spmem:s12] =	stream.linear.scatter [tilespmem:s26], [sflag:$0x3], $0x1800, $0x38;
	[tilespmem:$0x1F880] =	vst v63  }
0x4b: {  	_ =	swait.ge [sflag:s28], $0x1800  }
0x4c: {  	[sflag:s28] =	ssyncset.done $0x0  }
0x4d: {  	s13 =	rddreg [dreg:$0xb];
	[sflag:s28] =	ssyncadd.s32 $0xFFFFE800  }
0x4e: {  	[spmem:s13] =	stream.linear.scatter [tilespmem:s26], [sflag:$0x3], $0x1800, $0x38;
	[tilespmem:$0x1F880] =	vst v63  }
0x4f: {  	_ =	swait.ge [sflag:s28], $0x1800  }
0x50: {  	[sflag:s28] =	ssyncset.done $0x0  }
0x51: {  	[sflag:s28] =	ssyncadd.s32 $0xFFFFE800  }
0x52: {  	[spmem:s15] =	stream.linear.scatter [tilespmem:s26], [sflag:$0x3], $0x1800, $0x38;
	[tilespmem:$0x1F880] =	vst v63  }
0x53: {  	_ =	swait.ge [sflag:s28], $0x1800  }
0x54: {  	[sflag:s28] =	ssyncset.done $0x0  }
0x55: {  	[sflag:s28] =	ssyncadd.s32 $0xFFFFE800  }
0x56: {  	[spmem:s16] =	stream.linear.scatter [tilespmem:s26], [sflag:$0x3], $0x1800, $0x38;
	[tilespmem:$0x1F880] =	vst v63  }
0x57: {  	_ =	swait.ge [sflag:s28], $0x1800  }
0x58: {  	[sflag:s28] =	ssyncset.done $0x0  }
0x59: {  	[sflag:s28] =	ssyncadd.s32 $0xFFFFE800  }
0x5a: {  	[spmem:s21] =	stream.linear.scatter [tilespmem:s26], [sflag:$0x3], $0x1800, $0x38;
	[tilespmem:$0x1F880] =	vst v63  }
0x5b: {  	_ =	swait.ge [sflag:s28], $0x1800  }
0x5c: {  	[sflag:s28] =	ssyncset.done $0x0  }
0x5d: {  	s10 =	simm.s32 @!p0 $0xA800;
	[sflag:s28] =	ssyncadd.s32 $0xFFFFE800  }
0x5e: {  	[spmem:s23] =	stream.linear.scatter @!p0 [tilespmem:s10], [sflag:$0x3], $0x800, $0x38;
	[tilespmem:$0x1F880] =	vst v63  }
0x5f: {  	s10 =	simm.s32 @!p0 $0x3  }
0x60: {  	_ =	swait.ge @!p0 [sflag:s10], $0x800  }
0x61: {  	[sflag:s10] =	ssyncset.done @!p0 $0x0  }
0x62: {  	[sflag:s10] =	ssyncadd.s32 @!p0 $0xFFFFF800  }
0x63: {  	s14 =	simm.s32 $0x0;
	[bflag:$0x0] =	sbarrier.arrive $0xFFFF  }
0x64: {  	[tilespmem:s14], [sflag:$0x3] =	stream.linear.gather [hbm4b:s17+s14], $0x1400, $0x38;
	[tilespmem:$0x1F880] =	vst v63  }
0x65: {  	_ =	swait.ge [sflag:s28], $0x1400  }
0x66: {  	[sflag:s28] =	ssyncset.done $0x0  }
0x67: {  	[sflag:s28] =	ssyncadd.s32 $0xFFFFEC00  }
0x68: {  	[tilespmem:s29], [sflag:$0x3] =	stream.linear.gather [hbm4b:s18+s14], $0x1400, $0x38;
	[tilespmem:$0x1F880] =	vst v63  }
0x69: {  	_ =	swait.ge [sflag:s28], $0x1400  }
0x6a: {  	[sflag:s28] =	ssyncset.done $0x0  }
0x6b: {  	[sflag:s28] =	ssyncadd.s32 $0xFFFFEC00  }
0x6c: {  	[tilespmem:s31], [sflag:$0x1] =	stream.indirect.gather [hbm4b:s4+s30], $0x80, s14, s30, $0xb8;
	[tilespmem:$0x1F880] =	vst v63  }
0x6d: {  	s11 =	simm.s32 $0x80  }
0x6e: {  	[tilespmem:s0], [sflag:$0x2] =	stream.indirect.gather [hbm4b:s4+s30], $0x80, s11, s30, $0xb8;
	[tilespmem:$0x1F880] =	vst v63  }
0x6f: {  	_ =	swait.ge [sflag:s3], $0x3E80  }
0x70: {  	[sflag:s3] =	ssyncset.done $0x0  }
0x71: {  	s12 =	simm.s32 $0x1400;
	[sflag:s3] =	ssyncadd.s32 $0xFFFFC180  }
0x72: {  	[spmem:s1] =	stream.indirect.scatter.add.f32 [tilespmem:s31], [sflag:$0x3], $0x80, s12, s30, $0xb8;
	[tilespmem:$0x1F880] =	vst v63  }
0x73: {  	_ =	swait.ge [sflag:s28], $0x3E80  }
0x74: {  	[sflag:s28] =	ssyncset.done $0x0  }
0x75: {  	s13 =	simm.s32 $0x100;
	[sflag:s28] =	ssyncadd.s32 $0xFFFFC180  }
0x76: {  	[tilespmem:s31], [sflag:$0x1] =	stream.indirect.gather [hbm4b:s4+s30], $0x80, s13, s30, $0xb8;
	[tilespmem:$0x1F880] =	vst v63  }
0x77: {  	_ =	swait.ge [sflag:s6], $0x3E80  }
0x78: {  	[sflag:s6] =	ssyncset.done $0x0  }
0x79: {  	s14 =	simm.s32 $0x1480;
	[sflag:s6] =	ssyncadd.s32 $0xFFFFC180  }
0x7a: {  	[spmem:s1] =	stream.indirect.scatter.add.f32 [tilespmem:s0], [sflag:$0x3], $0x80, s14, s30, $0xb8;
	[tilespmem:$0x1F880] =	vst v63  }
0x7b: {  	_ =	swait.ge [sflag:s28], $0x3E80  }
0x7c: {  	s10 =	simm.s32 $0x100;
	s11 =	simm.s32 $0x800;
	[sflag:s28] =	ssyncset.done $0x0  }
.LBB2_4:
0x7d: {  	s12 =	sadd.s32 $0x80, s10  }
0x7e: {  	[sflag:s28] =	ssyncadd.s32 $0xFFFFC180;
	s13 =	smov.u32 s11;
	s14 =	sadd.s32 $0x400, s11  }
0x7f: {  	[tilespmem:s0], [sflag:$0x2] =	stream.indirect.gather [hbm4b:s4+s30], $0x80, s12, s30, $0xb8;
	[tilespmem:$0x1F880] =	vst v63  }
0x80: {  	p1 =	sne.s32 s11, $0x4800;
	_ =	swait.ge [sflag:s3], $0x3E80  }
0x81: {  	[sflag:s3] =	ssyncset.done $0x0  }
0x82: {  	s11 =	sadd.s32 $0x1400, s10;
	[sflag:s3] =	ssyncadd.s32 $0xFFFFC180  }
0x83: {  	[spmem:s1] =	stream.indirect.scatter.add.f32 [tilespmem:s31], [sflag:$0x3], $0x80, s11, s30, $0xb8;
	[tilespmem:$0x1F880] =	vst v63  }
0x84: {  	_ =	swait.ge [sflag:s28], $0x3E80  }
0x85: {  	[sflag:s28] =	ssyncset.done $0x0  }
0x86: {  	s11 =	sadd.s32 $0x100, s10;
	[sflag:s28] =	ssyncadd.s32 $0xFFFFC180  }
0x87: {  	[tilespmem:s31], [sflag:$0x1] =	stream.indirect.gather [hbm4b:s4+s30], $0x80, s11, s30, $0xb8;
	[tilespmem:$0x1F880] =	vst v63  }
0x88: {  	_ =	swait.ge [sflag:s6], $0x3E80  }
.Ltmp1:
0x89: {  	[sflag:s6] =	ssyncset.done $0x0;
	(pc) =	sbr.rel @p1 .LBB2_4-.Ltmp1, $4  }
0x8a: {  	s10 =	sadd.s32 $0x1480, s10;
	[sflag:s6] =	ssyncadd.s32 $0xFFFFC180  }
0x8b: {  	[spmem:s1] =	stream.indirect.scatter.add.f32 [tilespmem:s0], [sflag:$0x3], $0x80, s10, s30, $0xb8;
	[tilespmem:$0x1F880] =	vst v63  }
0x8c: {  	_ =	swait.ge [sflag:s28], $0x3E80  }
0x8d: {  	s11 =	smov.u32 s14;
	s10 =	sshra.s32 s13, $0x2;
	[sflag:s28] =	ssyncset.done $0x0  }
0x8e: {  	s11 =	sadd.s32 $0x80, s10;
	[sflag:s28] =	ssyncadd.s32 $0xFFFFC180  }
0x8f: {  	[tilespmem:s0], [sflag:$0x2] =	stream.indirect.gather [hbm4b:s4+s30], $0x80, s11, s30, $0xb8;
	[tilespmem:$0x1F880] =	vst v63  }
0x90: {  	_ =	swait.ge [sflag:s3], $0x3E80  }
0x91: {  	[sflag:s3] =	ssyncset.done $0x0  }
0x92: {  	s14 =	sadd.s32 $0x1400, s10;
	[sflag:s3] =	ssyncadd.s32 $0xFFFFC180  }
0x93: {  	[spmem:s1] =	stream.indirect.scatter.add.f32 [tilespmem:s31], [sflag:$0x3], $0x80, s14, s30, $0xb8;
	[tilespmem:$0x1F880] =	vst v63  }
0x94: {  	_ =	swait.ge [sflag:s28], $0x3E80  }
0x95: {  	[sflag:s28] =	ssyncset.done $0x0  }
0x96: {  	s12 =	sadd.s32 $0x100, s10;
	[sflag:s28] =	ssyncadd.s32 $0xFFFFC180  }
0x97: {  	[tilespmem:s31], [sflag:$0x1] =	stream.indirect.gather [hbm4b:s4+s30], $0x80, s12, s30, $0xb8;
	[tilespmem:$0x1F880] =	vst v63  }
0x98: {  	_ =	swait.ge [sflag:s6], $0x3E80  }
0x99: {  	[sflag:s6] =	ssyncset.done $0x0  }
0x9a: {  	s13 =	sadd.s32 $0x1480, s10;
	[sflag:s6] =	ssyncadd.s32 $0xFFFFC180  }
0x9b: {  	[spmem:s1] =	stream.indirect.scatter.add.f32 [tilespmem:s0], [sflag:$0x3], $0x80, s13, s30, $0xb8;
	[tilespmem:$0x1F880] =	vst v63  }
0x9c: {  	_ =	swait.ge [sflag:s28], $0x3E80  }
0x9d: {  	[sflag:s28] =	ssyncset.done $0x0  }
0x9e: {  	[sflag:s28] =	ssyncadd.s32 $0xFFFFC180  }
0x9f: {  	[tilespmem:s0], [sflag:$0x2] =	stream.indirect.gather [hbm4b:s4+s30], $0x80, s7, s30, $0xb8;
	[tilespmem:$0x1F880] =	vst v63  }
0xa0: {  	_ =	swait.ge [sflag:s3], $0x3E80  }
0xa1: {  	[sflag:s3] =	ssyncset.done $0x0  }
0xa2: {  	[sflag:s3] =	ssyncadd.s32 $0xFFFFC180  }
0xa3: {  	[spmem:s1] =	stream.indirect.scatter.add.f32 [tilespmem:s31], [sflag:$0x3], $0x80, s8, s30, $0xb8;
	[tilespmem:$0x1F880] =	vst v63  }
0xa4: {  	_ =	swait.ge [sflag:s28], $0x3E80  }
0xa5: {  	[sflag:s28] =	ssyncset.done $0x0  }
0xa6: {  	[sflag:s28] =	ssyncadd.s32 $0xFFFFC180  }
0xa7: {  	_ =	swait.ge [sflag:s6], $0x3E80  }
0xa8: {  	[sflag:s6] =	ssyncset.done $0x0  }
0xa9: {  	[sflag:s6] =	ssyncadd.s32 $0xFFFFC180  }
0xaa: {  	[spmem:s1] =	stream.indirect.scatter.add.f32 [tilespmem:s0], [sflag:$0x3], $0x80, s9, s30, $0xb8;
	[tilespmem:$0x1F880] =	vst v63  }
0xab: {  	_ =	swait.ge [sflag:s28], $0x3E80  }
0xac: {  	[sflag:s28] =	ssyncset.done $0x0  }
0xad: {  	s14 =	simm.s32 $0x0;
	[sflag:s28] =	ssyncadd.s32 $0xFFFFC180  }
0xae: {  	[tilespmem:s14], [sflag:$0x3] =	stream.linear.gather [hbm4b:s19+s14], $0x1400, $0x38;
	[tilespmem:$0x1F880] =	vst v63  }
0xaf: {  	_ =	swait.ge [sflag:s28], $0x1400  }
0xb0: {  	[sflag:s28] =	ssyncset.done $0x0  }
0xb1: {  	[sflag:s28] =	ssyncadd.s32 $0xFFFFEC00  }
0xb2: {  	[tilespmem:s29], [sflag:$0x3] =	stream.linear.gather [hbm4b:s20+s14], $0x1400, $0x38;
	[tilespmem:$0x1F880] =	vst v63  }
0xb3: {  	_ =	swait.ge [sflag:s28], $0x1400  }
0xb4: {  	[sflag:s28] =	ssyncset.done $0x0  }
0xb5: {  	[sflag:s28] =	ssyncadd.s32 $0xFFFFEC00  }
0xb6: {  	[tilespmem:s31], [sflag:$0x1] =	stream.indirect.gather [hbm4b:s4+s30], $0x80, s14, s30, $0xb8;
	[tilespmem:$0x1F880] =	vst v63  }
0xb7: {  	s11 =	simm.s32 $0x80  }
0xb8: {  	[tilespmem:s0], [sflag:$0x2] =	stream.indirect.gather [hbm4b:s4+s30], $0x80, s11, s30, $0xb8;
	[tilespmem:$0x1F880] =	vst v63  }
0xb9: {  	_ =	swait.ge [sflag:s3], $0x3E80  }
0xba: {  	[sflag:s3] =	ssyncset.done $0x0  }
0xbb: {  	s12 =	simm.s32 $0x1400;
	[sflag:s3] =	ssyncadd.s32 $0xFFFFC180  }
0xbc: {  	[spmem:s1] =	stream.indirect.scatter.add.f32 [tilespmem:s31], [sflag:$0x3], $0x80, s12, s30, $0xb8;
	[tilespmem:$0x1F880] =	vst v63  }
0xbd: {  	_ =	swait.ge [sflag:s28], $0x3E80  }
0xbe: {  	[sflag:s28] =	ssyncset.done $0x0  }
0xbf: {  	s13 =	simm.s32 $0x100;
	[sflag:s28] =	ssyncadd.s32 $0xFFFFC180  }
0xc0: {  	[tilespmem:s31], [sflag:$0x1] =	stream.indirect.gather [hbm4b:s4+s30], $0x80, s13, s30, $0xb8;
	[tilespmem:$0x1F880] =	vst v63  }
0xc1: {  	_ =	swait.ge [sflag:s6], $0x3E80  }
0xc2: {  	[sflag:s6] =	ssyncset.done $0x0  }
0xc3: {  	s14 =	simm.s32 $0x1480;
	[sflag:s6] =	ssyncadd.s32 $0xFFFFC180  }
0xc4: {  	[spmem:s1] =	stream.indirect.scatter.add.f32 [tilespmem:s0], [sflag:$0x3], $0x80, s14, s30, $0xb8;
	[tilespmem:$0x1F880] =	vst v63  }
0xc5: {  	_ =	swait.ge [sflag:s28], $0x3E80  }
0xc6: {  	s10 =	simm.s32 $0x100;
	s11 =	simm.s32 $0x800;
	[sflag:s28] =	ssyncset.done $0x0  }
.LBB2_6:
0xc7: {  	s12 =	sadd.s32 $0x80, s10  }
0xc8: {  	[sflag:s28] =	ssyncadd.s32 $0xFFFFC180;
	s13 =	smov.u32 s11;
	s14 =	sadd.s32 $0x400, s11  }
0xc9: {  	[tilespmem:s0], [sflag:$0x2] =	stream.indirect.gather [hbm4b:s4+s30], $0x80, s12, s30, $0xb8;
	[tilespmem:$0x1F880] =	vst v63  }
0xca: {  	p1 =	sne.s32 s11, $0x4800;
	_ =	swait.ge [sflag:s3], $0x3E80  }
0xcb: {  	[sflag:s3] =	ssyncset.done $0x0  }
0xcc: {  	s11 =	sadd.s32 $0x1400, s10;
	[sflag:s3] =	ssyncadd.s32 $0xFFFFC180  }
0xcd: {  	[spmem:s1] =	stream.indirect.scatter.add.f32 [tilespmem:s31], [sflag:$0x3], $0x80, s11, s30, $0xb8;
	[tilespmem:$0x1F880] =	vst v63  }
0xce: {  	_ =	swait.ge [sflag:s28], $0x3E80  }
0xcf: {  	[sflag:s28] =	ssyncset.done $0x0  }
0xd0: {  	s11 =	sadd.s32 $0x100, s10;
	[sflag:s28] =	ssyncadd.s32 $0xFFFFC180  }
0xd1: {  	[tilespmem:s31], [sflag:$0x1] =	stream.indirect.gather [hbm4b:s4+s30], $0x80, s11, s30, $0xb8;
	[tilespmem:$0x1F880] =	vst v63  }
0xd2: {  	_ =	swait.ge [sflag:s6], $0x3E80  }
.Ltmp2:
0xd3: {  	[sflag:s6] =	ssyncset.done $0x0;
	(pc) =	sbr.rel @p1 .LBB2_6-.Ltmp2, $4  }
0xd4: {  	s10 =	sadd.s32 $0x1480, s10;
	[sflag:s6] =	ssyncadd.s32 $0xFFFFC180  }
0xd5: {  	[spmem:s1] =	stream.indirect.scatter.add.f32 [tilespmem:s0], [sflag:$0x3], $0x80, s10, s30, $0xb8;
	[tilespmem:$0x1F880] =	vst v63  }
0xd6: {  	_ =	swait.ge [sflag:s28], $0x3E80  }
0xd7: {  	s11 =	smov.u32 s14;
	s10 =	sshra.s32 s13, $0x2;
	[sflag:s28] =	ssyncset.done $0x0  }
0xd8: {  	s11 =	sadd.s32 $0x80, s10;
	[sflag:s28] =	ssyncadd.s32 $0xFFFFC180  }
0xd9: {  	[tilespmem:s0], [sflag:$0x2] =	stream.indirect.gather [hbm4b:s4+s30], $0x80, s11, s30, $0xb8;
	[tilespmem:$0x1F880] =	vst v63  }
0xda: {  	_ =	swait.ge [sflag:s3], $0x3E80  }
0xdb: {  	[sflag:s3] =	ssyncset.done $0x0  }
0xdc: {  	s13 =	sadd.s32 $0x1400, s10;
	[sflag:s3] =	ssyncadd.s32 $0xFFFFC180  }
0xdd: {  	[spmem:s1] =	stream.indirect.scatter.add.f32 [tilespmem:s31], [sflag:$0x3], $0x80, s13, s30, $0xb8;
	[tilespmem:$0x1F880] =	vst v63  }
0xde: {  	_ =	swait.ge [sflag:s28], $0x3E80  }
0xdf: {  	[sflag:s28] =	ssyncset.done $0x0  }
0xe0: {  	s14 =	sadd.s32 $0x100, s10;
	[sflag:s28] =	ssyncadd.s32 $0xFFFFC180  }
0xe1: {  	[tilespmem:s31], [sflag:$0x1] =	stream.indirect.gather [hbm4b:s4+s30], $0x80, s14, s30, $0xb8;
	[tilespmem:$0x1F880] =	vst v63  }
0xe2: {  	_ =	swait.ge [sflag:s6], $0x3E80  }
0xe3: {  	[sflag:s6] =	ssyncset.done $0x0  }
0xe4: {  	s12 =	sadd.s32 $0x1480, s10;
	[sflag:s6] =	ssyncadd.s32 $0xFFFFC180  }
0xe5: {  	[spmem:s1] =	stream.indirect.scatter.add.f32 [tilespmem:s0], [sflag:$0x3], $0x80, s12, s30, $0xb8;
	[tilespmem:$0x1F880] =	vst v63  }
0xe6: {  	_ =	swait.ge [sflag:s28], $0x3E80  }
0xe7: {  	[sflag:s28] =	ssyncset.done $0x0  }
0xe8: {  	[sflag:s28] =	ssyncadd.s32 $0xFFFFC180  }
0xe9: {  	[tilespmem:s0], [sflag:$0x2] =	stream.indirect.gather [hbm4b:s4+s30], $0x80, s7, s30, $0xb8;
	[tilespmem:$0x1F880] =	vst v63  }
0xea: {  	_ =	swait.ge [sflag:s3], $0x3E80  }
0xeb: {  	[sflag:s3] =	ssyncset.done $0x0  }
0xec: {  	[sflag:s3] =	ssyncadd.s32 $0xFFFFC180  }
0xed: {  	[spmem:s1] =	stream.indirect.scatter.add.f32 [tilespmem:s31], [sflag:$0x3], $0x80, s8, s30, $0xb8;
	[tilespmem:$0x1F880] =	vst v63  }
0xee: {  	_ =	swait.ge [sflag:s28], $0x3E80  }
0xef: {  	[sflag:s28] =	ssyncset.done $0x0  }
0xf0: {  	[sflag:s28] =	ssyncadd.s32 $0xFFFFC180  }
0xf1: {  	_ =	swait.ge [sflag:s6], $0x3E80  }
0xf2: {  	[sflag:s6] =	ssyncset.done $0x0  }
0xf3: {  	[sflag:s6] =	ssyncadd.s32 $0xFFFFC180  }
0xf4: {  	[spmem:s1] =	stream.indirect.scatter.add.f32 [tilespmem:s0], [sflag:$0x3], $0x80, s9, s30, $0xb8;
	[tilespmem:$0x1F880] =	vst v63  }
0xf5: {  	_ =	swait.ge [sflag:s28], $0x3E80  }
0xf6: {  	s13 =	stileid.u32;
	[sflag:s28] =	ssyncset.done $0x0  }
0xf7: {  	s10 =	sshll.u32 s13, $0x6;
	[sflag:s28] =	ssyncadd.s32 $0xFFFFC180  }
0xf8: {  	s10 =	sor.u32 $0x1C03, s10;
	s14 =	sshrl.u32 s5, $0x3;
	[bflag:$0x0] =	sbarrier.arrive $0xFFFF  }
0xf9: {  	[hbm:s22], [sflag:s10] =	dma.local [spmem:s14], $0x2700  }
0xfa: {  	_ =	swait.ge [sflag:s28], $0x2700  }
0xfb: {  	s2 =	sadd.s32 $0x1, s2;
	[sflag:s28] =	ssyncset.done $0x0  }
0xfc: {  	s11 =	sshrl.u32 @!p0 s23, $0x3;
	p1 =	sne.s32 s2, s25;
	[sflag:s28] =	ssyncadd.s32 $0xFFFFD900  }
0xfd: {  	[hbm:s24], [sflag:s10] =	dma.local @!p0 [spmem:s11], $0x100  }
.Ltmp3:
0xfe: {  	_ = 	snop;
	(pc) =	sbr.rel @p1 .LBB2_1-.Ltmp3, $4  }
0xff: {  	s10 =	simm.s32 @!p0 $0x3  }
0x100: {  	_ =	swait.ge @!p0 [sflag:s10], $0x100  }
0x101: {  	[sflag:s10] =	ssyncset.done @!p0 $0x0  }
0x102: {  	[sflag:s10] =	ssyncadd.s32 @!p0 $0xFFFFFF00  }
0x103: {  	_ =	sfence.sel $0x180000  }
0x104: {  	[bflag:$0x0] =	sbarrier.arrive $0xFFFF  }
0x105: {  	_ =	strace $0x9000004A  }
0x106: {  	[bflag:$0x2] =	sbarrier.arrive $0xFFFF  }
0x107: {  	s0 =	rddreg [dreg:$0x2]  }
0x108: {  	s0 =	sadd.s32 @!p0 $0x100000, s0  }
0x109: {  	[sflag:s0] =	ssyncadd.tile.s32 @!p0 $0x1;
	_ =	shalt  }
.Lfunc_end2:
_tile_overlayer_lowered:
.L_overlay_start_2:
0x10a: {  	(tag) =	ssettag $0x2  }
0x10b: {  	s0 =	rddreg [dreg:$0x0];
	s2 =	stileid.u32  }
0x10c: {  	s1 =	rddreg [dreg:$0x1];
	p0 =	sne.s32 s2, $0x0  }
0x10d: {  	s3 =	rddreg [dreg:$0x2];
	[bflag:$0x3] =	sbarrier.arrive $0xFFFF;
	s2 =	simm.s32 @!p0 $0x1C03  }
0x10e: {  	[timem:s3], [sflag:s2] =	dma.local @!p0 [hbm:s0], s1  }
0x10f: {  	s0 =	simm.s32 @!p0 $0x3  }
0x110: {  	_ =	swait.ge @!p0 [sflag:s0], s1  }
0x111: {  	s1 =	ssub.s32 @!p0 $0x0, s1;
	[sflag:s0] =	ssyncset.done @!p0 $0x0  }
0x112: {  	[sflag:s0] =	ssyncadd.s32 @!p0 s1  }
0x113: {  	[bflag:$0x3] =	sbarrier.arrive $0xFFFF  }
0x114: {  	_ =	shalt  }

// kernel: kernel.7.cloned.1.call-start
scs
__scs_entry_jumppad:
0x0: {  	(pc) =	sbr.rel $0x88, $3  }
0x1: {  	(tag) =	ssettag $0x0;
	lr =	simm.s32 $0x1  }
0x2: {  	[smem:$0x3F8E] =	sst lr;
	_ =	strace $0xD0000000  }
0x3: {  	_ = 	snop  }
0x4: {  	_ = 	snop  }
0x5: {  	_ = 	snop  }
0x6: {  	_ = 	snop  }
0x7: {  	_ = 	snop  }
__scs_overlays_trampoline_lowered:
0x8: {  	[smem:$0x3F9D] =	sst s0  }
0x9: {  	[smem:$0x3F9E] =	sst s1  }
0xa: {  	[smem:$0x3F9F] =	sst s2  }
0xb: {  	[smem:$0x3FA0] =	sst s3  }
0xc: {  	[smem:$0x3FA1] =	sst s4  }
0xd: {  	[smem:$0x3FA2] =	sst s5  }
0xe: {  	[smem:$0x3FA3] =	sst s6  }
0xf: {  	[smem:$0x3FA4] =	sst s7  }
0x10: {  	[smem:$0x3FA5] =	sst s8  }
0x11: {  	[smem:$0x3FA6] =	sst s9;
	s0 =	simm.s32 @!p0 $0x0  }
0x12: {  	s1 =	sld [smem:$0x3F8C];
	s0 =	simm.s32 @p0 $0x1  }
0x13: {  	[smem:$0x3FA7] =	sst s0;
	s0 =	simm.s32 @!p1 $0x0  }
0x14: {  	s2 =	sld [smem:$0x3F8B];
	s0 =	simm.s32 @p1 $0x1  }
0x15: {  	[smem:$0x3FA8] =	sst s0;
	s0 =	simm.s32 @!p2 $0x0  }
0x16: {  	s3 =	sld [smem:$0x3FDB];
	s0 =	simm.s32 @p2 $0x1  }
0x17: {  	s4 =	simm.s32 $0x1BF5;
	[smem:$0x3FAA] =	sst s0  }
0x18: {  	s0 =	sld [smem:$0x3F8D];
	_ =	swait.ge [sflag:s4], $0x0  }
0x19: {  	s7 =	sld [smem:$0x3F8E]  }
0x1a: {  	s8 =	sadd.s32 $0xFFFFE003, lr  }
0x1b: {  	s9 =	sadd.s32 $0xFFFFFEF7, lr;
	s5 =	simm.s32 $0xFFFFFFFF;
	p2 =	slt.u32 s8, $0xFFFFF086  }
0x1c: {  	p1 =	slt.u32 s9, $0xF7A;
	s5 =	simm.s32 @!p2 $0x0  }
0x1d: {  	s5 =	simm.s32 @p1 $0x1;
	p0 =	seq.s32 s7, s2  }
0x1e: {  	s7 =	smul.u32 @!p0 $0xF7A, s2;
	p2 =	seq.s32 @!p0 s5, $0x0  }
0x1f: {  	s9 =	smul.u32 $0xF7A, s1;
	s8 =	simm.s32 @!p0 $0x1BF5;
	p2 =	por !p2, p0  }
0x20: {  	[sflag:s8] =	ssyncset.s32 @!p0 $0xFFFFF086;
	s6 =	sadd.s32 @!p0 s3, s7;
	s7 =	simm.s32 @!p0 $0x108  }
0x21: {  	s3 =	sadd.s32 s3, s9;
	s6 =	sadd.s32 @!p0 $0x88, s6;
	s7 =	simm.s32 @p2 $0x1082  }
0x22: {  	[simem:s7], [sflag:s8] =	dma.local @!p0 [hbm:s6], $0xF7A  }
0x23: {  	s9 =	sor.u32 $0xD0000000, s2;
	s6 =	simm.s32 $0x108;
	_ =	swait.ge @!p0 [sflag:s8], $0x0  }
0x24: {  	s3 =	sadd.s32 $0x88, s3;
	s6 =	simm.s32 @!p1 $0x1082;
	[sflag:s4] =	ssyncset.s32 $0xFFFFF086  }
0x25: {  	[simem:s6], [sflag:s4] =	dma.local [hbm:s3], $0xF7A  }
0x26: {  	[smem:$0x3F8E] =	sst s1;
	(tag) =	ssettag s2;
	_ =	strace s9  }
0x27: {  	s1 =	sld [smem:$0x3F9E]  }
0x28: {  	s2 =	sld [smem:$0x3F9F]  }
0x29: {  	s4 =	sld [smem:$0x3FA1]  }
0x2a: {  	p0 =	seq.s32 s5, $0x0;
	s5 =	sld [smem:$0x3FA2]  }
0x2b: {  	s6 =	sld [smem:$0x3FA3]  }
0x2c: {  	s7 =	sld [smem:$0x3FA4]  }
0x2d: {  	s3 =	simm.s32 $0x108;
	s8 =	sld [smem:$0x3FA5]  }
0x2e: {  	s3 =	simm.s32 @!p0 $0x1082;
	s9 =	sld [smem:$0x3FA6]  }
0x2f: {  	lr =	sadd.s32 s0, s3;
	s0 =	sld [smem:$0x3F9D]  }
0x30: {  	s3 =	sld [smem:$0x3FA0]  }
0x31: {  	[smem:$0x3FA9] =	sst s10  }
0x32: {  	s10 =	sld [smem:$0x3FA7];
	_ =	sdelay $0x3  }
0x33: {  	p0 =	seq.s32 s10, $0x1;
	s10 =	sld [smem:$0x3FA9];
	_ =	sdelay $0x3  }
0x34: {  	[smem:$0x3FA9] =	sst s10  }
0x35: {  	s10 =	sld [smem:$0x3FA8];
	_ =	sdelay $0x3  }
0x36: {  	p1 =	seq.s32 s10, $0x1;
	s10 =	sld [smem:$0x3FA9];
	_ =	sdelay $0x3  }
0x37: {  	[smem:$0x3FA9] =	sst s10  }
0x38: {  	s10 =	sld [smem:$0x3FAA]  }
0x39: {  	_ = 	snop;
	(pc) =	sbr.ind lr, $3  }
0x3a: {  	_ = 	snop  }
0x3b: {  	_ = 	snop  }
0x3c: {  	p2 =	seq.s32 s10, $0x1;
	s10 =	sld [smem:$0x3FA9]  }
0x3d: {  	_ =	shalt  }
0x3e: {  	_ =	shalt  }
0x3f: {  	_ =	shalt  }
0x40: {  	_ =	shalt  }
0x41: {  	_ =	shalt  }
0x42: {  	_ =	shalt  }
0x43: {  	_ =	shalt  }
0x44: {  	_ =	shalt  }
0x45: {  	_ =	shalt  }
0x46: {  	_ =	shalt  }
0x47: {  	_ =	shalt  }
0x48: {  	_ =	shalt  }
0x49: {  	_ =	shalt  }
0x4a: {  	_ =	shalt  }
0x4b: {  	_ =	shalt  }
0x4c: {  	_ =	shalt  }
0x4d: {  	_ =	shalt  }
0x4e: {  	_ =	shalt  }
0x4f: {  	_ =	shalt  }
0x50: {  	_ =	shalt  }
0x51: {  	_ =	shalt  }
0x52: {  	_ =	shalt  }
0x53: {  	_ =	shalt  }
0x54: {  	_ =	shalt  }
0x55: {  	_ =	shalt  }
0x56: {  	_ =	shalt  }
0x57: {  	_ =	shalt  }
0x58: {  	_ =	shalt  }
0x59: {  	_ =	shalt  }
0x5a: {  	_ =	shalt  }
0x5b: {  	_ =	shalt  }
0x5c: {  	_ =	shalt  }
0x5d: {  	_ =	shalt  }
0x5e: {  	_ =	shalt  }
0x5f: {  	_ =	shalt  }
0x60: {  	_ =	shalt  }
0x61: {  	_ =	shalt  }
0x62: {  	_ =	shalt  }
0x63: {  	_ =	shalt  }
0x64: {  	_ =	shalt  }
0x65: {  	_ =	shalt  }
0x66: {  	_ =	shalt  }
0x67: {  	_ =	shalt  }
0x68: {  	_ =	shalt  }
0x69: {  	_ =	shalt  }
0x6a: {  	_ =	shalt  }
0x6b: {  	_ =	shalt  }
0x6c: {  	_ =	shalt  }
0x6d: {  	_ =	shalt  }
0x6e: {  	_ =	shalt  }
0x6f: {  	_ =	shalt  }
0x70: {  	_ =	shalt  }
0x71: {  	_ =	shalt  }
0x72: {  	_ =	shalt  }
0x73: {  	_ =	shalt  }
0x74: {  	_ =	shalt  }
0x75: {  	_ =	shalt  }
0x76: {  	_ =	shalt  }
0x77: {  	_ =	shalt  }
0x78: {  	_ =	shalt  }
0x79: {  	_ =	shalt  }
0x7a: {  	_ =	shalt  }
0x7b: {  	_ =	shalt  }
0x7c: {  	_ =	shalt  }
0x7d: {  	_ =	shalt  }
0x7e: {  	_ =	shalt  }
0x7f: {  	_ =	shalt  }
0x80: {  	_ =	shalt  }
0x81: {  	_ =	shalt  }
0x82: {  	_ =	shalt  }
0x83: {  	_ =	shalt  }
0x84: {  	_ =	shalt  }
0x85: {  	_ =	shalt  }
0x86: {  	_ =	shalt  }
0x87: {  	_ =	shalt  }
.Lfunc_end0:
.L_simem_size_0:
called_computation_lowered:
.L_overlay_start_0:
0x88: {  	s2 =	sld [smem:$0x3FD9]  }
0x89: {  	s3 =	sld [smem:$0x3FFE];
	_ =	sdelay $0x1  }
0x8a: {  	s1 =	srdreg.scid  }
0x8b: {  	s0 =	sand.u32 $0x1, s1  }
0x8c: {  	s16 =	sshll.u32 s0, $0xA;
	s2 =	sadd.s32 s3, s2  }
0x8d: {  	s2 =	sadd.s32 s2, s16  }
0x8e: {  	[smem:$0x3FB5] =	sst s2  }
0x8f: {  	_ = 	snop  }
0x90: {  	(tm) =	ssettm $0x1  }
0x91: {  	s17 =	sld [smem:$0x3FFB];
	_ =	sdelay $0x3  }
0x92: {  	_ =	strace s17  }
0x93: {  	s2 =	sld [smem:$0x3FFC];
	_ =	sdelay $0x3  }
0x94: {  	_ =	strace s2  }
0x95: {  	s2 =	sld [smem:$0x3FFD];
	_ =	sdelay $0x3  }
0x96: {  	_ =	strace s2  }
0x97: {  	_ =	strace $0x8FFFFFFF  }
0x98: {  	s18 =	sld [smem:$0x3FDB];
	_ =	sdelay $0x1  }
0x99: {  	s19 =	simm.s32 $_scs_section_size  }
0x9a: {  	s4 =	simm.s32 $_size__tile_overlayer_lowered;
	s5 =	simm.s32 $_tile_overlayer_lowered  }
0x9b: {  	s22 =	simm.s32 $0x1BFF;
	s21 =	sshll.u32 s5, $0x1;
	s2 =	sadd.s32 s19, s18  }
0x9c: {  	s6 =	simm.s32 $0x0;
	s20 =	sshll.u32 s4, $0x1;
	s4 =	sadd.s32 s21, s2  }
0x9d: {  	[timem:s6], [sflag:s22] =	dma.local [hbm:s4], s20  }
0x9e: {  	_ =	swait.ge [sflag:s22], s20  }
0x9f: {  	s3 =	ssub.s32 $0x0, s20;
	[sflag:s22] =	ssyncset.done $0x0  }
0xa0: {  	[sflag:s22] =	ssyncadd.s32 s3;
	_ =	sdelay $0x1  }
0xa1: {  	s23 =	simm.s32 $0x1B8B  }
0xa2: {  	_ =	swait.ge [sflag:s23], $0x1  }
0xa3: {  	[sflag:s23] =	ssyncset.done $0x0  }
0xa4: {  	s25 =	simm.s32 $0x1B8E;
	s24 =	sld [smem:$0x3FFE];
	[sflag:s23] =	ssyncadd.s32 $0xFFFFFFFF  }
0xa5: {  	s26 =	simm.s32 $execute0_lowered;
	[smem:$0x3FD2] =	sst s25  }
0xa6: {  	s4 =	sshll.u32 s26, $0x1;
	_ =	strace $0x80000046;
	[dreg:$0x1] =	wrdreg $0xFFFFFFFF  }
0xa7: {  	s28 =	simm.s32 $_size_execute0_lowered;
	s2 =	sadd.s32 s2, s4;
	[dreg:$0x0] =	wrdreg $0x0  }
0xa8: {  	s4 =	sshll.u32 s28, $0x1;
	[dreg:$0x2] =	wrdreg s2  }
0xa9: {  	[dreg:$0x3] =	wrdreg s4  }
0xaa: {  	[dreg:$0x4] =	wrdreg $0xC0  }
0xab: {  	_ =	task [dreg:s6], $0x5FFFF  }
0xac: {  	[dreg:$0x1] =	wrdreg $0xFFFFFFFF  }
0xad: {  	[dreg:$0x0] =	wrdreg $0x60  }
0xae: {  	[dreg:$0x2] =	wrdreg s24  }
0xaf: {  	[dreg:$0x3] =	wrdreg $0xC0000  }
0xb0: {  	[dreg:$0x4] =	wrdreg $0x9  }
0xb1: {  	_ =	task.clear_ibuf [dreg:s6], $0x5FFFF;
	_ =	strace $0x90000046  }
0xb2: {  	s29 =	simm.s32 $0x9;
	_ =	strace $0x80000048  }
0xb3: {  	_ =	swait.ge [sflag:s29], $0x1  }
0xb4: {  	[sflag:s29] =	ssyncadd.s32 $0xFFFFFFFF  }
0xb5: {  	_ =	strace $0x90000048  }
0xb6: {  	_ =	sfence  }
0xb7: {  	s30 =	sld [smem:$0x0];
	_ =	sdelay $0x2  }
0xb8: {  	s31 =	sshll.u32 s1, $0xD;
	s1 =	sshrl.u32 s1, $0x2  }
0xb9: {  	s3 =	sand.u32 $0x4000, s31;
	s1 =	sadd.s32 s1, s30  }
0xba: {  	s0 =	sor.u32 s3, s0;
	s1 =	sshll.u32 s1, $0x11  }
0xbb: {  	s0 =	sor.u32 s1, s0  }
0xbc: {  	s0 =	sadd.s32 $0x8F2B, s0  }
0xbd: {  	[sflag:s0] =	ssyncadd.remote.s32 $0x1  }
0xbe: {  	_ =	sfence.sel $0xFFFF  }
0xbf: {  	[dreg:$0x0] =	wrdreg $0xFFFFFFFF;
	(pc) =	sbr.abs _section_cstart, $3  }
0xc0: {  	[dreg:$0x1] =	wrdreg $0xFFFFFFFF  }
0xc1: {  	_ =	task.clear_ibuf [dreg:s6], $0x2FFFF;
	_ =	strace $0x9FFFFFFF  }
0xc2: {  	(tm) =	ssettm $0x7FFFFFFF  }
0xc3: {  	_ =	shalt  }
tec
execute0_lowered:
.L_overlay_start_1:
0x0: {  	(tag) =	ssettag $0x1  }
0x1: {  	s0 =	rddreg [dreg:$0x0]  }
0x2: {  	s1 =	rddreg [dreg:$0x1];
	s2 =	simm.s32 $0x0;
	s3 =	srdreg.scid  }
0x3: {  	s12 =	stileid.u32;
	s28 =	simm.s32 $0x3;
	s29 =	simm.s32 $0x1400  }
0x4: {  	s30 =	simm.s32 $0x7D;
	s31 =	simm.s32 $0x2800;
	[smem:$0x7FF] =	sst s2  }
0x5: {  	s4 =	sadd.s32 $0x1A00, s0;
	s3 =	sand.u32 $0x1, s3;
	s5 =	smul.u32 $0x4E000, s12  }
0x6: {  	s6 =	sadd.s32 $0x28C00, s0;
	s7 =	sadd.s32 $0x32C00, s0;
	s0 =	sadd.s32 $0x3CC00, s0  }
0x7: {  	s25 =	smul.u32 $0x13800, s12;
	p0 =	sne.s32 s12, $0x0;
	s5 =	sshrl.u32 s5, $0x2  }
0x8: {  	_ =	strace $0x80000047;
	s8 =	ssub.s32 $0x2, s3;
	s5 =	sadd.s32 s5, s1  }
0x9: {  	s16 =	sshll.u32 s3, $0x4;
	s3 =	smul.u32 $0x138800, s3;
	s10 =	sadd.s32 $0x1800, s5  }
0xa: {  	s9 =	sshrl.u32 s8, $0x1;
	s17 =	sadd.s32 $0x3000, s5;
	[dreg:$0x3] =	wrdreg s10  }
0xb: {  	s8 =	ssub.s32 s8, s9;
	s18 =	sadd.s32 $0x4800, s5;
	[dreg:$0x4] =	wrdreg s17  }
0xc: {  	s9 =	sor.u32 s12, s16;
	s19 =	sadd.s32 $0x6000, s5;
	[dreg:$0x5] =	wrdreg s18  }
0xd: {  	s26 =	sadd.s32 s25, s3;
	s20 =	sadd.s32 $0x7800, s5;
	[dreg:$0x6] =	wrdreg s19  }
0xe: {  	s3 =	sshrl.u32 s3, $0x3;
	s21 =	sadd.s32 $0x9000, s5;
	[dreg:$0x7] =	wrdreg s20  }
0xf: {  	s22 =	sadd.s32 $0xA800, s5;
	s9 =	smul.u32 $0x2800, s9;
	[dreg:$0x8] =	wrdreg s21  }
0x10: {  	s23 =	sadd.s32 $0xC000, s5;
	s24 =	sadd.s32 $0xD800, s5;
	[dreg:$0x9] =	wrdreg s22  }
0x11: {  	s15 =	sadd.s32 $0xF000, s5;
	s16 =	sadd.s32 $0x10800, s5;
	[dreg:$0xa] =	wrdreg s23  }
0x12: {  	s25 =	smax.u32 s8, $0x1;
	s8 =	simm.s32 $0x2700;
	[dreg:$0xb] =	wrdreg s24  }
0x13: {  	s21 =	sadd.s32 $0x12000, s5;
	s23 =	sadd.s32 $0x138000, s1;
	s9 =	sshrl.u32 s9, $0x3  }
0x14: {  	s17 =	sadd.s32 s6, s9;
	s11 =	sadd.s32 $0x280, s9;
	s18 =	sadd.s32 s7, s9  }
0x15: {  	s9 =	simm.s32 $0x2780;
	s19 =	sadd.s32 s6, s11;
	s20 =	sadd.s32 s7, s11  }
0x16: {  	s6 =	sshrl.u32 s26, $0x3;
	s26 =	simm.s32 $0xA800;
	s7 =	simm.s32 $0x1380  }
0x17: {  	s22 =	sadd.s32 s0, s6;
	s0 =	sadd.s32 s0, s3;
	s3 =	simm.s32 $0x1  }
0x18: {  	v0 =	vimm.f32 $0.0e+00;
	s6 =	simm.s32 $0x2;
	s24 =	sadd.s32 $0x27000, s0;
	s0 =	simm.s32 $0x6800  }
.LBB2_1:
0x19: {  	s10 =	simm.s32 $0x0;
	s11 =	simm.s32 $0x200  }
.LBB2_2:
0x1a: {  	p1 =	sne.s32 s11, $0x5E00;
	[tilespmem:s10+$0xA870] =	vst v0  }
0x1b: {  	[tilespmem:s10+$0xA800] =	vst v0  }
0x1c: {  	[tilespmem:s10+$0xA810] =	vst v0  }
.Ltmp0:
0x1d: {  	[tilespmem:s10+$0xA820] =	vst v0;
	(pc) =	sbr.rel @p1 .LBB2_2-.Ltmp0, $4  }
0x1e: {  	[tilespmem:s10+$0xA830] =	vst v0  }
0x1f: {  	[tilespmem:s10+$0xA840] =	vst v0  }
0x20: {  	[tilespmem:s10+$0xA850] =	vst v0  }
0x21: {  	[tilespmem:s10+$0xA860] =	vst v0;
	s10 =	sshra.s32 s11, $0x2;
	s11 =	sadd.s32 $0x200, s11  }
0x22: {  	[tilespmem:s10+$0xA870] =	vst v0  }
0x23: {  	[tilespmem:s10+$0xA800] =	vst v0  }
0x24: {  	[tilespmem:s10+$0xA810] =	vst v0  }
0x25: {  	[tilespmem:s10+$0xA820] =	vst v0  }
0x26: {  	[tilespmem:s10+$0xA830] =	vst v0  }
0x27: {  	[tilespmem:s10+$0xA840] =	vst v0  }
0x28: {  	[tilespmem:s10+$0xA850] =	vst v0  }
0x29: {  	[tilespmem:s10+$0xA860] =	vst v0  }
0x2a: {  	[spmem:s5] =	stream.linear.scatter [tilespmem:s26], [sflag:$0x3], $0x1800, $0x38;
	[tilespmem:$0x1F880] =	vst v63  }
0x2b: {  	_ =	swait.ge [sflag:s28], $0x1800  }
0x2c: {  	[sflag:s28] =	ssyncset.done $0x0  }
0x2d: {  	s13 =	rddreg [dreg:$0x3];
	[sflag:s28] =	ssyncadd.s32 $0xFFFFE800  }
0x2e: {  	[spmem:s13] =	stream.linear.scatter [tilespmem:s26], [sflag:$0x3], $0x1800, $0x38;
	[tilespmem:$0x1F880] =	vst v63  }
0x2f: {  	_ =	swait.ge [sflag:s28], $0x1800  }
0x30: {  	[sflag:s28] =	ssyncset.done $0x0  }
0x31: {  	s14 =	rddreg [dreg:$0x4];
	[sflag:s28] =	ssyncadd.s32 $0xFFFFE800  }
0x32: {  	[spmem:s14] =	stream.linear.scatter [tilespmem:s26], [sflag:$0x3], $0x1800, $0x38;
	[tilespmem:$0x1F880] =	vst v63  }
0x33: {  	_ =	swait.ge [sflag:s28], $0x1800  }
0x34: {  	[sflag:s28] =	ssyncset.done $0x0  }
0x35: {  	s11 =	rddreg [dreg:$0x5];
	[sflag:s28] =	ssyncadd.s32 $0xFFFFE800  }
0x36: {  	[spmem:s11] =	stream.linear.scatter [tilespmem:s26], [sflag:$0x3], $0x1800, $0x38;
	[tilespmem:$0x1F880] =	vst v63  }
0x37: {  	_ =	swait.ge [sflag:s28], $0x1800  }
0x38: {  	[sflag:s28] =	ssyncset.done $0x0  }
0x39: {  	s12 =	rddreg [dreg:$0x6];
	[sflag:s28] =	ssyncadd.s32 $0xFFFFE800  }
0x3a: {  	[spmem:s12] =	stream.linear.scatter [tilespmem:s26], [sflag:$0x3], $0x1800, $0x38;
	[tilespmem:$0x1F880] =	vst v63  }
0x3b: {  	_ =	swait.ge [sflag:s28], $0x1800  }
0x3c: {  	[sflag:s28] =	ssyncset.done $0x0  }
0x3d: {  	s13 =	rddreg [dreg:$0x7];
	[sflag:s28] =	ssyncadd.s32 $0xFFFFE800  }
0x3e: {  	[spmem:s13] =	stream.linear.scatter [tilespmem:s26], [sflag:$0x3], $0x1800, $0x38;
	[tilespmem:$0x1F880] =	vst v63  }
0x3f: {  	_ =	swait.ge [sflag:s28], $0x1800  }
0x40: {  	[sflag:s28] =	ssyncset.done $0x0  }
0x41: {  	s14 =	rddreg [dreg:$0x8];
	[sflag:s28] =	ssyncadd.s32 $0xFFFFE800  }
0x42: {  	[spmem:s14] =	stream.linear.scatter [tilespmem:s26], [sflag:$0x3], $0x1800, $0x38;
	[tilespmem:$0x1F880] =	vst v63  }
0x43: {  	_ =	swait.ge [sflag:s28], $0x1800  }
0x44: {  	[sflag:s28] =	ssyncset.done $0x0  }
0x45: {  	s11 =	rddreg [dreg:$0x9];
	[sflag:s28] =	ssyncadd.s32 $0xFFFFE800  }
0x46: {  	[spmem:s11] =	stream.linear.scatter [tilespmem:s26], [sflag:$0x3], $0x1800, $0x38;
	[tilespmem:$0x1F880] =	vst v63  }
0x47: {  	_ =	swait.ge [sflag:s28], $0x1800  }
0x48: {  	[sflag:s28] =	ssyncset.done $0x0  }
0x49: {  	s12 =	rddreg [dreg:$0xa];
	[sflag:s28] =	ssyncadd.s32 $0xFFFFE800  }
0x4a: {  	[spmem:s12] =	stream.linear.scatter [tilespmem:s26], [sflag:$0x3], $0x1800, $0x38;
	[tilespmem:$0x1F880] =	vst v63  }
0x4b: {  	_ =	swait.ge [sflag:s28], $0x1800  }
0x4c: {  	[sflag:s28] =	ssyncset.done $0x0  }
0x4d: {  	s13 =	rddreg [dreg:$0xb];
	[sflag:s28] =	ssyncadd.s32 $0xFFFFE800  }
0x4e: {  	[spmem:s13] =	stream.linear.scatter [tilespmem:s26], [sflag:$0x3], $0x1800, $0x38;
	[tilespmem:$0x1F880] =	vst v63  }
0x4f: {  	_ =	swait.ge [sflag:s28], $0x1800  }
0x50: {  	[sflag:s28] =	ssyncset.done $0x0  }
0x51: {  	[sflag:s28] =	ssyncadd.s32 $0xFFFFE800  }
0x52: {  	[spmem:s15] =	stream.linear.scatter [tilespmem:s26], [sflag:$0x3], $0x1800, $0x38;
	[tilespmem:$0x1F880] =	vst v63  }
0x53: {  	_ =	swait.ge [sflag:s28], $0x1800  }
0x54: {  	[sflag:s28] =	ssyncset.done $0x0  }
0x55: {  	[sflag:s28] =	ssyncadd.s32 $0xFFFFE800  }
0x56: {  	[spmem:s16] =	stream.linear.scatter [tilespmem:s26], [sflag:$0x3], $0x1800, $0x38;
	[tilespmem:$0x1F880] =	vst v63  }
0x57: {  	_ =	swait.ge [sflag:s28], $0x1800  }
0x58: {  	[sflag:s28] =	ssyncset.done $0x0  }
0x59: {  	[sflag:s28] =	ssyncadd.s32 $0xFFFFE800  }
0x5a: {  	[spmem:s21] =	stream.linear.scatter [tilespmem:s26], [sflag:$0x3], $0x1800, $0x38;
	[tilespmem:$0x1F880] =	vst v63  }
0x5b: {  	_ =	swait.ge [sflag:s28], $0x1800  }
0x5c: {  	[sflag:s28] =	ssyncset.done $0x0  }
0x5d: {  	s10 =	simm.s32 @!p0 $0xA800;
	[sflag:s28] =	ssyncadd.s32 $0xFFFFE800  }
0x5e: {  	[spmem:s23] =	stream.linear.scatter @!p0 [tilespmem:s10], [sflag:$0x3], $0x800, $0x38;
	[tilespmem:$0x1F880] =	vst v63  }
0x5f: {  	s10 =	simm.s32 @!p0 $0x3  }
0x60: {  	_ =	swait.ge @!p0 [sflag:s10], $0x800  }
0x61: {  	[sflag:s10] =	ssyncset.done @!p0 $0x0  }
0x62: {  	[sflag:s10] =	ssyncadd.s32 @!p0 $0xFFFFF800  }
0x63: {  	s14 =	simm.s32 $0x0;
	[bflag:$0x0] =	sbarrier.arrive $0xFFFF  }
0x64: {  	[tilespmem:s14], [sflag:$0x3] =	stream.linear.gather [hbm4b:s17+s14], $0x1400, $0x38;
	[tilespmem:$0x1F880] =	vst v63  }
0x65: {  	_ =	swait.ge [sflag:s28], $0x1400  }
0x66: {  	[sflag:s28] =	ssyncset.done $0x0  }
0x67: {  	[sflag:s28] =	ssyncadd.s32 $0xFFFFEC00  }
0x68: {  	[tilespmem:s29], [sflag:$0x3] =	stream.linear.gather [hbm4b:s18+s14], $0x1400, $0x38;
	[tilespmem:$0x1F880] =	vst v63  }
0x69: {  	_ =	swait.ge [sflag:s28], $0x1400  }
0x6a: {  	[sflag:s28] =	ssyncset.done $0x0  }
0x6b: {  	[sflag:s28] =	ssyncadd.s32 $0xFFFFEC00  }
0x6c: {  	[tilespmem:s31], [sflag:$0x1] =	stream.indirect.gather [hbm4b:s4+s30], $0x80, s14, s30, $0xb8;
	[tilespmem:$0x1F880] =	vst v63  }
0x6d: {  	s11 =	simm.s32 $0x80  }
0x6e: {  	[tilespmem:s0], [sflag:$0x2] =	stream.indirect.gather [hbm4b:s4+s30], $0x80, s11, s30, $0xb8;
	[tilespmem:$0x1F880] =	vst v63  }
0x6f: {  	_ =	swait.ge [sflag:s3], $0x3E80  }
0x70: {  	[sflag:s3] =	ssyncset.done $0x0  }
0x71: {  	s12 =	simm.s32 $0x1400;
	[sflag:s3] =	ssyncadd.s32 $0xFFFFC180  }
0x72: {  	[spmem:s1] =	stream.indirect.scatter.add.f32 [tilespmem:s31], [sflag:$0x3], $0x80, s12, s30, $0xb8;
	[tilespmem:$0x1F880] =	vst v63  }
0x73: {  	_ =	swait.ge [sflag:s28], $0x3E80  }
0x74: {  	[sflag:s28] =	ssyncset.done $0x0  }
0x75: {  	s13 =	simm.s32 $0x100;
	[sflag:s28] =	ssyncadd.s32 $0xFFFFC180  }
0x76: {  	[tilespmem:s31], [sflag:$0x1] =	stream.indirect.gather [hbm4b:s4+s30], $0x80, s13, s30, $0xb8;
	[tilespmem:$0x1F880] =	vst v63  }
0x77: {  	_ =	swait.ge [sflag:s6], $0x3E80  }
0x78: {  	[sflag:s6] =	ssyncset.done $0x0  }
0x79: {  	s14 =	simm.s32 $0x1480;
	[sflag:s6] =	ssyncadd.s32 $0xFFFFC180  }
0x7a: {  	[spmem:s1] =	stream.indirect.scatter.add.f32 [tilespmem:s0], [sflag:$0x3], $0x80, s14, s30, $0xb8;
	[tilespmem:$0x1F880] =	vst v63  }
0x7b: {  	_ =	swait.ge [sflag:s28], $0x3E80  }
0x7c: {  	s10 =	simm.s32 $0x100;
	s11 =	simm.s32 $0x800;
	[sflag:s28] =	ssyncset.done $0x0  }
.LBB2_4:
0x7d: {  	s12 =	sadd.s32 $0x80, s10  }
0x7e: {  	[sflag:s28] =	ssyncadd.s32 $0xFFFFC180;
	s13 =	smov.u32 s11;
	s14 =	sadd.s32 $0x400, s11  }
0x7f: {  	[tilespmem:s0], [sflag:$0x2] =	stream.indirect.gather [hbm4b:s4+s30], $0x80, s12, s30, $0xb8;
	[tilespmem:$0x1F880] =	vst v63  }
0x80: {  	p1 =	sne.s32 s11, $0x4800;
	_ =	swait.ge [sflag:s3], $0x3E80  }
0x81: {  	[sflag:s3] =	ssyncset.done $0x0  }
0x82: {  	s11 =	sadd.s32 $0x1400, s10;
	[sflag:s3] =	ssyncadd.s32 $0xFFFFC180  }
0x83: {  	[spmem:s1] =	stream.indirect.scatter.add.f32 [tilespmem:s31], [sflag:$0x3], $0x80, s11, s30, $0xb8;
	[tilespmem:$0x1F880] =	vst v63  }
0x84: {  	_ =	swait.ge [sflag:s28], $0x3E80  }
0x85: {  	[sflag:s28] =	ssyncset.done $0x0  }
0x86: {  	s11 =	sadd.s32 $0x100, s10;
	[sflag:s28] =	ssyncadd.s32 $0xFFFFC180  }
0x87: {  	[tilespmem:s31], [sflag:$0x1] =	stream.indirect.gather [hbm4b:s4+s30], $0x80, s11, s30, $0xb8;
	[tilespmem:$0x1F880] =	vst v63  }
0x88: {  	_ =	swait.ge [sflag:s6], $0x3E80  }
.Ltmp1:
0x89: {  	[sflag:s6] =	ssyncset.done $0x0;
	(pc) =	sbr.rel @p1 .LBB2_4-.Ltmp1, $4  }
0x8a: {  	s10 =	sadd.s32 $0x1480, s10;
	[sflag:s6] =	ssyncadd.s32 $0xFFFFC180  }
0x8b: {  	[spmem:s1] =	stream.indirect.scatter.add.f32 [tilespmem:s0], [sflag:$0x3], $0x80, s10, s30, $0xb8;
	[tilespmem:$0x1F880] =	vst v63  }
0x8c: {  	_ =	swait.ge [sflag:s28], $0x3E80  }
0x8d: {  	s11 =	smov.u32 s14;
	s10 =	sshra.s32 s13, $0x2;
	[sflag:s28] =	ssyncset.done $0x0  }
0x8e: {  	s11 =	sadd.s32 $0x80, s10;
	[sflag:s28] =	ssyncadd.s32 $0xFFFFC180  }
0x8f: {  	[tilespmem:s0], [sflag:$0x2] =	stream.indirect.gather [hbm4b:s4+s30], $0x80, s11, s30, $0xb8;
	[tilespmem:$0x1F880] =	vst v63  }
0x90: {  	_ =	swait.ge [sflag:s3], $0x3E80  }
0x91: {  	[sflag:s3] =	ssyncset.done $0x0  }
0x92: {  	s14 =	sadd.s32 $0x1400, s10;
	[sflag:s3] =	ssyncadd.s32 $0xFFFFC180  }
0x93: {  	[spmem:s1] =	stream.indirect.scatter.add.f32 [tilespmem:s31], [sflag:$0x3], $0x80, s14, s30, $0xb8;
	[tilespmem:$0x1F880] =	vst v63  }
0x94: {  	_ =	swait.ge [sflag:s28], $0x3E80  }
0x95: {  	[sflag:s28] =	ssyncset.done $0x0  }
0x96: {  	s12 =	sadd.s32 $0x100, s10;
	[sflag:s28] =	ssyncadd.s32 $0xFFFFC180  }
0x97: {  	[tilespmem:s31], [sflag:$0x1] =	stream.indirect.gather [hbm4b:s4+s30], $0x80, s12, s30, $0xb8;
	[tilespmem:$0x1F880] =	vst v63  }
0x98: {  	_ =	swait.ge [sflag:s6], $0x3E80  }
0x99: {  	[sflag:s6] =	ssyncset.done $0x0  }
0x9a: {  	s13 =	sadd.s32 $0x1480, s10;
	[sflag:s6] =	ssyncadd.s32 $0xFFFFC180  }
0x9b: {  	[spmem:s1] =	stream.indirect.scatter.add.f32 [tilespmem:s0], [sflag:$0x3], $0x80, s13, s30, $0xb8;
	[tilespmem:$0x1F880] =	vst v63  }
0x9c: {  	_ =	swait.ge [sflag:s28], $0x3E80  }
0x9d: {  	[sflag:s28] =	ssyncset.done $0x0  }
0x9e: {  	[sflag:s28] =	ssyncadd.s32 $0xFFFFC180  }
0x9f: {  	[tilespmem:s0], [sflag:$0x2] =	stream.indirect.gather [hbm4b:s4+s30], $0x80, s7, s30, $0xb8;
	[tilespmem:$0x1F880] =	vst v63  }
0xa0: {  	_ =	swait.ge [sflag:s3], $0x3E80  }
0xa1: {  	[sflag:s3] =	ssyncset.done $0x0  }
0xa2: {  	[sflag:s3] =	ssyncadd.s32 $0xFFFFC180  }
0xa3: {  	[spmem:s1] =	stream.indirect.scatter.add.f32 [tilespmem:s31], [sflag:$0x3], $0x80, s8, s30, $0xb8;
	[tilespmem:$0x1F880] =	vst v63  }
0xa4: {  	_ =	swait.ge [sflag:s28], $0x3E80  }
0xa5: {  	[sflag:s28] =	ssyncset.done $0x0  }
0xa6: {  	[sflag:s28] =	ssyncadd.s32 $0xFFFFC180  }
0xa7: {  	_ =	swait.ge [sflag:s6], $0x3E80  }
0xa8: {  	[sflag:s6] =	ssyncset.done $0x0  }
0xa9: {  	[sflag:s6] =	ssyncadd.s32 $0xFFFFC180  }
0xaa: {  	[spmem:s1] =	stream.indirect.scatter.add.f32 [tilespmem:s0], [sflag:$0x3], $0x80, s9, s30, $0xb8;
	[tilespmem:$0x1F880] =	vst v63  }
0xab: {  	_ =	swait.ge [sflag:s28], $0x3E80  }
0xac: {  	[sflag:s28] =	ssyncset.done $0x0  }
0xad: {  	s14 =	simm.s32 $0x0;
	[sflag:s28] =	ssyncadd.s32 $0xFFFFC180  }
0xae: {  	[tilespmem:s14], [sflag:$0x3] =	stream.linear.gather [hbm4b:s19+s14], $0x1400, $0x38;
	[tilespmem:$0x1F880] =	vst v63  }
0xaf: {  	_ =	swait.ge [sflag:s28], $0x1400  }
0xb0: {  	[sflag:s28] =	ssyncset.done $0x0  }
0xb1: {  	[sflag:s28] =	ssyncadd.s32 $0xFFFFEC00  }
0xb2: {  	[tilespmem:s29], [sflag:$0x3] =	stream.linear.gather [hbm4b:s20+s14], $0x1400, $0x38;
	[tilespmem:$0x1F880] =	vst v63  }
0xb3: {  	_ =	swait.ge [sflag:s28], $0x1400  }
0xb4: {  	[sflag:s28] =	ssyncset.done $0x0  }
0xb5: {  	[sflag:s28] =	ssyncadd.s32 $0xFFFFEC00  }
0xb6: {  	[tilespmem:s31], [sflag:$0x1] =	stream.indirect.gather [hbm4b:s4+s30], $0x80, s14, s30, $0xb8;
	[tilespmem:$0x1F880] =	vst v63  }
0xb7: {  	s11 =	simm.s32 $0x80  }
0xb8: {  	[tilespmem:s0], [sflag:$0x2] =	stream.indirect.gather [hbm4b:s4+s30], $0x80, s11, s30, $0xb8;
	[tilespmem:$0x1F880] =	vst v63  }
0xb9: {  	_ =	swait.ge [sflag:s3], $0x3E80  }
0xba: {  	[sflag:s3] =	ssyncset.done $0x0  }
0xbb: {  	s12 =	simm.s32 $0x1400;
	[sflag:s3] =	ssyncadd.s32 $0xFFFFC180  }
0xbc: {  	[spmem:s1] =	stream.indirect.scatter.add.f32 [tilespmem:s31], [sflag:$0x3], $0x80, s12, s30, $0xb8;
	[tilespmem:$0x1F880] =	vst v63  }
0xbd: {  	_ =	swait.ge [sflag:s28], $0x3E80  }
0xbe: {  	[sflag:s28] =	ssyncset.done $0x0  }
0xbf: {  	s13 =	simm.s32 $0x100;
	[sflag:s28] =	ssyncadd.s32 $0xFFFFC180  }
0xc0: {  	[tilespmem:s31], [sflag:$0x1] =	stream.indirect.gather [hbm4b:s4+s30], $0x80, s13, s30, $0xb8;
	[tilespmem:$0x1F880] =	vst v63  }
0xc1: {  	_ =	swait.ge [sflag:s6], $0x3E80  }
0xc2: {  	[sflag:s6] =	ssyncset.done $0x0  }
0xc3: {  	s14 =	simm.s32 $0x1480;
	[sflag:s6] =	ssyncadd.s32 $0xFFFFC180  }
0xc4: {  	[spmem:s1] =	stream.indirect.scatter.add.f32 [tilespmem:s0], [sflag:$0x3], $0x80, s14, s30, $0xb8;
	[tilespmem:$0x1F880] =	vst v63  }
0xc5: {  	_ =	swait.ge [sflag:s28], $0x3E80  }
0xc6: {  	s10 =	simm.s32 $0x100;
	s11 =	simm.s32 $0x800;
	[sflag:s28] =	ssyncset.done $0x0  }
.LBB2_6:
0xc7: {  	s12 =	sadd.s32 $0x80, s10  }
0xc8: {  	[sflag:s28] =	ssyncadd.s32 $0xFFFFC180;
	s13 =	smov.u32 s11;
	s14 =	sadd.s32 $0x400, s11  }
0xc9: {  	[tilespmem:s0], [sflag:$0x2] =	stream.indirect.gather [hbm4b:s4+s30], $0x80, s12, s30, $0xb8;
	[tilespmem:$0x1F880] =	vst v63  }
0xca: {  	p1 =	sne.s32 s11, $0x4800;
	_ =	swait.ge [sflag:s3], $0x3E80  }
0xcb: {  	[sflag:s3] =	ssyncset.done $0x0  }
0xcc: {  	s11 =	sadd.s32 $0x1400, s10;
	[sflag:s3] =	ssyncadd.s32 $0xFFFFC180  }
0xcd: {  	[spmem:s1] =	stream.indirect.scatter.add.f32 [tilespmem:s31], [sflag:$0x3], $0x80, s11, s30, $0xb8;
	[tilespmem:$0x1F880] =	vst v63  }
0xce: {  	_ =	swait.ge [sflag:s28], $0x3E80  }
0xcf: {  	[sflag:s28] =	ssyncset.done $0x0  }
0xd0: {  	s11 =	sadd.s32 $0x100, s10;
	[sflag:s28] =	ssyncadd.s32 $0xFFFFC180  }
0xd1: {  	[tilespmem:s31], [sflag:$0x1] =	stream.indirect.gather [hbm4b:s4+s30], $0x80, s11, s30, $0xb8;
	[tilespmem:$0x1F880] =	vst v63  }
0xd2: {  	_ =	swait.ge [sflag:s6], $0x3E80  }
.Ltmp2:
0xd3: {  	[sflag:s6] =	ssyncset.done $0x0;
	(pc) =	sbr.rel @p1 .LBB2_6-.Ltmp2, $4  }
0xd4: {  	s10 =	sadd.s32 $0x1480, s10;
	[sflag:s6] =	ssyncadd.s32 $0xFFFFC180  }
0xd5: {  	[spmem:s1] =	stream.indirect.scatter.add.f32 [tilespmem:s0], [sflag:$0x3], $0x80, s10, s30, $0xb8;
	[tilespmem:$0x1F880] =	vst v63  }
0xd6: {  	_ =	swait.ge [sflag:s28], $0x3E80  }
0xd7: {  	s11 =	smov.u32 s14;
	s10 =	sshra.s32 s13, $0x2;
	[sflag:s28] =	ssyncset.done $0x0  }
0xd8: {  	s11 =	sadd.s32 $0x80, s10;
	[sflag:s28] =	ssyncadd.s32 $0xFFFFC180  }
0xd9: {  	[tilespmem:s0], [sflag:$0x2] =	stream.indirect.gather [hbm4b:s4+s30], $0x80, s11, s30, $0xb8;
	[tilespmem:$0x1F880] =	vst v63  }
0xda: {  	_ =	swait.ge [sflag:s3], $0x3E80  }
0xdb: {  	[sflag:s3] =	ssyncset.done $0x0  }
0xdc: {  	s13 =	sadd.s32 $0x1400, s10;
	[sflag:s3] =	ssyncadd.s32 $0xFFFFC180  }
0xdd: {  	[spmem:s1] =	stream.indirect.scatter.add.f32 [tilespmem:s31], [sflag:$0x3], $0x80, s13, s30, $0xb8;
	[tilespmem:$0x1F880] =	vst v63  }
0xde: {  	_ =	swait.ge [sflag:s28], $0x3E80  }
0xdf: {  	[sflag:s28] =	ssyncset.done $0x0  }
0xe0: {  	s14 =	sadd.s32 $0x100, s10;
	[sflag:s28] =	ssyncadd.s32 $0xFFFFC180  }
0xe1: {  	[tilespmem:s31], [sflag:$0x1] =	stream.indirect.gather [hbm4b:s4+s30], $0x80, s14, s30, $0xb8;
	[tilespmem:$0x1F880] =	vst v63  }
0xe2: {  	_ =	swait.ge [sflag:s6], $0x3E80  }
0xe3: {  	[sflag:s6] =	ssyncset.done $0x0  }
0xe4: {  	s12 =	sadd.s32 $0x1480, s10;
	[sflag:s6] =	ssyncadd.s32 $0xFFFFC180  }
0xe5: {  	[spmem:s1] =	stream.indirect.scatter.add.f32 [tilespmem:s0], [sflag:$0x3], $0x80, s12, s30, $0xb8;
	[tilespmem:$0x1F880] =	vst v63  }
0xe6: {  	_ =	swait.ge [sflag:s28], $0x3E80  }
0xe7: {  	[sflag:s28] =	ssyncset.done $0x0  }
0xe8: {  	[sflag:s28] =	ssyncadd.s32 $0xFFFFC180  }
0xe9: {  	[tilespmem:s0], [sflag:$0x2] =	stream.indirect.gather [hbm4b:s4+s30], $0x80, s7, s30, $0xb8;
	[tilespmem:$0x1F880] =	vst v63  }
0xea: {  	_ =	swait.ge [sflag:s3], $0x3E80  }
0xeb: {  	[sflag:s3] =	ssyncset.done $0x0  }
0xec: {  	[sflag:s3] =	ssyncadd.s32 $0xFFFFC180  }
0xed: {  	[spmem:s1] =	stream.indirect.scatter.add.f32 [tilespmem:s31], [sflag:$0x3], $0x80, s8, s30, $0xb8;
	[tilespmem:$0x1F880] =	vst v63  }
0xee: {  	_ =	swait.ge [sflag:s28], $0x3E80  }
0xef: {  	[sflag:s28] =	ssyncset.done $0x0  }
0xf0: {  	[sflag:s28] =	ssyncadd.s32 $0xFFFFC180  }
0xf1: {  	_ =	swait.ge [sflag:s6], $0x3E80  }
0xf2: {  	[sflag:s6] =	ssyncset.done $0x0  }
0xf3: {  	[sflag:s6] =	ssyncadd.s32 $0xFFFFC180  }
0xf4: {  	[spmem:s1] =	stream.indirect.scatter.add.f32 [tilespmem:s0], [sflag:$0x3], $0x80, s9, s30, $0xb8;
	[tilespmem:$0x1F880] =	vst v63  }
0xf5: {  	_ =	swait.ge [sflag:s28], $0x3E80  }
0xf6: {  	s13 =	stileid.u32;
	[sflag:s28] =	ssyncset.done $0x0  }
0xf7: {  	s10 =	sshll.u32 s13, $0x6;
	[sflag:s28] =	ssyncadd.s32 $0xFFFFC180  }
0xf8: {  	s10 =	sor.u32 $0x1C03, s10;
	s14 =	sshrl.u32 s5, $0x3;
	[bflag:$0x0] =	sbarrier.arrive $0xFFFF  }
0xf9: {  	[hbm:s22], [sflag:s10] =	dma.local [spmem:s14], $0x2700  }
0xfa: {  	_ =	swait.ge [sflag:s28], $0x2700  }
0xfb: {  	s2 =	sadd.s32 $0x1, s2;
	[sflag:s28] =	ssyncset.done $0x0  }
0xfc: {  	s11 =	sshrl.u32 @!p0 s23, $0x3;
	p1 =	sne.s32 s2, s25;
	[sflag:s28] =	ssyncadd.s32 $0xFFFFD900  }
0xfd: {  	[hbm:s24], [sflag:s10] =	dma.local @!p0 [spmem:s11], $0x100  }
.Ltmp3:
0xfe: {  	_ = 	snop;
	(pc) =	sbr.rel @p1 .LBB2_1-.Ltmp3, $4  }
0xff: {  	s10 =	simm.s32 @!p0 $0x3  }
0x100: {  	_ =	swait.ge @!p0 [sflag:s10], $0x100  }
0x101: {  	[sflag:s10] =	ssyncset.done @!p0 $0x0  }
0x102: {  	[sflag:s10] =	ssyncadd.s32 @!p0 $0xFFFFFF00  }
0x103: {  	_ =	sfence.sel $0x180000  }
0x104: {  	[bflag:$0x0] =	sbarrier.arrive $0xFFFF  }
0x105: {  	_ =	strace $0x90000047  }
0x106: {  	[bflag:$0x2] =	sbarrier.arrive $0xFFFF  }
0x107: {  	s0 =	rddreg [dreg:$0x2]  }
0x108: {  	s0 =	sadd.s32 @!p0 $0x100000, s0  }
0x109: {  	[sflag:s0] =	ssyncadd.tile.s32 @!p0 $0x1;
	_ =	shalt  }
.Lfunc_end2:
_tile_overlayer_lowered:
.L_overlay_start_2:
0x10a: {  	(tag) =	ssettag $0x2  }
0x10b: {  	s0 =	rddreg [dreg:$0x0];
	s2 =	stileid.u32  }
0x10c: {  	s1 =	rddreg [dreg:$0x1];
	p0 =	sne.s32 s2, $0x0  }
0x10d: {  	s3 =	rddreg [dreg:$0x2];
	[bflag:$0x3] =	sbarrier.arrive $0xFFFF;
	s2 =	simm.s32 @!p0 $0x1C03  }
0x10e: {  	[timem:s3], [sflag:s2] =	dma.local @!p0 [hbm:s0], s1  }
0x10f: {  	s0 =	simm.s32 @!p0 $0x3  }
0x110: {  	_ =	swait.ge @!p0 [sflag:s0], s1  }
0x111: {  	s1 =	ssub.s32 @!p0 $0x0, s1;
	[sflag:s0] =	ssyncset.done @!p0 $0x0  }
0x112: {  	[sflag:s0] =	ssyncadd.s32 @!p0 s1  }
0x113: {  	[bflag:$0x3] =	sbarrier.arrive $0xFFFF  }
0x114: {  	_ =	shalt  }

</sc_bundles>
